<compile_context>
chip_gen: v7x
topology: tpu7x:2x2x1
jax: 0.10.2.dev20260603
libtpu: 0.0.44.dev20260713+nightly
codegen_flags: <defaults>
</compile_context>

<pallas_src>
import functools

import jax
import jax.numpy as jnp
from jax import lax
from jax.experimental import pallas as pl
from jax.experimental.pallas import tpu as pltpu
from jax.experimental.pallas import tpu_sc as plsc

MODEL_DIM = 64
NUM_CORES = 2
NUM_SUBCORES = 16
NUM_WORKERS = NUM_CORES * NUM_SUBCORES
BLK = 128
PITCH = 131
SCALE = 8.0


def _sc_embedding_lookup(table, idx3):
    chunks_per_w = idx3.shape[1]
    n_chunks_total = NUM_WORKERS * chunks_per_w
    seq = 50
    n_blocks = n_chunks_total // seq
    batch = n_blocks * BLK

    mesh = plsc.VectorSubcoreMesh(core_axis_name="c", subcore_axis_name="s")

    @functools.partial(
        pl.kernel,
        mesh=mesh,
        out_type=jax.ShapeDtypeStruct((seq, MODEL_DIM, batch), jnp.float32),
        scratch_types=[
            pltpu.VMEM((chunks_per_w, BLK), jnp.int32),
            pltpu.VMEM((BLK, MODEL_DIM), jnp.float32),
            pltpu.VMEM((BLK, MODEL_DIM), jnp.float32),
            pltpu.VMEM((MODEL_DIM, PITCH), jnp.float32),
            pltpu.VMEM((MODEL_DIM, PITCH), jnp.float32),
            pltpu.SemaphoreType.DMA,
            pltpu.SemaphoreType.DMA,
            pltpu.SemaphoreType.DMA,
            pltpu.SemaphoreType.DMA,
        ],
        compiler_params=pltpu.CompilerParams(
            use_tc_tiling_on_sc=False, needs_layout_passes=False
        ),
    )
    def k(table_hbm, idx_hbm, out_hbm, idx_v, rows_a, rows_b, outb_a, outb_b,
          g_a, g_b, o_a, o_b):
        cid = lax.axis_index("c")
        sid = lax.axis_index("s")
        wid = sid * NUM_CORES + cid
        gbase = wid * chunks_per_w
        pltpu.sync_copy(idx_hbm.at[wid], idx_v)

        def start_gather(c, rows_ref, sem):
            pltpu.async_copy(table_hbm.at[idx_v.at[c]], rows_ref, sem)

        def wait_gather(rows_ref, sem):
            pltpu.make_async_copy(
                table_hbm.at[pl.ds(0, BLK)], rows_ref, sem
            ).wait()

        def transpose_scale(rows_ref, outb_ref):
            lane = lax.iota(jnp.int32, 16)

            @plsc.parallel_loop(0, BLK, 1, unroll=8)
            def _(t):
                tvec = jnp.full((16,), t, jnp.int32)
                for d0 in range(MODEL_DIM // 16):
                    dvec = lane + (d0 * 16)
                    vals = rows_ref[t, pl.ds(d0 * 16, 16)]
                    plsc.store_scatter(outb_ref, [dvec, tvec], vals * SCALE)

        def start_out(c, outb_ref, sem):
            g = gbase + c
            s = g // n_blocks
            b0 = (g % n_blocks) * BLK
            pltpu.async_copy(
                outb_ref.at[:, pl.ds(0, BLK)],
                out_hbm.at[s, :, pl.ds(b0, BLK)],
                sem,
            )

        def wait_out(outb_ref, sem):
            pltpu.make_async_copy(
                outb_ref.at[:, pl.ds(0, BLK)],
                out_hbm.at[0, :, pl.ds(0, BLK)],
                sem,
            ).wait()

        start_gather(0, rows_a, g_a)
        start_gather(1, rows_b, g_b)

        def body(i, carry):
            c0 = 2 * i
            wait_gather(rows_a, g_a)

            @pl.when(i > 0)
            def _():
                wait_out(outb_a, o_a)

            transpose_scale(rows_a, outb_a)
            start_out(c0, outb_a, o_a)

            @pl.when(i < chunks_per_w // 2 - 1)
            def _():
                start_gather(c0 + 2, rows_a, g_a)

            wait_gather(rows_b, g_b)

            @pl.when(i > 0)
            def _():
                wait_out(outb_b, o_b)

            transpose_scale(rows_b, outb_b)
            start_out(c0 + 1, outb_b, o_b)

            @pl.when(i < chunks_per_w // 2 - 1)
            def _():
                start_gather(c0 + 3, rows_b, g_b)

            return carry

        lax.fori_loop(0, chunks_per_w // 2, body, 0)
        wait_out(outb_a, o_a)
        wait_out(outb_b, o_b)

    return k(table, idx3)


TPITCH = 133


def _sc_table_transpose(tableT, tail):
    v = tableT.shape[1]
    n_full = v // BLK
    n_chunks = n_full + 1
    per_w = -(-n_chunks // NUM_WORKERS)
    per_w += per_w % 2

    mesh = plsc.VectorSubcoreMesh(core_axis_name="c", subcore_axis_name="s")

    @functools.partial(
        pl.kernel,
        mesh=mesh,
        out_type=jax.ShapeDtypeStruct((v // 2, 2 * MODEL_DIM), jnp.float32),
        scratch_types=[
            pltpu.VMEM((MODEL_DIM, BLK), jnp.float32),
            pltpu.VMEM((MODEL_DIM, BLK), jnp.float32),
            pltpu.VMEM((MODEL_DIM, TPITCH), jnp.float32),
            pltpu.VMEM((MODEL_DIM, TPITCH), jnp.float32),
            pltpu.SemaphoreType.DMA,
            pltpu.SemaphoreType.DMA,
            pltpu.SemaphoreType.DMA,
            pltpu.SemaphoreType.DMA,
        ],
        compiler_params=pltpu.CompilerParams(needs_layout_passes=False),
    )
    def k(tab_hbm, tail_hbm, out_hbm, in_a, in_b, tb_a, tb_b,
          gi_a, gi_b, go_a, go_b):
        cid = lax.axis_index("c")
        sid = lax.axis_index("s")
        wid = sid * NUM_CORES + cid
        lane = lax.iota(jnp.int32, 16)

        def wait_in(in_ref, sem):
            pltpu.make_async_copy(tab_hbm.at[:, pl.ds(0, BLK)], in_ref, sem).wait()

        def transpose(in_ref, tb_ref):
            @plsc.parallel_loop(0, MODEL_DIM, 1, unroll=8)
            def _(d):
                for l0 in range(0, BLK, 16):
                    tvec = lane + l0
                    qvec = lax.shift_right_logical(tvec, 1)
                    cvec = (tvec & 1) * MODEL_DIM + d
                    vals = in_ref[d, pl.ds(l0, 16)]
                    plsc.store_scatter(tb_ref, [qvec, cvec], vals)

        def start_out(c, tb_ref, sem):
            q0 = jnp.where(c == n_full, (v - BLK) // 2, c * (BLK // 2))
            rows = BLK // 2
            pltpu.async_copy(
                tb_ref.at[pl.ds(0, rows), pl.ds(0, BLK)],
                out_hbm.at[pl.ds(q0, rows), pl.ds(0, BLK)],
                sem,
            )

        def wait_out(tb_ref, sem):
            rows = BLK // 2
            pltpu.make_async_copy(
                tb_ref.at[pl.ds(0, rows), pl.ds(0, BLK)],
                out_hbm.at[pl.ds(0, rows), pl.ds(0, BLK)],
                sem,
            ).wait()

        def start_if_valid(c, in_ref, sem):
            @pl.when(c < n_full)
            def _():
                pltpu.async_copy(
                    tab_hbm.at[:, pl.ds(c * BLK, BLK)], in_ref, sem
                )

            @pl.when(c == n_full)
            def _():
                pltpu.async_copy(tail_hbm, in_ref, sem)

        def process(c, i, in_ref, tb_ref, gi, go):
            @pl.when(c <= n_full)
            def _():
                wait_in(in_ref, gi)

                @pl.when(i > 0)
                def _():
                    wait_out(tb_ref, go)

                transpose(in_ref, tb_ref)
                start_out(c, tb_ref, go)

            @pl.when(jnp.logical_and(c > n_full, c - 2 <= n_full))
            def _():
                wait_out(tb_ref, go)

        cbase = wid * per_w
        start_if_valid(cbase, in_a, gi_a)
        start_if_valid(cbase + 1, in_b, gi_b)

        def body(i, carry):
            c0 = cbase + 2 * i
            process(c0, i, in_a, tb_a, gi_a, go_a)

            @pl.when(i < per_w // 2 - 1)
            def _():
                start_if_valid(c0 + 2, in_a, gi_a)

            process(c0 + 1, i, in_b, tb_b, gi_b, go_b)

            @pl.when(i < per_w // 2 - 1)
            def _():
                start_if_valid(c0 + 3, in_b, gi_b)

            return carry

        lax.fori_loop(0, per_w // 2, body, 0)

        @pl.when(cbase + per_w - 2 <= n_full)
        def _():
            wait_out(tb_a, go_a)

        @pl.when(cbase + per_w - 1 <= n_full)
        def _():
            wait_out(tb_b, go_b)

    return k(tableT, tail)


def kernel(token_indices, embeddings):
    b, s = token_indices.shape
    total = b * s
    chunks_per_w = total // BLK // NUM_WORKERS
    idx3 = token_indices.T.reshape(NUM_WORKERS, chunks_per_w, BLK).astype(jnp.int32)
    tail = embeddings[embeddings.shape[0] - BLK :].T
    table_rm = _sc_table_transpose(embeddings.T, tail)
    table_lin = table_rm.reshape(-1, MODEL_DIM)
    outT = _sc_embedding_lookup(table_lin, idx3)
    return outT.transpose(2, 0, 1)

# --- scband reference (transcript-rebuilt; emitter-appended) ---
"""Pipeline reference for scband-embedding-54803782697330 (READ-ONLY COPY).

The authoritative reference and input builder live on the scoring server;
editing this copy changes nothing except your own understanding.
"""

import math
import jax, jax.numpy as jnp
import numpy as np

DICT_SIZE = 1000000
MODEL_SIZE = 64


def setup_inputs(seed: int = 0) -> dict:
    key = jax.random.key(seed)
    k1, k2 = jax.random.split(key)
    token_indices = jax.random.randint(k1, (16384, 50), 0, DICT_SIZE, dtype=jnp.int64 if jax.config.jax_enable_x64 else jnp.int32)
    embeddings = jax.random.normal(k2, (DICT_SIZE, MODEL_SIZE), dtype=jnp.float32)
    return {"token_indices": token_indices, "embeddings": embeddings}


def reference(token_indices, embeddings):
    # Faithful translation: gather rows then scale by sqrt(model_size)
    out = jnp.take(embeddings, token_indices, axis=0) * math.sqrt(MODEL_SIZE)
    return out

if __name__ == "__main__":
    import jax
    _d = setup_inputs()
    print(jax.jit(kernel)(*tuple(_d.values())))

</pallas_src>

<mosaic_0001>
#map = affine_map<(d0, d1) -> (0, 0)>
module attributes {stable_mosaic.version = 14 : i64} {
  func.func @k(%arg0: i32, %arg1: i32, %arg2: memref<64x1000000xf32, #tpu.memory_space<hbm>>, %arg3: memref<64x128xf32, #tpu.memory_space<hbm>>, %arg4: memref<500000x128xf32, #tpu.memory_space<hbm>>, %arg5: memref<64x128xf32, #tpu.memory_space<vmem>>, %arg6: memref<64x128xf32, #tpu.memory_space<vmem>>, %arg7: memref<64x133xf32, #tpu.memory_space<vmem>>, %arg8: memref<64x133xf32, #tpu.memory_space<vmem>>, %arg9: memref<!tpu.dma_semaphore, #tpu.memory_space<semaphore_mem>>, %arg10: memref<!tpu.dma_semaphore, #tpu.memory_space<semaphore_mem>>, %arg11: memref<!tpu.dma_semaphore, #tpu.memory_space<semaphore_mem>>, %arg12: memref<!tpu.dma_semaphore, #tpu.memory_space<semaphore_mem>>) attributes {dimension_semantics = [#tpu.dimension_semantics<core_parallel>, #tpu.dimension_semantics<subcore_parallel>], iteration_bounds = array<i64: 2, 16>, scalar_prefetch = 0 : i64, scratch_operands = 8 : i64, tpu.core_type = #tpu.core_type<sc_vector_subcore>, window_params = [{transform_indices = #map}, {transform_indices = #map}, {transform_indices = #map}]} {
    %mul3A = arith.constant 2 : i32
    %mul3A_0 = arith.muli %arg1, %mul3A : i32
    %add3A = arith.addi %mul3A_0, %arg0 : i32
    %iota3A = tpu.iota {dimensions = array<i32: 0>} : vector<16xi32>
    %mul3A_1 = arith.constant 246 : i32
    %mul3A_2 = arith.muli %add3A, %mul3A_1 : i32
    %lt3A = arith.constant 7812 : i32
    %lt3A_3 = arith.cmpi slt, %mul3A_2, %lt3A : i32
    %convert_element_type3A = arith.extui %lt3A_3 : i1 to i32
    %cond3A = arith.constant 0 : i32
    %cond3A_4 = arith.cmpi ne, %convert_element_type3A, %cond3A : i32
    scf.if %cond3A_4 {
      %mul3A_42 = arith.constant 128 : i32
      %mul3A_43 = arith.muli %mul3A_2, %mul3A_42 : i32
      %dma_start3A = arith.constant 0 : i32
      %dma_start3A_44 = tpu.memref_slice %arg2[%dma_start3A, %mul3A_43] : memref<64x1000000xf32, #tpu.memory_space<hbm>> -> memref<64x128xf32, #tpu.memory_space<hbm>>
      %dma_start3A_45 = arith.constant 0 : i32
      %dma_start3A_46 = tpu.memref_slice %arg2[%dma_start3A_45, %mul3A_43] : memref<64x1000000xf32, #tpu.memory_space<hbm>> -> memref<64x128xf32, #tpu.memory_space<hbm>>
      tpu.enqueue_dma source(%dma_start3A_46 : memref<64x128xf32, #tpu.memory_space<hbm>>) target(%arg5 : memref<64x128xf32, #tpu.memory_space<vmem>>) target_semaphore(%arg9 : memref<!tpu.dma_semaphore, #tpu.memory_space<semaphore_mem>>)
    } else {
    }
    %eq3A = arith.constant 7812 : i32
    %eq3A_5 = arith.cmpi eq, %mul3A_2, %eq3A : i32
    %convert_element_type3A_6 = arith.extui %eq3A_5 : i1 to i32
    %cond3A_7 = arith.constant 0 : i32
    %cond3A_8 = arith.cmpi ne, %convert_element_type3A_6, %cond3A_7 : i32
    scf.if %cond3A_8 {
      tpu.enqueue_dma source(%arg3 : memref<64x128xf32, #tpu.memory_space<hbm>>) target(%arg5 : memref<64x128xf32, #tpu.memory_space<vmem>>) target_semaphore(%arg9 : memref<!tpu.dma_semaphore, #tpu.memory_space<semaphore_mem>>)
    } else {
    }
    %add3A_9 = arith.constant 1 : i32
    %add3A_10 = arith.addi %mul3A_2, %add3A_9 : i32
    %lt3A_11 = arith.constant 7812 : i32
    %lt3A_12 = arith.cmpi slt, %add3A_10, %lt3A_11 : i32
    %convert_element_type3A_13 = arith.extui %lt3A_12 : i1 to i32
    %cond3A_14 = arith.constant 0 : i32
    %cond3A_15 = arith.cmpi ne, %convert_element_type3A_13, %cond3A_14 : i32
    scf.if %cond3A_15 {
      %mul3A_42 = arith.constant 128 : i32
      %mul3A_43 = arith.muli %add3A_10, %mul3A_42 : i32
      %dma_start3A = arith.constant 0 : i32
      %dma_start3A_44 = tpu.memref_slice %arg2[%dma_start3A, %mul3A_43] : memref<64x1000000xf32, #tpu.memory_space<hbm>> -> memref<64x128xf32, #tpu.memory_space<hbm>>
      %dma_start3A_45 = arith.constant 0 : i32
      %dma_start3A_46 = tpu.memref_slice %arg2[%dma_start3A_45, %mul3A_43] : memref<64x1000000xf32, #tpu.memory_space<hbm>> -> memref<64x128xf32, #tpu.memory_space<hbm>>
      tpu.enqueue_dma source(%dma_start3A_46 : memref<64x128xf32, #tpu.memory_space<hbm>>) target(%arg6 : memref<64x128xf32, #tpu.memory_space<vmem>>) target_semaphore(%arg10 : memref<!tpu.dma_semaphore, #tpu.memory_space<semaphore_mem>>)
    } else {
    }
    %eq3A_16 = arith.constant 7812 : i32
    %eq3A_17 = arith.cmpi eq, %add3A_10, %eq3A_16 : i32
    %convert_element_type3A_18 = arith.extui %eq3A_17 : i1 to i32
    %cond3A_19 = arith.constant 0 : i32
    %cond3A_20 = arith.cmpi ne, %convert_element_type3A_18, %cond3A_19 : i32
    scf.if %cond3A_20 {
      tpu.enqueue_dma source(%arg3 : memref<64x128xf32, #tpu.memory_space<hbm>>) target(%arg6 : memref<64x128xf32, #tpu.memory_space<vmem>>) target_semaphore(%arg10 : memref<!tpu.dma_semaphore, #tpu.memory_space<semaphore_mem>>)
    } else {
    }
    %scan3A = arith.constant 0 : i32
    %scan3A_21 = arith.constant 0 : i32
    %scan3A_22 = arith.constant 123 : i32
    %scan3A_23 = arith.addi %scan3A_21, %scan3A_22 : i32
    %scan3A_24 = arith.constant 1 : i32
    scf.for %scan3A_42 = %scan3A_21 to %scan3A_23 step %scan3A_24  : i32 {
      %mul3A_43 = arith.constant 2 : i32
      %mul3A_44 = arith.muli %mul3A_43, %scan3A_42 : i32
      %add3A_45 = arith.addi %mul3A_2, %mul3A_44 : i32
      %le3A_46 = arith.constant 7812 : i32
      %le3A_47 = arith.cmpi sle, %add3A_45, %le3A_46 : i32
      %convert_element_type3A_48 = arith.extui %le3A_47 : i1 to i32
      %cond3A_49 = arith.constant 0 : i32
      %cond3A_50 = arith.cmpi ne, %convert_element_type3A_48, %cond3A_49 : i32
      scf.if %cond3A_50 {
        %dma_wait3A = arith.constant 0 : i32
        %dma_wait3A_86 = arith.constant 0 : i32
        %dma_wait3A_87 = tpu.memref_slice %arg2[%dma_wait3A, %dma_wait3A_86] : memref<64x1000000xf32, #tpu.memory_space<hbm>> -> memref<64x128xf32, #tpu.memory_space<hbm>>
        %dma_wait3A_88 = arith.constant 0 : i32
        %dma_wait3A_89 = arith.constant 0 : i32
        %dma_wait3A_90 = tpu.memref_slice %arg2[%dma_wait3A_88, %dma_wait3A_89] : memref<64x1000000xf32, #tpu.memory_space<hbm>> -> memref<64x128xf32, #tpu.memory_space<hbm>>
        tpu.wait_dma2 semaphore(%arg9 : memref<!tpu.dma_semaphore, #tpu.memory_space<semaphore_mem>>) src(%dma_wait3A_90 : memref<64x128xf32, #tpu.memory_space<hbm>>) dst(%arg5 : memref<64x128xf32, #tpu.memory_space<vmem>>)
        %gt3A_91 = arith.constant 0 : i32
        %gt3A_92 = arith.cmpi sgt, %scan3A_42, %gt3A_91 : i32
        %convert_element_type3A_93 = arith.extui %gt3A_92 : i1 to i32
        %cond3A_94 = arith.constant 0 : i32
        %cond3A_95 = arith.cmpi ne, %convert_element_type3A_93, %cond3A_94 : i32
        scf.if %cond3A_95 {
          %dma_wait3A_111 = arith.constant 0 : i32
          %dma_wait3A_112 = arith.constant 0 : i32
          %dma_wait3A_113 = tpu.memref_slice %arg7[%dma_wait3A_111, %dma_wait3A_112] : memref<64x133xf32, #tpu.memory_space<vmem>> -> memref<64x128xf32, #tpu.memory_space<vmem>>
          %dma_wait3A_114 = arith.constant 0 : i32
          %dma_wait3A_115 = arith.constant 0 : i32
          %dma_wait3A_116 = tpu.memref_slice %arg4[%dma_wait3A_114, %dma_wait3A_115] : memref<500000x128xf32, #tpu.memory_space<hbm>> -> memref<64x128xf32, #tpu.memory_space<hbm>>
          %dma_wait3A_117 = arith.constant 0 : i32
          %dma_wait3A_118 = arith.constant 0 : i32
          %dma_wait3A_119 = tpu.memref_slice %arg4[%dma_wait3A_117, %dma_wait3A_118] : memref<500000x128xf32, #tpu.memory_space<hbm>> -> memref<64x128xf32, #tpu.memory_space<hbm>>
          %dma_wait3A_120 = arith.constant 0 : i32
          %dma_wait3A_121 = arith.constant 0 : i32
          %dma_wait3A_122 = tpu.memref_slice %arg7[%dma_wait3A_120, %dma_wait3A_121] : memref<64x133xf32, #tpu.memory_space<vmem>> -> memref<64x128xf32, #tpu.memory_space<vmem>>
          tpu.wait_dma2 semaphore(%arg11 : memref<!tpu.dma_semaphore, #tpu.memory_space<semaphore_mem>>) src(%dma_wait3A_122 : memref<64x128xf32, #tpu.memory_space<vmem>>) dst(%dma_wait3A_119 : memref<64x128xf32, #tpu.memory_space<hbm>>)
        } else {
        }
        %parallel_loop3A = arith.constant 0 : i32
        %parallel_loop3A_96 = arith.constant 64 : i32
        %parallel_loop3A_97 = arith.constant 1 : i32
        scf.for %parallel_loop3A_111 = %parallel_loop3A to %parallel_loop3A_96 step %parallel_loop3A_97  : i32 {
          %parallel_loop3A_112 = arith.constant 0 : i32
          %parallel_loop3A_113 = vector.broadcast %parallel_loop3A_112 : i32 to vector<16xi32>
          %parallel_loop3A_114 = arith.addi %iota3A, %parallel_loop3A_113 : vector<16xi32>
          %parallel_loop3A_115 = arith.constant 1 : i32
          %parallel_loop3A_116 = vector.broadcast %parallel_loop3A_115 : i32 to vector<16xi32>
          %parallel_loop3A_117 = arith.shrui %parallel_loop3A_114, %parallel_loop3A_116 : vector<16xi32>
          %parallel_loop3A_118 = arith.constant 1 : i32
          %parallel_loop3A_119 = vector.broadcast %parallel_loop3A_118 : i32 to vector<16xi32>
          %parallel_loop3A_120 = arith.andi %parallel_loop3A_114, %parallel_loop3A_119 : vector<16xi32>
          %parallel_loop3A_121 = arith.constant 64 : i32
          %parallel_loop3A_122 = vector.broadcast %parallel_loop3A_121 : i32 to vector<16xi32>
          %parallel_loop3A_123 = arith.muli %parallel_loop3A_120, %parallel_loop3A_122 : vector<16xi32>
          %parallel_loop3A_124 = vector.broadcast %parallel_loop3A_111 : i32 to vector<16xi32>
          %parallel_loop3A_125 = arith.addi %parallel_loop3A_123, %parallel_loop3A_124 : vector<16xi32>
          %parallel_loop3A_126 = arith.index_cast %parallel_loop3A_111 : i32 to index
          %parallel_loop3A_127 = arith.constant 0 : index
          %parallel_loop3A_128 = tpu.vector_load %arg5[%parallel_loop3A_126, %parallel_loop3A_127] {strides = array<i32>} : memref<64x128xf32, #tpu.memory_space<vmem>>, vector<16xf32>,
          tpu.vector_store_idx %arg7[%parallel_loop3A_117, %parallel_loop3A_125], %parallel_loop3A_128 : memref<64x133xf32, #tpu.memory_space<vmem>>[vector<16xi32>, vector<16xi32>], vector<16xf32>,
          %parallel_loop3A_129 = arith.constant 16 : i32
          %parallel_loop3A_130 = vector.broadcast %parallel_loop3A_129 : i32 to vector<16xi32>
          %parallel_loop3A_131 = arith.addi %iota3A, %parallel_loop3A_130 : vector<16xi32>
          %parallel_loop3A_132 = arith.constant 1 : i32
          %parallel_loop3A_133 = vector.broadcast %parallel_loop3A_132 : i32 to vector<16xi32>
          %parallel_loop3A_134 = arith.shrui %parallel_loop3A_131, %parallel_loop3A_133 : vector<16xi32>
          %parallel_loop3A_135 = arith.constant 1 : i32
          %parallel_loop3A_136 = vector.broadcast %parallel_loop3A_135 : i32 to vector<16xi32>
          %parallel_loop3A_137 = arith.andi %parallel_loop3A_131, %parallel_loop3A_136 : vector<16xi32>
          %parallel_loop3A_138 = arith.constant 64 : i32
          %parallel_loop3A_139 = vector.broadcast %parallel_loop3A_138 : i32 to vector<16xi32>
          %parallel_loop3A_140 = arith.muli %parallel_loop3A_137, %parallel_loop3A_139 : vector<16xi32>
          %parallel_loop3A_141 = vector.broadcast %parallel_loop3A_111 : i32 to vector<16xi32>
          %parallel_loop3A_142 = arith.addi %parallel_loop3A_140, %parallel_loop3A_141 : vector<16xi32>
          %parallel_loop3A_143 = arith.index_cast %parallel_loop3A_111 : i32 to index
          %parallel_loop3A_144 = arith.constant 16 : index
          %parallel_loop3A_145 = tpu.vector_load %arg5[%parallel_loop3A_143, %parallel_loop3A_144] {strides = array<i32>} : memref<64x128xf32, #tpu.memory_space<vmem>>, vector<16xf32>,
          tpu.vector_store_idx %arg7[%parallel_loop3A_134, %parallel_loop3A_142], %parallel_loop3A_145 : memref<64x133xf32, #tpu.memory_space<vmem>>[vector<16xi32>, vector<16xi32>], vector<16xf32>,
          %parallel_loop3A_146 = arith.constant 32 : i32
          %parallel_loop3A_147 = vector.broadcast %parallel_loop3A_146 : i32 to vector<16xi32>
          %parallel_loop3A_148 = arith.addi %iota3A, %parallel_loop3A_147 : vector<16xi32>
          %parallel_loop3A_149 = arith.constant 1 : i32
          %parallel_loop3A_150 = vector.broadcast %parallel_loop3A_149 : i32 to vector<16xi32>
          %parallel_loop3A_151 = arith.shrui %parallel_loop3A_148, %parallel_loop3A_150 : vector<16xi32>
          %parallel_loop3A_152 = arith.constant 1 : i32
          %parallel_loop3A_153 = vector.broadcast %parallel_loop3A_152 : i32 to vector<16xi32>
          %parallel_loop3A_154 = arith.andi %parallel_loop3A_148, %parallel_loop3A_153 : vector<16xi32>
          %parallel_loop3A_155 = arith.constant 64 : i32
          %parallel_loop3A_156 = vector.broadcast %parallel_loop3A_155 : i32 to vector<16xi32>
          %parallel_loop3A_157 = arith.muli %parallel_loop3A_154, %parallel_loop3A_156 : vector<16xi32>
          %parallel_loop3A_158 = vector.broadcast %parallel_loop3A_111 : i32 to vector<16xi32>
          %parallel_loop3A_159 = arith.addi %parallel_loop3A_157, %parallel_loop3A_158 : vector<16xi32>
          %parallel_loop3A_160 = arith.index_cast %parallel_loop3A_111 : i32 to index
          %parallel_loop3A_161 = arith.constant 32 : index
          %parallel_loop3A_162 = tpu.vector_load %arg5[%parallel_loop3A_160, %parallel_loop3A_161] {strides = array<i32>} : memref<64x128xf32, #tpu.memory_space<vmem>>, vector<16xf32>,
          tpu.vector_store_idx %arg7[%parallel_loop3A_151, %parallel_loop3A_159], %parallel_loop3A_162 : memref<64x133xf32, #tpu.memory_space<vmem>>[vector<16xi32>, vector<16xi32>], vector<16xf32>,
          %parallel_loop3A_163 = arith.constant 48 : i32
          %parallel_loop3A_164 = vector.broadcast %parallel_loop3A_163 : i32 to vector<16xi32>
          %parallel_loop3A_165 = arith.addi %iota3A, %parallel_loop3A_164 : vector<16xi32>
          %parallel_loop3A_166 = arith.constant 1 : i32
          %parallel_loop3A_167 = vector.broadcast %parallel_loop3A_166 : i32 to vector<16xi32>
          %parallel_loop3A_168 = arith.shrui %parallel_loop3A_165, %parallel_loop3A_167 : vector<16xi32>
          %parallel_loop3A_169 = arith.constant 1 : i32
          %parallel_loop3A_170 = vector.broadcast %parallel_loop3A_169 : i32 to vector<16xi32>
          %parallel_loop3A_171 = arith.andi %parallel_loop3A_165, %parallel_loop3A_170 : vector<16xi32>
          %parallel_loop3A_172 = arith.constant 64 : i32
          %parallel_loop3A_173 = vector.broadcast %parallel_loop3A_172 : i32 to vector<16xi32>
          %parallel_loop3A_174 = arith.muli %parallel_loop3A_171, %parallel_loop3A_173 : vector<16xi32>
          %parallel_loop3A_175 = vector.broadcast %parallel_loop3A_111 : i32 to vector<16xi32>
          %parallel_loop3A_176 = arith.addi %parallel_loop3A_174, %parallel_loop3A_175 : vector<16xi32>
          %parallel_loop3A_177 = arith.index_cast %parallel_loop3A_111 : i32 to index
          %parallel_loop3A_178 = arith.constant 48 : index
          %parallel_loop3A_179 = tpu.vector_load %arg5[%parallel_loop3A_177, %parallel_loop3A_178] {strides = array<i32>} : memref<64x128xf32, #tpu.memory_space<vmem>>, vector<16xf32>,
          tpu.vector_store_idx %arg7[%parallel_loop3A_168, %parallel_loop3A_176], %parallel_loop3A_179 : memref<64x133xf32, #tpu.memory_space<vmem>>[vector<16xi32>, vector<16xi32>], vector<16xf32>,
          %parallel_loop3A_180 = arith.constant 64 : i32
          %parallel_loop3A_181 = vector.broadcast %parallel_loop3A_180 : i32 to vector<16xi32>
          %parallel_loop3A_182 = arith.addi %iota3A, %parallel_loop3A_181 : vector<16xi32>
          %parallel_loop3A_183 = arith.constant 1 : i32
          %parallel_loop3A_184 = vector.broadcast %parallel_loop3A_183 : i32 to vector<16xi32>
          %parallel_loop3A_185 = arith.shrui %parallel_loop3A_182, %parallel_loop3A_184 : vector<16xi32>
          %parallel_loop3A_186 = arith.constant 1 : i32
          %parallel_loop3A_187 = vector.broadcast %parallel_loop3A_186 : i32 to vector<16xi32>
          %parallel_loop3A_188 = arith.andi %parallel_loop3A_182, %parallel_loop3A_187 : vector<16xi32>
          %parallel_loop3A_189 = arith.constant 64 : i32
          %parallel_loop3A_190 = vector.broadcast %parallel_loop3A_189 : i32 to vector<16xi32>
          %parallel_loop3A_191 = arith.muli %parallel_loop3A_188, %parallel_loop3A_190 : vector<16xi32>
          %parallel_loop3A_192 = vector.broadcast %parallel_loop3A_111 : i32 to vector<16xi32>
          %parallel_loop3A_193 = arith.addi %parallel_loop3A_191, %parallel_loop3A_192 : vector<16xi32>
          %parallel_loop3A_194 = arith.index_cast %parallel_loop3A_111 : i32 to index
          %parallel_loop3A_195 = arith.constant 64 : index
          %parallel_loop3A_196 = tpu.vector_load %arg5[%parallel_loop3A_194, %parallel_loop3A_195] {strides = array<i32>} : memref<64x128xf32, #tpu.memory_space<vmem>>, vector<16xf32>,
          tpu.vector_store_idx %arg7[%parallel_loop3A_185, %parallel_loop3A_193], %parallel_loop3A_196 : memref<64x133xf32, #tpu.memory_space<vmem>>[vector<16xi32>, vector<16xi32>], vector<16xf32>,
          %parallel_loop3A_197 = arith.constant 80 : i32
          %parallel_loop3A_198 = vector.broadcast %parallel_loop3A_197 : i32 to vector<16xi32>
          %parallel_loop3A_199 = arith.addi %iota3A, %parallel_loop3A_198 : vector<16xi32>
          %parallel_loop3A_200 = arith.constant 1 : i32
          %parallel_loop3A_201 = vector.broadcast %parallel_loop3A_200 : i32 to vector<16xi32>
          %parallel_loop3A_202 = arith.shrui %parallel_loop3A_199, %parallel_loop3A_201 : vector<16xi32>
          %parallel_loop3A_203 = arith.constant 1 : i32
          %parallel_loop3A_204 = vector.broadcast %parallel_loop3A_203 : i32 to vector<16xi32>
          %parallel_loop3A_205 = arith.andi %parallel_loop3A_199, %parallel_loop3A_204 : vector<16xi32>
          %parallel_loop3A_206 = arith.constant 64 : i32
          %parallel_loop3A_207 = vector.broadcast %parallel_loop3A_206 : i32 to vector<16xi32>
          %parallel_loop3A_208 = arith.muli %parallel_loop3A_205, %parallel_loop3A_207 : vector<16xi32>
          %parallel_loop3A_209 = vector.broadcast %parallel_loop3A_111 : i32 to vector<16xi32>
          %parallel_loop3A_210 = arith.addi %parallel_loop3A_208, %parallel_loop3A_209 : vector<16xi32>
          %parallel_loop3A_211 = arith.index_cast %parallel_loop3A_111 : i32 to index
          %parallel_loop3A_212 = arith.constant 80 : index
          %parallel_loop3A_213 = tpu.vector_load %arg5[%parallel_loop3A_211, %parallel_loop3A_212] {strides = array<i32>} : memref<64x128xf32, #tpu.memory_space<vmem>>, vector<16xf32>,
          tpu.vector_store_idx %arg7[%parallel_loop3A_202, %parallel_loop3A_210], %parallel_loop3A_213 : memref<64x133xf32, #tpu.memory_space<vmem>>[vector<16xi32>, vector<16xi32>], vector<16xf32>,
          %parallel_loop3A_214 = arith.constant 96 : i32
          %parallel_loop3A_215 = vector.broadcast %parallel_loop3A_214 : i32 to vector<16xi32>
          %parallel_loop3A_216 = arith.addi %iota3A, %parallel_loop3A_215 : vector<16xi32>
          %parallel_loop3A_217 = arith.constant 1 : i32
          %parallel_loop3A_218 = vector.broadcast %parallel_loop3A_217 : i32 to vector<16xi32>
          %parallel_loop3A_219 = arith.shrui %parallel_loop3A_216, %parallel_loop3A_218 : vector<16xi32>
          %parallel_loop3A_220 = arith.constant 1 : i32
          %parallel_loop3A_221 = vector.broadcast %parallel_loop3A_220 : i32 to vector<16xi32>
          %parallel_loop3A_222 = arith.andi %parallel_loop3A_216, %parallel_loop3A_221 : vector<16xi32>
          %parallel_loop3A_223 = arith.constant 64 : i32
          %parallel_loop3A_224 = vector.broadcast %parallel_loop3A_223 : i32 to vector<16xi32>
          %parallel_loop3A_225 = arith.muli %parallel_loop3A_222, %parallel_loop3A_224 : vector<16xi32>
          %parallel_loop3A_226 = vector.broadcast %parallel_loop3A_111 : i32 to vector<16xi32>
          %parallel_loop3A_227 = arith.addi %parallel_loop3A_225, %parallel_loop3A_226 : vector<16xi32>
          %parallel_loop3A_228 = arith.index_cast %parallel_loop3A_111 : i32 to index
          %parallel_loop3A_229 = arith.constant 96 : index
          %parallel_loop3A_230 = tpu.vector_load %arg5[%parallel_loop3A_228, %parallel_loop3A_229] {strides = array<i32>} : memref<64x128xf32, #tpu.memory_space<vmem>>, vector<16xf32>,
          tpu.vector_store_idx %arg7[%parallel_loop3A_219, %parallel_loop3A_227], %parallel_loop3A_230 : memref<64x133xf32, #tpu.memory_space<vmem>>[vector<16xi32>, vector<16xi32>], vector<16xf32>,
          %parallel_loop3A_231 = arith.constant 112 : i32
          %parallel_loop3A_232 = vector.broadcast %parallel_loop3A_231 : i32 to vector<16xi32>
          %parallel_loop3A_233 = arith.addi %iota3A, %parallel_loop3A_232 : vector<16xi32>
          %parallel_loop3A_234 = arith.constant 1 : i32
          %parallel_loop3A_235 = vector.broadcast %parallel_loop3A_234 : i32 to vector<16xi32>
          %parallel_loop3A_236 = arith.shrui %parallel_loop3A_233, %parallel_loop3A_235 : vector<16xi32>
          %parallel_loop3A_237 = arith.constant 1 : i32
          %parallel_loop3A_238 = vector.broadcast %parallel_loop3A_237 : i32 to vector<16xi32>
          %parallel_loop3A_239 = arith.andi %parallel_loop3A_233, %parallel_loop3A_238 : vector<16xi32>
          %parallel_loop3A_240 = arith.constant 64 : i32
          %parallel_loop3A_241 = vector.broadcast %parallel_loop3A_240 : i32 to vector<16xi32>
          %parallel_loop3A_242 = arith.muli %parallel_loop3A_239, %parallel_loop3A_241 : vector<16xi32>
          %parallel_loop3A_243 = vector.broadcast %parallel_loop3A_111 : i32 to vector<16xi32>
          %parallel_loop3A_244 = arith.addi %parallel_loop3A_242, %parallel_loop3A_243 : vector<16xi32>
          %parallel_loop3A_245 = arith.index_cast %parallel_loop3A_111 : i32 to index
          %parallel_loop3A_246 = arith.constant 112 : index
          %parallel_loop3A_247 = tpu.vector_load %arg5[%parallel_loop3A_245, %parallel_loop3A_246] {strides = array<i32>} : memref<64x128xf32, #tpu.memory_space<vmem>>, vector<16xf32>,
          tpu.vector_store_idx %arg7[%parallel_loop3A_236, %parallel_loop3A_244], %parallel_loop3A_247 : memref<64x133xf32, #tpu.memory_space<vmem>>[vector<16xi32>, vector<16xi32>], vector<16xf32>,
        } {sc.loop_unroll_factor = 8 : i64, sc.parallel_access}
        %eq3A_98 = arith.constant 7812 : i32
        %eq3A_99 = arith.cmpi eq, %add3A_45, %eq3A_98 : i32
        %mul3A_100 = arith.constant 64 : i32
        %mul3A_101 = arith.muli %add3A_45, %mul3A_100 : i32
        %jit3A = arith.constant 499936 : i32
        %select_n3A = arith.select %eq3A_99, %jit3A, %mul3A_101 : i32
        %dma_start3A = arith.constant 0 : i32
        %dma_start3A_102 = arith.constant 0 : i32
        %dma_start3A_103 = tpu.memref_slice %arg7[%dma_start3A, %dma_start3A_102] : memref<64x133xf32, #tpu.memory_space<vmem>> -> memref<64x128xf32, #tpu.memory_space<vmem>>
        %dma_start3A_104 = arith.constant 0 : i32
        %dma_start3A_105 = tpu.memref_slice %arg4[%select_n3A, %dma_start3A_104] : memref<500000x128xf32, #tpu.memory_space<hbm>> -> memref<64x128xf32, #tpu.memory_space<hbm>>
        %dma_start3A_106 = arith.constant 0 : i32
        %dma_start3A_107 = tpu.memref_slice %arg4[%select_n3A, %dma_start3A_106] : memref<500000x128xf32, #tpu.memory_space<hbm>> -> memref<64x128xf32, #tpu.memory_space<hbm>>
        %dma_start3A_108 = arith.constant 0 : i32
        %dma_start3A_109 = arith.constant 0 : i32
        %dma_start3A_110 = tpu.memref_slice %arg7[%dma_start3A_108, %dma_start3A_109] : memref<64x133xf32, #tpu.memory_space<vmem>> -> memref<64x128xf32, #tpu.memory_space<vmem>>
        tpu.enqueue_dma source(%dma_start3A_110 : memref<64x128xf32, #tpu.memory_space<vmem>>) target(%dma_start3A_107 : memref<64x128xf32, #tpu.memory_space<hbm>>) target_semaphore(%arg11 : memref<!tpu.dma_semaphore, #tpu.memory_space<semaphore_mem>>)
      } else {
      }
      %gt3A = arith.constant 7812 : i32
      %gt3A_51 = arith.cmpi sgt, %add3A_45, %gt3A : i32
      %sub3A_52 = arith.constant 2 : i32
      %sub3A_53 = arith.subi %add3A_45, %sub3A_52 : i32
      %le3A_54 = arith.constant 7812 : i32
      %le3A_55 = arith.cmpi sle, %sub3A_53, %le3A_54 : i32
      %and3A = arith.andi %gt3A_51, %le3A_55 : i1
      %convert_element_type3A_56 = arith.extui %and3A : i1 to i32
      %cond3A_57 = arith.constant 0 : i32
      %cond3A_58 = arith.cmpi ne, %convert_element_type3A_56, %cond3A_57 : i32
      scf.if %cond3A_58 {
        %dma_wait3A = arith.constant 0 : i32
        %dma_wait3A_86 = arith.constant 0 : i32
        %dma_wait3A_87 = tpu.memref_slice %arg7[%dma_wait3A, %dma_wait3A_86] : memref<64x133xf32, #tpu.memory_space<vmem>> -> memref<64x128xf32, #tpu.memory_space<vmem>>
        %dma_wait3A_88 = arith.constant 0 : i32
        %dma_wait3A_89 = arith.constant 0 : i32
        %dma_wait3A_90 = tpu.memref_slice %arg4[%dma_wait3A_88, %dma_wait3A_89] : memref<500000x128xf32, #tpu.memory_space<hbm>> -> memref<64x128xf32, #tpu.memory_space<hbm>>
        %dma_wait3A_91 = arith.constant 0 : i32
        %dma_wait3A_92 = arith.constant 0 : i32
        %dma_wait3A_93 = tpu.memref_slice %arg4[%dma_wait3A_91, %dma_wait3A_92] : memref<500000x128xf32, #tpu.memory_space<hbm>> -> memref<64x128xf32, #tpu.memory_space<hbm>>
        %dma_wait3A_94 = arith.constant 0 : i32
        %dma_wait3A_95 = arith.constant 0 : i32
        %dma_wait3A_96 = tpu.memref_slice %arg7[%dma_wait3A_94, %dma_wait3A_95] : memref<64x133xf32, #tpu.memory_space<vmem>> -> memref<64x128xf32, #tpu.memory_space<vmem>>
        tpu.wait_dma2 semaphore(%arg11 : memref<!tpu.dma_semaphore, #tpu.memory_space<semaphore_mem>>) src(%dma_wait3A_96 : memref<64x128xf32, #tpu.memory_space<vmem>>) dst(%dma_wait3A_93 : memref<64x128xf32, #tpu.memory_space<hbm>>)
      } else {
      }
      %lt3A_59 = arith.constant 122 : i32
      %lt3A_60 = arith.cmpi slt, %scan3A_42, %lt3A_59 : i32
      %convert_element_type3A_61 = arith.extui %lt3A_60 : i1 to i32
      %cond3A_62 = arith.constant 0 : i32
      %cond3A_63 = arith.cmpi ne, %convert_element_type3A_61, %cond3A_62 : i32
      scf.if %cond3A_63 {
        %add3A_86 = arith.constant 2 : i32
        %add3A_87 = arith.addi %add3A_45, %add3A_86 : i32
        %lt3A_88 = arith.constant 7812 : i32
        %lt3A_89 = arith.cmpi slt, %add3A_87, %lt3A_88 : i32
        %convert_element_type3A_90 = arith.extui %lt3A_89 : i1 to i32
        %cond3A_91 = arith.constant 0 : i32
        %cond3A_92 = arith.cmpi ne, %convert_element_type3A_90, %cond3A_91 : i32
        scf.if %cond3A_92 {
          %mul3A_98 = arith.constant 128 : i32
          %mul3A_99 = arith.muli %add3A_87, %mul3A_98 : i32
          %dma_start3A = arith.constant 0 : i32
          %dma_start3A_100 = tpu.memref_slice %arg2[%dma_start3A, %mul3A_99] : memref<64x1000000xf32, #tpu.memory_space<hbm>> -> memref<64x128xf32, #tpu.memory_space<hbm>>
          %dma_start3A_101 = arith.constant 0 : i32
          %dma_start3A_102 = tpu.memref_slice %arg2[%dma_start3A_101, %mul3A_99] : memref<64x1000000xf32, #tpu.memory_space<hbm>> -> memref<64x128xf32, #tpu.memory_space<hbm>>
          tpu.enqueue_dma source(%dma_start3A_102 : memref<64x128xf32, #tpu.memory_space<hbm>>) target(%arg5 : memref<64x128xf32, #tpu.memory_space<vmem>>) target_semaphore(%arg9 : memref<!tpu.dma_semaphore, #tpu.memory_space<semaphore_mem>>)
        } else {
        }
        %eq3A_93 = arith.constant 7812 : i32
        %eq3A_94 = arith.cmpi eq, %add3A_87, %eq3A_93 : i32
        %convert_element_type3A_95 = arith.extui %eq3A_94 : i1 to i32
        %cond3A_96 = arith.constant 0 : i32
        %cond3A_97 = arith.cmpi ne, %convert_element_type3A_95, %cond3A_96 : i32
        scf.if %cond3A_97 {
          tpu.enqueue_dma source(%arg3 : memref<64x128xf32, #tpu.memory_space<hbm>>) target(%arg5 : memref<64x128xf32, #tpu.memory_space<vmem>>) target_semaphore(%arg9 : memref<!tpu.dma_semaphore, #tpu.memory_space<semaphore_mem>>)
        } else {
        }
      } else {
      }
      %add3A_64 = arith.constant 1 : i32
      %add3A_65 = arith.addi %add3A_45, %add3A_64 : i32
      %le3A_66 = arith.constant 7812 : i32
      %le3A_67 = arith.cmpi sle, %add3A_65, %le3A_66 : i32
      %convert_element_type3A_68 = arith.extui %le3A_67 : i1 to i32
      %cond3A_69 = arith.constant 0 : i32
      %cond3A_70 = arith.cmpi ne, %convert_element_type3A_68, %cond3A_69 : i32
      scf.if %cond3A_70 {
        %dma_wait3A = arith.constant 0 : i32
        %dma_wait3A_86 = arith.constant 0 : i32
        %dma_wait3A_87 = tpu.memref_slice %arg2[%dma_wait3A, %dma_wait3A_86] : memref<64x1000000xf32, #tpu.memory_space<hbm>> -> memref<64x128xf32, #tpu.memory_space<hbm>>
        %dma_wait3A_88 = arith.constant 0 : i32
        %dma_wait3A_89 = arith.constant 0 : i32
        %dma_wait3A_90 = tpu.memref_slice %arg2[%dma_wait3A_88, %dma_wait3A_89] : memref<64x1000000xf32, #tpu.memory_space<hbm>> -> memref<64x128xf32, #tpu.memory_space<hbm>>
        tpu.wait_dma2 semaphore(%arg10 : memref<!tpu.dma_semaphore, #tpu.memory_space<semaphore_mem>>) src(%dma_wait3A_90 : memref<64x128xf32, #tpu.memory_space<hbm>>) dst(%arg6 : memref<64x128xf32, #tpu.memory_space<vmem>>)
        %gt3A_91 = arith.constant 0 : i32
        %gt3A_92 = arith.cmpi sgt, %scan3A_42, %gt3A_91 : i32
        %convert_element_type3A_93 = arith.extui %gt3A_92 : i1 to i32
        %cond3A_94 = arith.constant 0 : i32
        %cond3A_95 = arith.cmpi ne, %convert_element_type3A_93, %cond3A_94 : i32
        scf.if %cond3A_95 {
          %dma_wait3A_111 = arith.constant 0 : i32
          %dma_wait3A_112 = arith.constant 0 : i32
          %dma_wait3A_113 = tpu.memref_slice %arg8[%dma_wait3A_111, %dma_wait3A_112] : memref<64x133xf32, #tpu.memory_space<vmem>> -> memref<64x128xf32, #tpu.memory_space<vmem>>
          %dma_wait3A_114 = arith.constant 0 : i32
          %dma_wait3A_115 = arith.constant 0 : i32
          %dma_wait3A_116 = tpu.memref_slice %arg4[%dma_wait3A_114, %dma_wait3A_115] : memref<500000x128xf32, #tpu.memory_space<hbm>> -> memref<64x128xf32, #tpu.memory_space<hbm>>
          %dma_wait3A_117 = arith.constant 0 : i32
          %dma_wait3A_118 = arith.constant 0 : i32
          %dma_wait3A_119 = tpu.memref_slice %arg4[%dma_wait3A_117, %dma_wait3A_118] : memref<500000x128xf32, #tpu.memory_space<hbm>> -> memref<64x128xf32, #tpu.memory_space<hbm>>
          %dma_wait3A_120 = arith.constant 0 : i32
          %dma_wait3A_121 = arith.constant 0 : i32
          %dma_wait3A_122 = tpu.memref_slice %arg8[%dma_wait3A_120, %dma_wait3A_121] : memref<64x133xf32, #tpu.memory_space<vmem>> -> memref<64x128xf32, #tpu.memory_space<vmem>>
          tpu.wait_dma2 semaphore(%arg12 : memref<!tpu.dma_semaphore, #tpu.memory_space<semaphore_mem>>) src(%dma_wait3A_122 : memref<64x128xf32, #tpu.memory_space<vmem>>) dst(%dma_wait3A_119 : memref<64x128xf32, #tpu.memory_space<hbm>>)
        } else {
        }
        %parallel_loop3A = arith.constant 0 : i32
        %parallel_loop3A_96 = arith.constant 64 : i32
        %parallel_loop3A_97 = arith.constant 1 : i32
        scf.for %parallel_loop3A_111 = %parallel_loop3A to %parallel_loop3A_96 step %parallel_loop3A_97  : i32 {
          %parallel_loop3A_112 = arith.constant 0 : i32
          %parallel_loop3A_113 = vector.broadcast %parallel_loop3A_112 : i32 to vector<16xi32>
          %parallel_loop3A_114 = arith.addi %iota3A, %parallel_loop3A_113 : vector<16xi32>
          %parallel_loop3A_115 = arith.constant 1 : i32
          %parallel_loop3A_116 = vector.broadcast %parallel_loop3A_115 : i32 to vector<16xi32>
          %parallel_loop3A_117 = arith.shrui %parallel_loop3A_114, %parallel_loop3A_116 : vector<16xi32>
          %parallel_loop3A_118 = arith.constant 1 : i32
          %parallel_loop3A_119 = vector.broadcast %parallel_loop3A_118 : i32 to vector<16xi32>
          %parallel_loop3A_120 = arith.andi %parallel_loop3A_114, %parallel_loop3A_119 : vector<16xi32>
          %parallel_loop3A_121 = arith.constant 64 : i32
          %parallel_loop3A_122 = vector.broadcast %parallel_loop3A_121 : i32 to vector<16xi32>
          %parallel_loop3A_123 = arith.muli %parallel_loop3A_120, %parallel_loop3A_122 : vector<16xi32>
          %parallel_loop3A_124 = vector.broadcast %parallel_loop3A_111 : i32 to vector<16xi32>
          %parallel_loop3A_125 = arith.addi %parallel_loop3A_123, %parallel_loop3A_124 : vector<16xi32>
          %parallel_loop3A_126 = arith.index_cast %parallel_loop3A_111 : i32 to index
          %parallel_loop3A_127 = arith.constant 0 : index
          %parallel_loop3A_128 = tpu.vector_load %arg6[%parallel_loop3A_126, %parallel_loop3A_127] {strides = array<i32>} : memref<64x128xf32, #tpu.memory_space<vmem>>, vector<16xf32>,
          tpu.vector_store_idx %arg8[%parallel_loop3A_117, %parallel_loop3A_125], %parallel_loop3A_128 : memref<64x133xf32, #tpu.memory_space<vmem>>[vector<16xi32>, vector<16xi32>], vector<16xf32>,
          %parallel_loop3A_129 = arith.constant 16 : i32
          %parallel_loop3A_130 = vector.broadcast %parallel_loop3A_129 : i32 to vector<16xi32>
          %parallel_loop3A_131 = arith.addi %iota3A, %parallel_loop3A_130 : vector<16xi32>
          %parallel_loop3A_132 = arith.constant 1 : i32
          %parallel_loop3A_133 = vector.broadcast %parallel_loop3A_132 : i32 to vector<16xi32>
          %parallel_loop3A_134 = arith.shrui %parallel_loop3A_131, %parallel_loop3A_133 : vector<16xi32>
          %parallel_loop3A_135 = arith.constant 1 : i32
          %parallel_loop3A_136 = vector.broadcast %parallel_loop3A_135 : i32 to vector<16xi32>
          %parallel_loop3A_137 = arith.andi %parallel_loop3A_131, %parallel_loop3A_136 : vector<16xi32>
          %parallel_loop3A_138 = arith.constant 64 : i32
          %parallel_loop3A_139 = vector.broadcast %parallel_loop3A_138 : i32 to vector<16xi32>
          %parallel_loop3A_140 = arith.muli %parallel_loop3A_137, %parallel_loop3A_139 : vector<16xi32>
          %parallel_loop3A_141 = vector.broadcast %parallel_loop3A_111 : i32 to vector<16xi32>
          %parallel_loop3A_142 = arith.addi %parallel_loop3A_140, %parallel_loop3A_141 : vector<16xi32>
          %parallel_loop3A_143 = arith.index_cast %parallel_loop3A_111 : i32 to index
          %parallel_loop3A_144 = arith.constant 16 : index
          %parallel_loop3A_145 = tpu.vector_load %arg6[%parallel_loop3A_143, %parallel_loop3A_144] {strides = array<i32>} : memref<64x128xf32, #tpu.memory_space<vmem>>, vector<16xf32>,
          tpu.vector_store_idx %arg8[%parallel_loop3A_134, %parallel_loop3A_142], %parallel_loop3A_145 : memref<64x133xf32, #tpu.memory_space<vmem>>[vector<16xi32>, vector<16xi32>], vector<16xf32>,
          %parallel_loop3A_146 = arith.constant 32 : i32
          %parallel_loop3A_147 = vector.broadcast %parallel_loop3A_146 : i32 to vector<16xi32>
          %parallel_loop3A_148 = arith.addi %iota3A, %parallel_loop3A_147 : vector<16xi32>
          %parallel_loop3A_149 = arith.constant 1 : i32
          %parallel_loop3A_150 = vector.broadcast %parallel_loop3A_149 : i32 to vector<16xi32>
          %parallel_loop3A_151 = arith.shrui %parallel_loop3A_148, %parallel_loop3A_150 : vector<16xi32>
          %parallel_loop3A_152 = arith.constant 1 : i32
          %parallel_loop3A_153 = vector.broadcast %parallel_loop3A_152 : i32 to vector<16xi32>
          %parallel_loop3A_154 = arith.andi %parallel_loop3A_148, %parallel_loop3A_153 : vector<16xi32>
          %parallel_loop3A_155 = arith.constant 64 : i32
          %parallel_loop3A_156 = vector.broadcast %parallel_loop3A_155 : i32 to vector<16xi32>
          %parallel_loop3A_157 = arith.muli %parallel_loop3A_154, %parallel_loop3A_156 : vector<16xi32>
          %parallel_loop3A_158 = vector.broadcast %parallel_loop3A_111 : i32 to vector<16xi32>
          %parallel_loop3A_159 = arith.addi %parallel_loop3A_157, %parallel_loop3A_158 : vector<16xi32>
          %parallel_loop3A_160 = arith.index_cast %parallel_loop3A_111 : i32 to index
          %parallel_loop3A_161 = arith.constant 32 : index
          %parallel_loop3A_162 = tpu.vector_load %arg6[%parallel_loop3A_160, %parallel_loop3A_161] {strides = array<i32>} : memref<64x128xf32, #tpu.memory_space<vmem>>, vector<16xf32>,
          tpu.vector_store_idx %arg8[%parallel_loop3A_151, %parallel_loop3A_159], %parallel_loop3A_162 : memref<64x133xf32, #tpu.memory_space<vmem>>[vector<16xi32>, vector<16xi32>], vector<16xf32>,
          %parallel_loop3A_163 = arith.constant 48 : i32
          %parallel_loop3A_164 = vector.broadcast %parallel_loop3A_163 : i32 to vector<16xi32>
          %parallel_loop3A_165 = arith.addi %iota3A, %parallel_loop3A_164 : vector<16xi32>
          %parallel_loop3A_166 = arith.constant 1 : i32
          %parallel_loop3A_167 = vector.broadcast %parallel_loop3A_166 : i32 to vector<16xi32>
          %parallel_loop3A_168 = arith.shrui %parallel_loop3A_165, %parallel_loop3A_167 : vector<16xi32>
          %parallel_loop3A_169 = arith.constant 1 : i32
          %parallel_loop3A_170 = vector.broadcast %parallel_loop3A_169 : i32 to vector<16xi32>
          %parallel_loop3A_171 = arith.andi %parallel_loop3A_165, %parallel_loop3A_170 : vector<16xi32>
          %parallel_loop3A_172 = arith.constant 64 : i32
          %parallel_loop3A_173 = vector.broadcast %parallel_loop3A_172 : i32 to vector<16xi32>
          %parallel_loop3A_174 = arith.muli %parallel_loop3A_171, %parallel_loop3A_173 : vector<16xi32>
          %parallel_loop3A_175 = vector.broadcast %parallel_loop3A_111 : i32 to vector<16xi32>
          %parallel_loop3A_176 = arith.addi %parallel_loop3A_174, %parallel_loop3A_175 : vector<16xi32>
          %parallel_loop3A_177 = arith.index_cast %parallel_loop3A_111 : i32 to index
          %parallel_loop3A_178 = arith.constant 48 : index
          %parallel_loop3A_179 = tpu.vector_load %arg6[%parallel_loop3A_177, %parallel_loop3A_178] {strides = array<i32>} : memref<64x128xf32, #tpu.memory_space<vmem>>, vector<16xf32>,
          tpu.vector_store_idx %arg8[%parallel_loop3A_168, %parallel_loop3A_176], %parallel_loop3A_179 : memref<64x133xf32, #tpu.memory_space<vmem>>[vector<16xi32>, vector<16xi32>], vector<16xf32>,
          %parallel_loop3A_180 = arith.constant 64 : i32
          %parallel_loop3A_181 = vector.broadcast %parallel_loop3A_180 : i32 to vector<16xi32>
          %parallel_loop3A_182 = arith.addi %iota3A, %parallel_loop3A_181 : vector<16xi32>
          %parallel_loop3A_183 = arith.constant 1 : i32
          %parallel_loop3A_184 = vector.broadcast %parallel_loop3A_183 : i32 to vector<16xi32>
          %parallel_loop3A_185 = arith.shrui %parallel_loop3A_182, %parallel_loop3A_184 : vector<16xi32>
          %parallel_loop3A_186 = arith.constant 1 : i32
          %parallel_loop3A_187 = vector.broadcast %parallel_loop3A_186 : i32 to vector<16xi32>
          %parallel_loop3A_188 = arith.andi %parallel_loop3A_182, %parallel_loop3A_187 : vector<16xi32>
          %parallel_loop3A_189 = arith.constant 64 : i32
          %parallel_loop3A_190 = vector.broadcast %parallel_loop3A_189 : i32 to vector<16xi32>
          %parallel_loop3A_191 = arith.muli %parallel_loop3A_188, %parallel_loop3A_190 : vector<16xi32>
          %parallel_loop3A_192 = vector.broadcast %parallel_loop3A_111 : i32 to vector<16xi32>
          %parallel_loop3A_193 = arith.addi %parallel_loop3A_191, %parallel_loop3A_192 : vector<16xi32>
          %parallel_loop3A_194 = arith.index_cast %parallel_loop3A_111 : i32 to index
          %parallel_loop3A_195 = arith.constant 64 : index
          %parallel_loop3A_196 = tpu.vector_load %arg6[%parallel_loop3A_194, %parallel_loop3A_195] {strides = array<i32>} : memref<64x128xf32, #tpu.memory_space<vmem>>, vector<16xf32>,
          tpu.vector_store_idx %arg8[%parallel_loop3A_185, %parallel_loop3A_193], %parallel_loop3A_196 : memref<64x133xf32, #tpu.memory_space<vmem>>[vector<16xi32>, vector<16xi32>], vector<16xf32>,
          %parallel_loop3A_197 = arith.constant 80 : i32
          %parallel_loop3A_198 = vector.broadcast %parallel_loop3A_197 : i32 to vector<16xi32>
          %parallel_loop3A_199 = arith.addi %iota3A, %parallel_loop3A_198 : vector<16xi32>
          %parallel_loop3A_200 = arith.constant 1 : i32
          %parallel_loop3A_201 = vector.broadcast %parallel_loop3A_200 : i32 to vector<16xi32>
          %parallel_loop3A_202 = arith.shrui %parallel_loop3A_199, %parallel_loop3A_201 : vector<16xi32>
          %parallel_loop3A_203 = arith.constant 1 : i32
          %parallel_loop3A_204 = vector.broadcast %parallel_loop3A_203 : i32 to vector<16xi32>
          %parallel_loop3A_205 = arith.andi %parallel_loop3A_199, %parallel_loop3A_204 : vector<16xi32>
          %parallel_loop3A_206 = arith.constant 64 : i32
          %parallel_loop3A_207 = vector.broadcast %parallel_loop3A_206 : i32 to vector<16xi32>
          %parallel_loop3A_208 = arith.muli %parallel_loop3A_205, %parallel_loop3A_207 : vector<16xi32>
          %parallel_loop3A_209 = vector.broadcast %parallel_loop3A_111 : i32 to vector<16xi32>
          %parallel_loop3A_210 = arith.addi %parallel_loop3A_208, %parallel_loop3A_209 : vector<16xi32>
          %parallel_loop3A_211 = arith.index_cast %parallel_loop3A_111 : i32 to index
          %parallel_loop3A_212 = arith.constant 80 : index
          %parallel_loop3A_213 = tpu.vector_load %arg6[%parallel_loop3A_211, %parallel_loop3A_212] {strides = array<i32>} : memref<64x128xf32, #tpu.memory_space<vmem>>, vector<16xf32>,
          tpu.vector_store_idx %arg8[%parallel_loop3A_202, %parallel_loop3A_210], %parallel_loop3A_213 : memref<64x133xf32, #tpu.memory_space<vmem>>[vector<16xi32>, vector<16xi32>], vector<16xf32>,
          %parallel_loop3A_214 = arith.constant 96 : i32
          %parallel_loop3A_215 = vector.broadcast %parallel_loop3A_214 : i32 to vector<16xi32>
          %parallel_loop3A_216 = arith.addi %iota3A, %parallel_loop3A_215 : vector<16xi32>
          %parallel_loop3A_217 = arith.constant 1 : i32
          %parallel_loop3A_218 = vector.broadcast %parallel_loop3A_217 : i32 to vector<16xi32>
          %parallel_loop3A_219 = arith.shrui %parallel_loop3A_216, %parallel_loop3A_218 : vector<16xi32>
          %parallel_loop3A_220 = arith.constant 1 : i32
          %parallel_loop3A_221 = vector.broadcast %parallel_loop3A_220 : i32 to vector<16xi32>
          %parallel_loop3A_222 = arith.andi %parallel_loop3A_216, %parallel_loop3A_221 : vector<16xi32>
          %parallel_loop3A_223 = arith.constant 64 : i32
          %parallel_loop3A_224 = vector.broadcast %parallel_loop3A_223 : i32 to vector<16xi32>
          %parallel_loop3A_225 = arith.muli %parallel_loop3A_222, %parallel_loop3A_224 : vector<16xi32>
          %parallel_loop3A_226 = vector.broadcast %parallel_loop3A_111 : i32 to vector<16xi32>
          %parallel_loop3A_227 = arith.addi %parallel_loop3A_225, %parallel_loop3A_226 : vector<16xi32>
          %parallel_loop3A_228 = arith.index_cast %parallel_loop3A_111 : i32 to index
          %parallel_loop3A_229 = arith.constant 96 : index
          %parallel_loop3A_230 = tpu.vector_load %arg6[%parallel_loop3A_228, %parallel_loop3A_229] {strides = array<i32>} : memref<64x128xf32, #tpu.memory_space<vmem>>, vector<16xf32>,
          tpu.vector_store_idx %arg8[%parallel_loop3A_219, %parallel_loop3A_227], %parallel_loop3A_230 : memref<64x133xf32, #tpu.memory_space<vmem>>[vector<16xi32>, vector<16xi32>], vector<16xf32>,
          %parallel_loop3A_231 = arith.constant 112 : i32
          %parallel_loop3A_232 = vector.broadcast %parallel_loop3A_231 : i32 to vector<16xi32>
          %parallel_loop3A_233 = arith.addi %iota3A, %parallel_loop3A_232 : vector<16xi32>
          %parallel_loop3A_234 = arith.constant 1 : i32
          %parallel_loop3A_235 = vector.broadcast %parallel_loop3A_234 : i32 to vector<16xi32>
          %parallel_loop3A_236 = arith.shrui %parallel_loop3A_233, %parallel_loop3A_235 : vector<16xi32>
          %parallel_loop3A_237 = arith.constant 1 : i32
          %parallel_loop3A_238 = vector.broadcast %parallel_loop3A_237 : i32 to vector<16xi32>
          %parallel_loop3A_239 = arith.andi %parallel_loop3A_233, %parallel_loop3A_238 : vector<16xi32>
          %parallel_loop3A_240 = arith.constant 64 : i32
          %parallel_loop3A_241 = vector.broadcast %parallel_loop3A_240 : i32 to vector<16xi32>
          %parallel_loop3A_242 = arith.muli %parallel_loop3A_239, %parallel_loop3A_241 : vector<16xi32>
          %parallel_loop3A_243 = vector.broadcast %parallel_loop3A_111 : i32 to vector<16xi32>
          %parallel_loop3A_244 = arith.addi %parallel_loop3A_242, %parallel_loop3A_243 : vector<16xi32>
          %parallel_loop3A_245 = arith.index_cast %parallel_loop3A_111 : i32 to index
          %parallel_loop3A_246 = arith.constant 112 : index
          %parallel_loop3A_247 = tpu.vector_load %arg6[%parallel_loop3A_245, %parallel_loop3A_246] {strides = array<i32>} : memref<64x128xf32, #tpu.memory_space<vmem>>, vector<16xf32>,
          tpu.vector_store_idx %arg8[%parallel_loop3A_236, %parallel_loop3A_244], %parallel_loop3A_247 : memref<64x133xf32, #tpu.memory_space<vmem>>[vector<16xi32>, vector<16xi32>], vector<16xf32>,
        } {sc.loop_unroll_factor = 8 : i64, sc.parallel_access}
        %eq3A_98 = arith.constant 7812 : i32
        %eq3A_99 = arith.cmpi eq, %add3A_65, %eq3A_98 : i32
        %mul3A_100 = arith.constant 64 : i32
        %mul3A_101 = arith.muli %add3A_65, %mul3A_100 : i32
        %jit3A = arith.constant 499936 : i32
        %select_n3A = arith.select %eq3A_99, %jit3A, %mul3A_101 : i32
        %dma_start3A = arith.constant 0 : i32
        %dma_start3A_102 = arith.constant 0 : i32
        %dma_start3A_103 = tpu.memref_slice %arg8[%dma_start3A, %dma_start3A_102] : memref<64x133xf32, #tpu.memory_space<vmem>> -> memref<64x128xf32, #tpu.memory_space<vmem>>
        %dma_start3A_104 = arith.constant 0 : i32
        %dma_start3A_105 = tpu.memref_slice %arg4[%select_n3A, %dma_start3A_104] : memref<500000x128xf32, #tpu.memory_space<hbm>> -> memref<64x128xf32, #tpu.memory_space<hbm>>
        %dma_start3A_106 = arith.constant 0 : i32
        %dma_start3A_107 = tpu.memref_slice %arg4[%select_n3A, %dma_start3A_106] : memref<500000x128xf32, #tpu.memory_space<hbm>> -> memref<64x128xf32, #tpu.memory_space<hbm>>
        %dma_start3A_108 = arith.constant 0 : i32
        %dma_start3A_109 = arith.constant 0 : i32
        %dma_start3A_110 = tpu.memref_slice %arg8[%dma_start3A_108, %dma_start3A_109] : memref<64x133xf32, #tpu.memory_space<vmem>> -> memref<64x128xf32, #tpu.memory_space<vmem>>
        tpu.enqueue_dma source(%dma_start3A_110 : memref<64x128xf32, #tpu.memory_space<vmem>>) target(%dma_start3A_107 : memref<64x128xf32, #tpu.memory_space<hbm>>) target_semaphore(%arg12 : memref<!tpu.dma_semaphore, #tpu.memory_space<semaphore_mem>>)
      } else {
      }
      %gt3A_71 = arith.constant 7812 : i32
      %gt3A_72 = arith.cmpi sgt, %add3A_65, %gt3A_71 : i32
      %sub3A_73 = arith.constant 2 : i32
      %sub3A_74 = arith.subi %add3A_65, %sub3A_73 : i32
      %le3A_75 = arith.constant 7812 : i32
      %le3A_76 = arith.cmpi sle, %sub3A_74, %le3A_75 : i32
      %and3A_77 = arith.andi %gt3A_72, %le3A_76 : i1
      %convert_element_type3A_78 = arith.extui %and3A_77 : i1 to i32
      %cond3A_79 = arith.constant 0 : i32
      %cond3A_80 = arith.cmpi ne, %convert_element_type3A_78, %cond3A_79 : i32
      scf.if %cond3A_80 {
        %dma_wait3A = arith.constant 0 : i32
        %dma_wait3A_86 = arith.constant 0 : i32
        %dma_wait3A_87 = tpu.memref_slice %arg8[%dma_wait3A, %dma_wait3A_86] : memref<64x133xf32, #tpu.memory_space<vmem>> -> memref<64x128xf32, #tpu.memory_space<vmem>>
        %dma_wait3A_88 = arith.constant 0 : i32
        %dma_wait3A_89 = arith.constant 0 : i32
        %dma_wait3A_90 = tpu.memref_slice %arg4[%dma_wait3A_88, %dma_wait3A_89] : memref<500000x128xf32, #tpu.memory_space<hbm>> -> memref<64x128xf32, #tpu.memory_space<hbm>>
        %dma_wait3A_91 = arith.constant 0 : i32
        %dma_wait3A_92 = arith.constant 0 : i32
        %dma_wait3A_93 = tpu.memref_slice %arg4[%dma_wait3A_91, %dma_wait3A_92] : memref<500000x128xf32, #tpu.memory_space<hbm>> -> memref<64x128xf32, #tpu.memory_space<hbm>>
        %dma_wait3A_94 = arith.constant 0 : i32
        %dma_wait3A_95 = arith.constant 0 : i32
        %dma_wait3A_96 = tpu.memref_slice %arg8[%dma_wait3A_94, %dma_wait3A_95] : memref<64x133xf32, #tpu.memory_space<vmem>> -> memref<64x128xf32, #tpu.memory_space<vmem>>
        tpu.wait_dma2 semaphore(%arg12 : memref<!tpu.dma_semaphore, #tpu.memory_space<semaphore_mem>>) src(%dma_wait3A_96 : memref<64x128xf32, #tpu.memory_space<vmem>>) dst(%dma_wait3A_93 : memref<64x128xf32, #tpu.memory_space<hbm>>)
      } else {
      }
      %lt3A_81 = arith.constant 122 : i32
      %lt3A_82 = arith.cmpi slt, %scan3A_42, %lt3A_81 : i32
      %convert_element_type3A_83 = arith.extui %lt3A_82 : i1 to i32
      %cond3A_84 = arith.constant 0 : i32
      %cond3A_85 = arith.cmpi ne, %convert_element_type3A_83, %cond3A_84 : i32
      scf.if %cond3A_85 {
        %add3A_86 = arith.constant 3 : i32
        %add3A_87 = arith.addi %add3A_45, %add3A_86 : i32
        %lt3A_88 = arith.constant 7812 : i32
        %lt3A_89 = arith.cmpi slt, %add3A_87, %lt3A_88 : i32
        %convert_element_type3A_90 = arith.extui %lt3A_89 : i1 to i32
        %cond3A_91 = arith.constant 0 : i32
        %cond3A_92 = arith.cmpi ne, %convert_element_type3A_90, %cond3A_91 : i32
        scf.if %cond3A_92 {
          %mul3A_98 = arith.constant 128 : i32
          %mul3A_99 = arith.muli %add3A_87, %mul3A_98 : i32
          %dma_start3A = arith.constant 0 : i32
          %dma_start3A_100 = tpu.memref_slice %arg2[%dma_start3A, %mul3A_99] : memref<64x1000000xf32, #tpu.memory_space<hbm>> -> memref<64x128xf32, #tpu.memory_space<hbm>>
          %dma_start3A_101 = arith.constant 0 : i32
          %dma_start3A_102 = tpu.memref_slice %arg2[%dma_start3A_101, %mul3A_99] : memref<64x1000000xf32, #tpu.memory_space<hbm>> -> memref<64x128xf32, #tpu.memory_space<hbm>>
          tpu.enqueue_dma source(%dma_start3A_102 : memref<64x128xf32, #tpu.memory_space<hbm>>) target(%arg6 : memref<64x128xf32, #tpu.memory_space<vmem>>) target_semaphore(%arg10 : memref<!tpu.dma_semaphore, #tpu.memory_space<semaphore_mem>>)
        } else {
        }
        %eq3A_93 = arith.constant 7812 : i32
        %eq3A_94 = arith.cmpi eq, %add3A_87, %eq3A_93 : i32
        %convert_element_type3A_95 = arith.extui %eq3A_94 : i1 to i32
        %cond3A_96 = arith.constant 0 : i32
        %cond3A_97 = arith.cmpi ne, %convert_element_type3A_95, %cond3A_96 : i32
        scf.if %cond3A_97 {
          tpu.enqueue_dma source(%arg3 : memref<64x128xf32, #tpu.memory_space<hbm>>) target(%arg6 : memref<64x128xf32, #tpu.memory_space<vmem>>) target_semaphore(%arg10 : memref<!tpu.dma_semaphore, #tpu.memory_space<semaphore_mem>>)
        } else {
        }
      } else {
      }
    }
    %scan3A_25 = arith.constant 123 : i32
    %add3A_26 = arith.constant 246 : i32
    %add3A_27 = arith.addi %mul3A_2, %add3A_26 : i32
    %sub3A = arith.constant 2 : i32
    %sub3A_28 = arith.subi %add3A_27, %sub3A : i32
    %le3A = arith.constant 7812 : i32
    %le3A_29 = arith.cmpi sle, %sub3A_28, %le3A : i32
    %convert_element_type3A_30 = arith.extui %le3A_29 : i1 to i32
    %cond3A_31 = arith.constant 0 : i32
    %cond3A_32 = arith.cmpi ne, %convert_element_type3A_30, %cond3A_31 : i32
    scf.if %cond3A_32 {
      %dma_wait3A = arith.constant 0 : i32
      %dma_wait3A_42 = arith.constant 0 : i32
      %dma_wait3A_43 = tpu.memref_slice %arg7[%dma_wait3A, %dma_wait3A_42] : memref<64x133xf32, #tpu.memory_space<vmem>> -> memref<64x128xf32, #tpu.memory_space<vmem>>
      %dma_wait3A_44 = arith.constant 0 : i32
      %dma_wait3A_45 = arith.constant 0 : i32
      %dma_wait3A_46 = tpu.memref_slice %arg4[%dma_wait3A_44, %dma_wait3A_45] : memref<500000x128xf32, #tpu.memory_space<hbm>> -> memref<64x128xf32, #tpu.memory_space<hbm>>
      %dma_wait3A_47 = arith.constant 0 : i32
      %dma_wait3A_48 = arith.constant 0 : i32
      %dma_wait3A_49 = tpu.memref_slice %arg4[%dma_wait3A_47, %dma_wait3A_48] : memref<500000x128xf32, #tpu.memory_space<hbm>> -> memref<64x128xf32, #tpu.memory_space<hbm>>
      %dma_wait3A_50 = arith.constant 0 : i32
      %dma_wait3A_51 = arith.constant 0 : i32
      %dma_wait3A_52 = tpu.memref_slice %arg7[%dma_wait3A_50, %dma_wait3A_51] : memref<64x133xf32, #tpu.memory_space<vmem>> -> memref<64x128xf32, #tpu.memory_space<vmem>>
      tpu.wait_dma2 semaphore(%arg11 : memref<!tpu.dma_semaphore, #tpu.memory_space<semaphore_mem>>) src(%dma_wait3A_52 : memref<64x128xf32, #tpu.memory_space<vmem>>) dst(%dma_wait3A_49 : memref<64x128xf32, #tpu.memory_space<hbm>>)
    } else {
    }
    %add3A_33 = arith.constant 246 : i32
    %add3A_34 = arith.addi %mul3A_2, %add3A_33 : i32
    %sub3A_35 = arith.constant 1 : i32
    %sub3A_36 = arith.subi %add3A_34, %sub3A_35 : i32
    %le3A_37 = arith.constant 7812 : i32
    %le3A_38 = arith.cmpi sle, %sub3A_36, %le3A_37 : i32
    %convert_element_type3A_39 = arith.extui %le3A_38 : i1 to i32
    %cond3A_40 = arith.constant 0 : i32
    %cond3A_41 = arith.cmpi ne, %convert_element_type3A_39, %cond3A_40 : i32
    scf.if %cond3A_41 {
      %dma_wait3A = arith.constant 0 : i32
      %dma_wait3A_42 = arith.constant 0 : i32
      %dma_wait3A_43 = tpu.memref_slice %arg8[%dma_wait3A, %dma_wait3A_42] : memref<64x133xf32, #tpu.memory_space<vmem>> -> memref<64x128xf32, #tpu.memory_space<vmem>>
      %dma_wait3A_44 = arith.constant 0 : i32
      %dma_wait3A_45 = arith.constant 0 : i32
      %dma_wait3A_46 = tpu.memref_slice %arg4[%dma_wait3A_44, %dma_wait3A_45] : memref<500000x128xf32, #tpu.memory_space<hbm>> -> memref<64x128xf32, #tpu.memory_space<hbm>>
      %dma_wait3A_47 = arith.constant 0 : i32
      %dma_wait3A_48 = arith.constant 0 : i32
      %dma_wait3A_49 = tpu.memref_slice %arg4[%dma_wait3A_47, %dma_wait3A_48] : memref<500000x128xf32, #tpu.memory_space<hbm>> -> memref<64x128xf32, #tpu.memory_space<hbm>>
      %dma_wait3A_50 = arith.constant 0 : i32
      %dma_wait3A_51 = arith.constant 0 : i32
      %dma_wait3A_52 = tpu.memref_slice %arg8[%dma_wait3A_50, %dma_wait3A_51] : memref<64x133xf32, #tpu.memory_space<vmem>> -> memref<64x128xf32, #tpu.memory_space<vmem>>
      tpu.wait_dma2 semaphore(%arg12 : memref<!tpu.dma_semaphore, #tpu.memory_space<semaphore_mem>>) src(%dma_wait3A_52 : memref<64x128xf32, #tpu.memory_space<vmem>>) dst(%dma_wait3A_49 : memref<64x128xf32, #tpu.memory_space<hbm>>)
    } else {
    }
    return
  }
}

#map = affine_map<(d0, d1) -> (0, 0)>
#map1 = affine_map<(d0, d1) -> (0, 0, 0)>
module attributes {stable_mosaic.version = 14 : i64} {
  func.func @k(%arg0: i32, %arg1: i32, %arg2: memref<1000000x64xf32, #tpu.memory_space<hbm>>, %arg3: memref<32x200x128xi32, #tpu.memory_space<hbm>>, %arg4: memref<50x64x16384xf32, #tpu.memory_space<hbm>>, %arg5: memref<200x128xi32, #tpu.memory_space<vmem>>, %arg6: memref<128x64xf32, #tpu.memory_space<vmem>>, %arg7: memref<128x64xf32, #tpu.memory_space<vmem>>, %arg8: memref<64x131xf32, #tpu.memory_space<vmem>>, %arg9: memref<64x131xf32, #tpu.memory_space<vmem>>, %arg10: memref<!tpu.dma_semaphore, #tpu.memory_space<semaphore_mem>>, %arg11: memref<!tpu.dma_semaphore, #tpu.memory_space<semaphore_mem>>, %arg12: memref<!tpu.dma_semaphore, #tpu.memory_space<semaphore_mem>>, %arg13: memref<!tpu.dma_semaphore, #tpu.memory_space<semaphore_mem>>) attributes {dimension_semantics = [#tpu.dimension_semantics<core_parallel>, #tpu.dimension_semantics<subcore_parallel>], iteration_bounds = array<i64: 2, 16>, scalar_prefetch = 0 : i64, scratch_operands = 9 : i64, tpu.core_type = #tpu.core_type<sc_vector_subcore>, window_params = [{transform_indices = #map}, {transform_indices = #map1}, {transform_indices = #map1}]} {
    %mul3A = arith.constant 2 : i32
    %mul3A_0 = arith.muli %arg1, %mul3A : i32
    %add3A = arith.addi %mul3A_0, %arg0 : i32
    %mul3A_1 = arith.constant 200 : i32
    %mul3A_2 = arith.muli %add3A, %mul3A_1 : i32
    "tpu.region"() ({
      %run_scoped3A = tpu.sem_alloc : memref<!tpu.dma_semaphore, #tpu.memory_space<semaphore_mem>>
      %dma_start3A_50 = arith.constant 0 : i32
      %dma_start3A_51 = arith.constant 0 : i32
      %dma_start3A_52 = tpu.memref_slice %arg3[%add3A, %dma_start3A_50, %dma_start3A_51] : memref<32x200x128xi32, #tpu.memory_space<hbm>> -> memref<1x200x128xi32, #tpu.memory_space<hbm>>
      %dma_start3A_53 = tpu.memref_squeeze %dma_start3A_52 : memref<1x200x128xi32, #tpu.memory_space<hbm>> -> memref<200x128xi32, #tpu.memory_space<hbm>>
      %dma_start3A_54 = arith.constant 0 : i32
      %dma_start3A_55 = arith.constant 0 : i32
      %dma_start3A_56 = tpu.memref_slice %arg3[%add3A, %dma_start3A_54, %dma_start3A_55] : memref<32x200x128xi32, #tpu.memory_space<hbm>> -> memref<1x200x128xi32, #tpu.memory_space<hbm>>
      %dma_start3A_57 = tpu.memref_squeeze %dma_start3A_56 : memref<1x200x128xi32, #tpu.memory_space<hbm>> -> memref<200x128xi32, #tpu.memory_space<hbm>>
      tpu.enqueue_dma source(%dma_start3A_57 : memref<200x128xi32, #tpu.memory_space<hbm>>) target(%arg5 : memref<200x128xi32, #tpu.memory_space<vmem>>) target_semaphore(%run_scoped3A : memref<!tpu.dma_semaphore, #tpu.memory_space<semaphore_mem>>)
      %dma_wait3A_58 = arith.constant 0 : i32
      %dma_wait3A_59 = arith.constant 0 : i32
      %dma_wait3A_60 = tpu.memref_slice %arg3[%add3A, %dma_wait3A_58, %dma_wait3A_59] : memref<32x200x128xi32, #tpu.memory_space<hbm>> -> memref<1x200x128xi32, #tpu.memory_space<hbm>>
      %dma_wait3A_61 = tpu.memref_squeeze %dma_wait3A_60 : memref<1x200x128xi32, #tpu.memory_space<hbm>> -> memref<200x128xi32, #tpu.memory_space<hbm>>
      %dma_wait3A_62 = arith.constant 0 : i32
      %dma_wait3A_63 = arith.constant 0 : i32
      %dma_wait3A_64 = tpu.memref_slice %arg3[%add3A, %dma_wait3A_62, %dma_wait3A_63] : memref<32x200x128xi32, #tpu.memory_space<hbm>> -> memref<1x200x128xi32, #tpu.memory_space<hbm>>
      %dma_wait3A_65 = tpu.memref_squeeze %dma_wait3A_64 : memref<1x200x128xi32, #tpu.memory_space<hbm>> -> memref<200x128xi32, #tpu.memory_space<hbm>>
      tpu.wait_dma2 semaphore(%run_scoped3A : memref<!tpu.dma_semaphore, #tpu.memory_space<semaphore_mem>>) src(%dma_wait3A_65 : memref<200x128xi32, #tpu.memory_space<hbm>>) dst(%arg5 : memref<200x128xi32, #tpu.memory_space<vmem>>)
      tpu.yield
    }) : () -> ()
    %dma_start3A = arith.constant 0 : i32
    %dma_start3A_3 = arith.constant 0 : i32
    %dma_start3A_4 = tpu.memref_slice %arg5[%dma_start3A, %dma_start3A_3] : memref<200x128xi32, #tpu.memory_space<vmem>> -> memref<1x128xi32, #tpu.memory_space<vmem>>
    %dma_start3A_5 = tpu.memref_squeeze %dma_start3A_4 : memref<1x128xi32, #tpu.memory_space<vmem>> -> memref<128xi32, #tpu.memory_space<vmem>>
    %dma_start3A_6 = arith.constant 0 : i32
    %dma_start3A_7 = arith.constant 0 : i32
    %dma_start3A_8 = tpu.memref_slice %arg2[%dma_start3A_6, %dma_start3A_7] : memref<1000000x64xf32, #tpu.memory_space<hbm>> -> memref<1000000x64xf32, #tpu.memory_space<hbm>>
    tpu.enqueue_indirect_dma source(%dma_start3A_8 : memref<1000000x64xf32, #tpu.memory_space<hbm>>) target(%arg6 : memref<128x64xf32, #tpu.memory_space<vmem>>) offsets(%dma_start3A_5 : memref<128xi32, #tpu.memory_space<vmem>>) semaphore(%arg10 : memref<!tpu.dma_semaphore, #tpu.memory_space<semaphore_mem>>)
    %dma_start3A_9 = arith.constant 1 : i32
    %dma_start3A_10 = arith.constant 0 : i32
    %dma_start3A_11 = tpu.memref_slice %arg5[%dma_start3A_9, %dma_start3A_10] : memref<200x128xi32, #tpu.memory_space<vmem>> -> memref<1x128xi32, #tpu.memory_space<vmem>>
    %dma_start3A_12 = tpu.memref_squeeze %dma_start3A_11 : memref<1x128xi32, #tpu.memory_space<vmem>> -> memref<128xi32, #tpu.memory_space<vmem>>
    %dma_start3A_13 = arith.constant 0 : i32
    %dma_start3A_14 = arith.constant 0 : i32
    %dma_start3A_15 = tpu.memref_slice %arg2[%dma_start3A_13, %dma_start3A_14] : memref<1000000x64xf32, #tpu.memory_space<hbm>> -> memref<1000000x64xf32, #tpu.memory_space<hbm>>
    tpu.enqueue_indirect_dma source(%dma_start3A_15 : memref<1000000x64xf32, #tpu.memory_space<hbm>>) target(%arg7 : memref<128x64xf32, #tpu.memory_space<vmem>>) offsets(%dma_start3A_12 : memref<128xi32, #tpu.memory_space<vmem>>) semaphore(%arg11 : memref<!tpu.dma_semaphore, #tpu.memory_space<semaphore_mem>>)
    %scan3A = arith.constant 0 : i32
    %scan3A_16 = arith.constant 0 : i32
    %scan3A_17 = arith.constant 100 : i32
    %scan3A_18 = arith.addi %scan3A_16, %scan3A_17 : i32
    %scan3A_19 = arith.constant 1 : i32
    scf.for %scan3A_50 = %scan3A_16 to %scan3A_18 step %scan3A_19  : i32 {
      %mul3A_51 = arith.constant 2 : i32
      %mul3A_52 = arith.muli %mul3A_51, %scan3A_50 : i32
      %dma_wait3A_53 = arith.constant 0 : i32
      %dma_wait3A_54 = arith.constant 0 : i32
      %dma_wait3A_55 = tpu.memref_slice %arg2[%dma_wait3A_53, %dma_wait3A_54] : memref<1000000x64xf32, #tpu.memory_space<hbm>> -> memref<128x64xf32, #tpu.memory_space<hbm>>
      %dma_wait3A_56 = arith.constant 0 : i32
      %dma_wait3A_57 = arith.constant 0 : i32
      %dma_wait3A_58 = tpu.memref_slice %arg2[%dma_wait3A_56, %dma_wait3A_57] : memref<1000000x64xf32, #tpu.memory_space<hbm>> -> memref<128x64xf32, #tpu.memory_space<hbm>>
      tpu.wait_dma2 semaphore(%arg10 : memref<!tpu.dma_semaphore, #tpu.memory_space<semaphore_mem>>) src(%dma_wait3A_58 : memref<128x64xf32, #tpu.memory_space<hbm>>) dst(%arg6 : memref<128x64xf32, #tpu.memory_space<vmem>>)
      %gt3A = arith.constant 0 : i32
      %gt3A_59 = arith.cmpi sgt, %scan3A_50, %gt3A : i32
      %convert_element_type3A = arith.extui %gt3A_59 : i1 to i32
      %cond3A = arith.constant 0 : i32
      %cond3A_60 = arith.cmpi ne, %convert_element_type3A, %cond3A : i32
      scf.if %cond3A_60 {
        %dma_wait3A_190 = arith.constant 0 : i32
        %dma_wait3A_191 = arith.constant 0 : i32
        %dma_wait3A_192 = arith.constant 0 : i32
        %dma_wait3A_193 = tpu.memref_slice %arg8[%dma_wait3A_191, %dma_wait3A_192] : memref<64x131xf32, #tpu.memory_space<vmem>> -> memref<64x128xf32, #tpu.memory_space<vmem>>
        %dma_wait3A_194 = arith.constant 0 : i32
        %dma_wait3A_195 = arith.constant 0 : i32
        %dma_wait3A_196 = tpu.memref_slice %arg4[%dma_wait3A_190, %dma_wait3A_194, %dma_wait3A_195] : memref<50x64x16384xf32, #tpu.memory_space<hbm>> -> memref<1x64x128xf32, #tpu.memory_space<hbm>>
        %dma_wait3A_197 = tpu.memref_squeeze %dma_wait3A_196 : memref<1x64x128xf32, #tpu.memory_space<hbm>> -> memref<64x128xf32, #tpu.memory_space<hbm>>
        %dma_wait3A_198 = arith.constant 0 : i32
        %dma_wait3A_199 = arith.constant 0 : i32
        %dma_wait3A_200 = tpu.memref_slice %arg4[%dma_wait3A_190, %dma_wait3A_198, %dma_wait3A_199] : memref<50x64x16384xf32, #tpu.memory_space<hbm>> -> memref<1x64x128xf32, #tpu.memory_space<hbm>>
        %dma_wait3A_201 = tpu.memref_squeeze %dma_wait3A_200 : memref<1x64x128xf32, #tpu.memory_space<hbm>> -> memref<64x128xf32, #tpu.memory_space<hbm>>
        %dma_wait3A_202 = arith.constant 0 : i32
        %dma_wait3A_203 = arith.constant 0 : i32
        %dma_wait3A_204 = tpu.memref_slice %arg8[%dma_wait3A_202, %dma_wait3A_203] : memref<64x131xf32, #tpu.memory_space<vmem>> -> memref<64x128xf32, #tpu.memory_space<vmem>>
        tpu.wait_dma2 semaphore(%arg12 : memref<!tpu.dma_semaphore, #tpu.memory_space<semaphore_mem>>) src(%dma_wait3A_204 : memref<64x128xf32, #tpu.memory_space<vmem>>) dst(%dma_wait3A_201 : memref<64x128xf32, #tpu.memory_space<hbm>>)
      } else {
      }
      %iota3A = tpu.iota {dimensions = array<i32: 0>} : vector<16xi32>
      %parallel_loop3A = arith.constant 0 : i32
      %parallel_loop3A_61 = arith.constant 128 : i32
      %parallel_loop3A_62 = arith.constant 1 : i32
      scf.for %parallel_loop3A_190 = %parallel_loop3A to %parallel_loop3A_61 step %parallel_loop3A_62  : i32 {
        %parallel_loop3A_191 = vector.broadcast %parallel_loop3A_190 : i32 to vector<16xi32>
        %parallel_loop3A_192 = arith.constant 0 : i32
        %parallel_loop3A_193 = vector.broadcast %parallel_loop3A_192 : i32 to vector<16xi32>
        %parallel_loop3A_194 = arith.addi %iota3A, %parallel_loop3A_193 : vector<16xi32>
        %parallel_loop3A_195 = arith.index_cast %parallel_loop3A_190 : i32 to index
        %parallel_loop3A_196 = arith.constant 0 : index
        %parallel_loop3A_197 = tpu.vector_load %arg6[%parallel_loop3A_195, %parallel_loop3A_196] {strides = array<i32>} : memref<128x64xf32, #tpu.memory_space<vmem>>, vector<16xf32>,
        %parallel_loop3A_198 = arith.constant 8.000000e+00 : f32
        %parallel_loop3A_199 = vector.broadcast %parallel_loop3A_198 : f32 to vector<16xf32>
        %parallel_loop3A_200 = arith.mulf %parallel_loop3A_197, %parallel_loop3A_199 : vector<16xf32>
        tpu.vector_store_idx %arg8[%parallel_loop3A_194, %parallel_loop3A_191], %parallel_loop3A_200 : memref<64x131xf32, #tpu.memory_space<vmem>>[vector<16xi32>, vector<16xi32>], vector<16xf32>,
        %parallel_loop3A_201 = arith.constant 16 : i32
        %parallel_loop3A_202 = vector.broadcast %parallel_loop3A_201 : i32 to vector<16xi32>
        %parallel_loop3A_203 = arith.addi %iota3A, %parallel_loop3A_202 : vector<16xi32>
        %parallel_loop3A_204 = arith.index_cast %parallel_loop3A_190 : i32 to index
        %parallel_loop3A_205 = arith.constant 16 : index
        %parallel_loop3A_206 = tpu.vector_load %arg6[%parallel_loop3A_204, %parallel_loop3A_205] {strides = array<i32>} : memref<128x64xf32, #tpu.memory_space<vmem>>, vector<16xf32>,
        %parallel_loop3A_207 = arith.constant 8.000000e+00 : f32
        %parallel_loop3A_208 = vector.broadcast %parallel_loop3A_207 : f32 to vector<16xf32>
        %parallel_loop3A_209 = arith.mulf %parallel_loop3A_206, %parallel_loop3A_208 : vector<16xf32>
        tpu.vector_store_idx %arg8[%parallel_loop3A_203, %parallel_loop3A_191], %parallel_loop3A_209 : memref<64x131xf32, #tpu.memory_space<vmem>>[vector<16xi32>, vector<16xi32>], vector<16xf32>,
        %parallel_loop3A_210 = arith.constant 32 : i32
        %parallel_loop3A_211 = vector.broadcast %parallel_loop3A_210 : i32 to vector<16xi32>
        %parallel_loop3A_212 = arith.addi %iota3A, %parallel_loop3A_211 : vector<16xi32>
        %parallel_loop3A_213 = arith.index_cast %parallel_loop3A_190 : i32 to index
        %parallel_loop3A_214 = arith.constant 32 : index
        %parallel_loop3A_215 = tpu.vector_load %arg6[%parallel_loop3A_213, %parallel_loop3A_214] {strides = array<i32>} : memref<128x64xf32, #tpu.memory_space<vmem>>, vector<16xf32>,
        %parallel_loop3A_216 = arith.constant 8.000000e+00 : f32
        %parallel_loop3A_217 = vector.broadcast %parallel_loop3A_216 : f32 to vector<16xf32>
        %parallel_loop3A_218 = arith.mulf %parallel_loop3A_215, %parallel_loop3A_217 : vector<16xf32>
        tpu.vector_store_idx %arg8[%parallel_loop3A_212, %parallel_loop3A_191], %parallel_loop3A_218 : memref<64x131xf32, #tpu.memory_space<vmem>>[vector<16xi32>, vector<16xi32>], vector<16xf32>,
        %parallel_loop3A_219 = arith.constant 48 : i32
        %parallel_loop3A_220 = vector.broadcast %parallel_loop3A_219 : i32 to vector<16xi32>
        %parallel_loop3A_221 = arith.addi %iota3A, %parallel_loop3A_220 : vector<16xi32>
        %parallel_loop3A_222 = arith.index_cast %parallel_loop3A_190 : i32 to index
        %parallel_loop3A_223 = arith.constant 48 : index
        %parallel_loop3A_224 = tpu.vector_load %arg6[%parallel_loop3A_222, %parallel_loop3A_223] {strides = array<i32>} : memref<128x64xf32, #tpu.memory_space<vmem>>, vector<16xf32>,
        %parallel_loop3A_225 = arith.constant 8.000000e+00 : f32
        %parallel_loop3A_226 = vector.broadcast %parallel_loop3A_225 : f32 to vector<16xf32>
        %parallel_loop3A_227 = arith.mulf %parallel_loop3A_224, %parallel_loop3A_226 : vector<16xf32>
        tpu.vector_store_idx %arg8[%parallel_loop3A_221, %parallel_loop3A_191], %parallel_loop3A_227 : memref<64x131xf32, #tpu.memory_space<vmem>>[vector<16xi32>, vector<16xi32>], vector<16xf32>,
      } {sc.loop_unroll_factor = 8 : i64, sc.parallel_access}
      %add3A_63 = arith.addi %mul3A_2, %mul3A_52 : i32
      %jit3A = arith.constant 128 : i32
      %div3A = arith.divsi %add3A_63, %jit3A : i32
      %sign3A = arith.constant 0 : i32
      %sign3A_64 = arith.cmpi sgt, %add3A_63, %sign3A : i32
      %sign3A_65 = arith.extui %sign3A_64 : i1 to i32
      %sign3A_66 = arith.constant 0 : i32
      %sign3A_67 = arith.cmpi slt, %add3A_63, %sign3A_66 : i32
      %sign3A_68 = arith.extui %sign3A_67 : i1 to i32
      %sign3A_69 = arith.subi %sign3A_65, %sign3A_68 : i32
      %sign3A_70 = arith.constant 0 : i32
      %sign3A_71 = arith.cmpi sgt, %jit3A, %sign3A_70 : i32
      %sign3A_72 = arith.extui %sign3A_71 : i1 to i32
      %sign3A_73 = arith.constant 0 : i32
      %sign3A_74 = arith.cmpi slt, %jit3A, %sign3A_73 : i32
      %sign3A_75 = arith.extui %sign3A_74 : i1 to i32
      %sign3A_76 = arith.subi %sign3A_72, %sign3A_75 : i32
      %ne3A = arith.cmpi ne, %sign3A_69, %sign3A_76 : i32
      %rem3A = arith.remsi %add3A_63, %jit3A : i32
      %ne3A_77 = arith.constant 0 : i32
      %ne3A_78 = arith.cmpi ne, %rem3A, %ne3A_77 : i32
      %and3A = arith.andi %ne3A, %ne3A_78 : i1
      %sub3A = arith.constant 1 : i32
      %sub3A_79 = arith.subi %div3A, %sub3A : i32
      %select_n3A = arith.select %and3A, %sub3A_79, %div3A : i32
      %jit3A_80 = arith.constant 128 : i32
      %eq3A = arith.constant 0 : i32
      %eq3A_81 = arith.cmpi eq, %jit3A_80, %eq3A : i32
      %jit3A_82 = arith.constant 1 : i32
      %select_n3A_83 = arith.select %eq3A_81, %jit3A_82, %jit3A_80 : i32
      %rem3A_84 = arith.remsi %add3A_63, %select_n3A_83 : i32
      %ne3A_85 = arith.constant 0 : i32
      %ne3A_86 = arith.cmpi ne, %rem3A_84, %ne3A_85 : i32
      %lt3A = arith.constant 0 : i32
      %lt3A_87 = arith.cmpi slt, %rem3A_84, %lt3A : i32
      %lt3A_88 = arith.constant 0 : i32
      %lt3A_89 = arith.cmpi slt, %select_n3A_83, %lt3A_88 : i32
      %ne3A_90 = arith.xori %lt3A_87, %lt3A_89 : i1
      %and3A_91 = arith.andi %ne3A_90, %ne3A_86 : i1
      %add3A_92 = arith.addi %rem3A_84, %select_n3A_83 : i32
      %select_n3A_93 = arith.select %and3A_91, %add3A_92, %rem3A_84 : i32
      %mul3A_94 = arith.constant 128 : i32
      %mul3A_95 = arith.muli %select_n3A_93, %mul3A_94 : i32
      %dma_start3A_96 = arith.constant 0 : i32
      %dma_start3A_97 = arith.constant 0 : i32
      %dma_start3A_98 = tpu.memref_slice %arg8[%dma_start3A_96, %dma_start3A_97] : memref<64x131xf32, #tpu.memory_space<vmem>> -> memref<64x128xf32, #tpu.memory_space<vmem>>
      %dma_start3A_99 = arith.constant 0 : i32
      %dma_start3A_100 = tpu.memref_slice %arg4[%select_n3A, %dma_start3A_99, %mul3A_95] : memref<50x64x16384xf32, #tpu.memory_space<hbm>> -> memref<1x64x128xf32, #tpu.memory_space<hbm>>
      %dma_start3A_101 = tpu.memref_squeeze %dma_start3A_100 : memref<1x64x128xf32, #tpu.memory_space<hbm>> -> memref<64x128xf32, #tpu.memory_space<hbm>>
      %dma_start3A_102 = arith.constant 0 : i32
      %dma_start3A_103 = tpu.memref_slice %arg4[%select_n3A, %dma_start3A_102, %mul3A_95] : memref<50x64x16384xf32, #tpu.memory_space<hbm>> -> memref<1x64x128xf32, #tpu.memory_space<hbm>>
      %dma_start3A_104 = tpu.memref_squeeze %dma_start3A_103 : memref<1x64x128xf32, #tpu.memory_space<hbm>> -> memref<64x128xf32, #tpu.memory_space<hbm>>
      %dma_start3A_105 = arith.constant 0 : i32
      %dma_start3A_106 = arith.constant 0 : i32
      %dma_start3A_107 = tpu.memref_slice %arg8[%dma_start3A_105, %dma_start3A_106] : memref<64x131xf32, #tpu.memory_space<vmem>> -> memref<64x128xf32, #tpu.memory_space<vmem>>
      tpu.enqueue_dma source(%dma_start3A_107 : memref<64x128xf32, #tpu.memory_space<vmem>>) target(%dma_start3A_104 : memref<64x128xf32, #tpu.memory_space<hbm>>) target_semaphore(%arg12 : memref<!tpu.dma_semaphore, #tpu.memory_space<semaphore_mem>>)
      %lt3A_108 = arith.constant 99 : i32
      %lt3A_109 = arith.cmpi slt, %scan3A_50, %lt3A_108 : i32
      %convert_element_type3A_110 = arith.extui %lt3A_109 : i1 to i32
      %cond3A_111 = arith.constant 0 : i32
      %cond3A_112 = arith.cmpi ne, %convert_element_type3A_110, %cond3A_111 : i32
      scf.if %cond3A_112 {
        %add3A_190 = arith.constant 2 : i32
        %add3A_191 = arith.addi %mul3A_52, %add3A_190 : i32
        %dma_start3A_192 = arith.constant 0 : i32
        %dma_start3A_193 = tpu.memref_slice %arg5[%add3A_191, %dma_start3A_192] : memref<200x128xi32, #tpu.memory_space<vmem>> -> memref<1x128xi32, #tpu.memory_space<vmem>>
        %dma_start3A_194 = tpu.memref_squeeze %dma_start3A_193 : memref<1x128xi32, #tpu.memory_space<vmem>> -> memref<128xi32, #tpu.memory_space<vmem>>
        %dma_start3A_195 = arith.constant 0 : i32
        %dma_start3A_196 = arith.constant 0 : i32
        %dma_start3A_197 = tpu.memref_slice %arg2[%dma_start3A_195, %dma_start3A_196] : memref<1000000x64xf32, #tpu.memory_space<hbm>> -> memref<1000000x64xf32, #tpu.memory_space<hbm>>
        tpu.enqueue_indirect_dma source(%dma_start3A_197 : memref<1000000x64xf32, #tpu.memory_space<hbm>>) target(%arg6 : memref<128x64xf32, #tpu.memory_space<vmem>>) offsets(%dma_start3A_194 : memref<128xi32, #tpu.memory_space<vmem>>) semaphore(%arg10 : memref<!tpu.dma_semaphore, #tpu.memory_space<semaphore_mem>>)
      } else {
      }
      %dma_wait3A_113 = arith.constant 0 : i32
      %dma_wait3A_114 = arith.constant 0 : i32
      %dma_wait3A_115 = tpu.memref_slice %arg2[%dma_wait3A_113, %dma_wait3A_114] : memref<1000000x64xf32, #tpu.memory_space<hbm>> -> memref<128x64xf32, #tpu.memory_space<hbm>>
      %dma_wait3A_116 = arith.constant 0 : i32
      %dma_wait3A_117 = arith.constant 0 : i32
      %dma_wait3A_118 = tpu.memref_slice %arg2[%dma_wait3A_116, %dma_wait3A_117] : memref<1000000x64xf32, #tpu.memory_space<hbm>> -> memref<128x64xf32, #tpu.memory_space<hbm>>
      tpu.wait_dma2 semaphore(%arg11 : memref<!tpu.dma_semaphore, #tpu.memory_space<semaphore_mem>>) src(%dma_wait3A_118 : memref<128x64xf32, #tpu.memory_space<hbm>>) dst(%arg7 : memref<128x64xf32, #tpu.memory_space<vmem>>)
      %gt3A_119 = arith.constant 0 : i32
      %gt3A_120 = arith.cmpi sgt, %scan3A_50, %gt3A_119 : i32
      %convert_element_type3A_121 = arith.extui %gt3A_120 : i1 to i32
      %cond3A_122 = arith.constant 0 : i32
      %cond3A_123 = arith.cmpi ne, %convert_element_type3A_121, %cond3A_122 : i32
      scf.if %cond3A_123 {
        %dma_wait3A_190 = arith.constant 0 : i32
        %dma_wait3A_191 = arith.constant 0 : i32
        %dma_wait3A_192 = arith.constant 0 : i32
        %dma_wait3A_193 = tpu.memref_slice %arg9[%dma_wait3A_191, %dma_wait3A_192] : memref<64x131xf32, #tpu.memory_space<vmem>> -> memref<64x128xf32, #tpu.memory_space<vmem>>
        %dma_wait3A_194 = arith.constant 0 : i32
        %dma_wait3A_195 = arith.constant 0 : i32
        %dma_wait3A_196 = tpu.memref_slice %arg4[%dma_wait3A_190, %dma_wait3A_194, %dma_wait3A_195] : memref<50x64x16384xf32, #tpu.memory_space<hbm>> -> memref<1x64x128xf32, #tpu.memory_space<hbm>>
        %dma_wait3A_197 = tpu.memref_squeeze %dma_wait3A_196 : memref<1x64x128xf32, #tpu.memory_space<hbm>> -> memref<64x128xf32, #tpu.memory_space<hbm>>
        %dma_wait3A_198 = arith.constant 0 : i32
        %dma_wait3A_199 = arith.constant 0 : i32
        %dma_wait3A_200 = tpu.memref_slice %arg4[%dma_wait3A_190, %dma_wait3A_198, %dma_wait3A_199] : memref<50x64x16384xf32, #tpu.memory_space<hbm>> -> memref<1x64x128xf32, #tpu.memory_space<hbm>>
        %dma_wait3A_201 = tpu.memref_squeeze %dma_wait3A_200 : memref<1x64x128xf32, #tpu.memory_space<hbm>> -> memref<64x128xf32, #tpu.memory_space<hbm>>
        %dma_wait3A_202 = arith.constant 0 : i32
        %dma_wait3A_203 = arith.constant 0 : i32
        %dma_wait3A_204 = tpu.memref_slice %arg9[%dma_wait3A_202, %dma_wait3A_203] : memref<64x131xf32, #tpu.memory_space<vmem>> -> memref<64x128xf32, #tpu.memory_space<vmem>>
        tpu.wait_dma2 semaphore(%arg13 : memref<!tpu.dma_semaphore, #tpu.memory_space<semaphore_mem>>) src(%dma_wait3A_204 : memref<64x128xf32, #tpu.memory_space<vmem>>) dst(%dma_wait3A_201 : memref<64x128xf32, #tpu.memory_space<hbm>>)
      } else {
      }
      %iota3A_124 = tpu.iota {dimensions = array<i32: 0>} : vector<16xi32>
      %parallel_loop3A_125 = arith.constant 0 : i32
      %parallel_loop3A_126 = arith.constant 128 : i32
      %parallel_loop3A_127 = arith.constant 1 : i32
      scf.for %parallel_loop3A_190 = %parallel_loop3A_125 to %parallel_loop3A_126 step %parallel_loop3A_127  : i32 {
        %parallel_loop3A_191 = vector.broadcast %parallel_loop3A_190 : i32 to vector<16xi32>
        %parallel_loop3A_192 = arith.constant 0 : i32
        %parallel_loop3A_193 = vector.broadcast %parallel_loop3A_192 : i32 to vector<16xi32>
        %parallel_loop3A_194 = arith.addi %iota3A_124, %parallel_loop3A_193 : vector<16xi32>
        %parallel_loop3A_195 = arith.index_cast %parallel_loop3A_190 : i32 to index
        %parallel_loop3A_196 = arith.constant 0 : index
        %parallel_loop3A_197 = tpu.vector_load %arg7[%parallel_loop3A_195, %parallel_loop3A_196] {strides = array<i32>} : memref<128x64xf32, #tpu.memory_space<vmem>>, vector<16xf32>,
        %parallel_loop3A_198 = arith.constant 8.000000e+00 : f32
        %parallel_loop3A_199 = vector.broadcast %parallel_loop3A_198 : f32 to vector<16xf32>
        %parallel_loop3A_200 = arith.mulf %parallel_loop3A_197, %parallel_loop3A_199 : vector<16xf32>
        tpu.vector_store_idx %arg9[%parallel_loop3A_194, %parallel_loop3A_191], %parallel_loop3A_200 : memref<64x131xf32, #tpu.memory_space<vmem>>[vector<16xi32>, vector<16xi32>], vector<16xf32>,
        %parallel_loop3A_201 = arith.constant 16 : i32
        %parallel_loop3A_202 = vector.broadcast %parallel_loop3A_201 : i32 to vector<16xi32>
        %parallel_loop3A_203 = arith.addi %iota3A_124, %parallel_loop3A_202 : vector<16xi32>
        %parallel_loop3A_204 = arith.index_cast %parallel_loop3A_190 : i32 to index
        %parallel_loop3A_205 = arith.constant 16 : index
        %parallel_loop3A_206 = tpu.vector_load %arg7[%parallel_loop3A_204, %parallel_loop3A_205] {strides = array<i32>} : memref<128x64xf32, #tpu.memory_space<vmem>>, vector<16xf32>,
        %parallel_loop3A_207 = arith.constant 8.000000e+00 : f32
        %parallel_loop3A_208 = vector.broadcast %parallel_loop3A_207 : f32 to vector<16xf32>
        %parallel_loop3A_209 = arith.mulf %parallel_loop3A_206, %parallel_loop3A_208 : vector<16xf32>
        tpu.vector_store_idx %arg9[%parallel_loop3A_203, %parallel_loop3A_191], %parallel_loop3A_209 : memref<64x131xf32, #tpu.memory_space<vmem>>[vector<16xi32>, vector<16xi32>], vector<16xf32>,
        %parallel_loop3A_210 = arith.constant 32 : i32
        %parallel_loop3A_211 = vector.broadcast %parallel_loop3A_210 : i32 to vector<16xi32>
        %parallel_loop3A_212 = arith.addi %iota3A_124, %parallel_loop3A_211 : vector<16xi32>
        %parallel_loop3A_213 = arith.index_cast %parallel_loop3A_190 : i32 to index
        %parallel_loop3A_214 = arith.constant 32 : index
        %parallel_loop3A_215 = tpu.vector_load %arg7[%parallel_loop3A_213, %parallel_loop3A_214] {strides = array<i32>} : memref<128x64xf32, #tpu.memory_space<vmem>>, vector<16xf32>,
        %parallel_loop3A_216 = arith.constant 8.000000e+00 : f32
        %parallel_loop3A_217 = vector.broadcast %parallel_loop3A_216 : f32 to vector<16xf32>
        %parallel_loop3A_218 = arith.mulf %parallel_loop3A_215, %parallel_loop3A_217 : vector<16xf32>
        tpu.vector_store_idx %arg9[%parallel_loop3A_212, %parallel_loop3A_191], %parallel_loop3A_218 : memref<64x131xf32, #tpu.memory_space<vmem>>[vector<16xi32>, vector<16xi32>], vector<16xf32>,
        %parallel_loop3A_219 = arith.constant 48 : i32
        %parallel_loop3A_220 = vector.broadcast %parallel_loop3A_219 : i32 to vector<16xi32>
        %parallel_loop3A_221 = arith.addi %iota3A_124, %parallel_loop3A_220 : vector<16xi32>
        %parallel_loop3A_222 = arith.index_cast %parallel_loop3A_190 : i32 to index
        %parallel_loop3A_223 = arith.constant 48 : index
        %parallel_loop3A_224 = tpu.vector_load %arg7[%parallel_loop3A_222, %parallel_loop3A_223] {strides = array<i32>} : memref<128x64xf32, #tpu.memory_space<vmem>>, vector<16xf32>,
        %parallel_loop3A_225 = arith.constant 8.000000e+00 : f32
        %parallel_loop3A_226 = vector.broadcast %parallel_loop3A_225 : f32 to vector<16xf32>
        %parallel_loop3A_227 = arith.mulf %parallel_loop3A_224, %parallel_loop3A_226 : vector<16xf32>
        tpu.vector_store_idx %arg9[%parallel_loop3A_221, %parallel_loop3A_191], %parallel_loop3A_227 : memref<64x131xf32, #tpu.memory_space<vmem>>[vector<16xi32>, vector<16xi32>], vector<16xf32>,
      } {sc.loop_unroll_factor = 8 : i64, sc.parallel_access}
      %add3A_128 = arith.constant 1 : i32
      %add3A_129 = arith.addi %mul3A_52, %add3A_128 : i32
      %add3A_130 = arith.addi %mul3A_2, %add3A_129 : i32
      %jit3A_131 = arith.constant 128 : i32
      %div3A_132 = arith.divsi %add3A_130, %jit3A_131 : i32
      %sign3A_133 = arith.constant 0 : i32
      %sign3A_134 = arith.cmpi sgt, %add3A_130, %sign3A_133 : i32
      %sign3A_135 = arith.extui %sign3A_134 : i1 to i32
      %sign3A_136 = arith.constant 0 : i32
      %sign3A_137 = arith.cmpi slt, %add3A_130, %sign3A_136 : i32
      %sign3A_138 = arith.extui %sign3A_137 : i1 to i32
      %sign3A_139 = arith.subi %sign3A_135, %sign3A_138 : i32
      %sign3A_140 = arith.constant 0 : i32
      %sign3A_141 = arith.cmpi sgt, %jit3A_131, %sign3A_140 : i32
      %sign3A_142 = arith.extui %sign3A_141 : i1 to i32
      %sign3A_143 = arith.constant 0 : i32
      %sign3A_144 = arith.cmpi slt, %jit3A_131, %sign3A_143 : i32
      %sign3A_145 = arith.extui %sign3A_144 : i1 to i32
      %sign3A_146 = arith.subi %sign3A_142, %sign3A_145 : i32
      %ne3A_147 = arith.cmpi ne, %sign3A_139, %sign3A_146 : i32
      %rem3A_148 = arith.remsi %add3A_130, %jit3A_131 : i32
      %ne3A_149 = arith.constant 0 : i32
      %ne3A_150 = arith.cmpi ne, %rem3A_148, %ne3A_149 : i32
      %and3A_151 = arith.andi %ne3A_147, %ne3A_150 : i1
      %sub3A_152 = arith.constant 1 : i32
      %sub3A_153 = arith.subi %div3A_132, %sub3A_152 : i32
      %select_n3A_154 = arith.select %and3A_151, %sub3A_153, %div3A_132 : i32
      %jit3A_155 = arith.constant 128 : i32
      %eq3A_156 = arith.constant 0 : i32
      %eq3A_157 = arith.cmpi eq, %jit3A_155, %eq3A_156 : i32
      %jit3A_158 = arith.constant 1 : i32
      %select_n3A_159 = arith.select %eq3A_157, %jit3A_158, %jit3A_155 : i32
      %rem3A_160 = arith.remsi %add3A_130, %select_n3A_159 : i32
      %ne3A_161 = arith.constant 0 : i32
      %ne3A_162 = arith.cmpi ne, %rem3A_160, %ne3A_161 : i32
      %lt3A_163 = arith.constant 0 : i32
      %lt3A_164 = arith.cmpi slt, %rem3A_160, %lt3A_163 : i32
      %lt3A_165 = arith.constant 0 : i32
      %lt3A_166 = arith.cmpi slt, %select_n3A_159, %lt3A_165 : i32
      %ne3A_167 = arith.xori %lt3A_164, %lt3A_166 : i1
      %and3A_168 = arith.andi %ne3A_167, %ne3A_162 : i1
      %add3A_169 = arith.addi %rem3A_160, %select_n3A_159 : i32
      %select_n3A_170 = arith.select %and3A_168, %add3A_169, %rem3A_160 : i32
      %mul3A_171 = arith.constant 128 : i32
      %mul3A_172 = arith.muli %select_n3A_170, %mul3A_171 : i32
      %dma_start3A_173 = arith.constant 0 : i32
      %dma_start3A_174 = arith.constant 0 : i32
      %dma_start3A_175 = tpu.memref_slice %arg9[%dma_start3A_173, %dma_start3A_174] : memref<64x131xf32, #tpu.memory_space<vmem>> -> memref<64x128xf32, #tpu.memory_space<vmem>>
      %dma_start3A_176 = arith.constant 0 : i32
      %dma_start3A_177 = tpu.memref_slice %arg4[%select_n3A_154, %dma_start3A_176, %mul3A_172] : memref<50x64x16384xf32, #tpu.memory_space<hbm>> -> memref<1x64x128xf32, #tpu.memory_space<hbm>>
      %dma_start3A_178 = tpu.memref_squeeze %dma_start3A_177 : memref<1x64x128xf32, #tpu.memory_space<hbm>> -> memref<64x128xf32, #tpu.memory_space<hbm>>
      %dma_start3A_179 = arith.constant 0 : i32
      %dma_start3A_180 = tpu.memref_slice %arg4[%select_n3A_154, %dma_start3A_179, %mul3A_172] : memref<50x64x16384xf32, #tpu.memory_space<hbm>> -> memref<1x64x128xf32, #tpu.memory_space<hbm>>
      %dma_start3A_181 = tpu.memref_squeeze %dma_start3A_180 : memref<1x64x128xf32, #tpu.memory_space<hbm>> -> memref<64x128xf32, #tpu.memory_space<hbm>>
      %dma_start3A_182 = arith.constant 0 : i32
      %dma_start3A_183 = arith.constant 0 : i32
      %dma_start3A_184 = tpu.memref_slice %arg9[%dma_start3A_182, %dma_start3A_183] : memref<64x131xf32, #tpu.memory_space<vmem>> -> memref<64x128xf32, #tpu.memory_space<vmem>>
      tpu.enqueue_dma source(%dma_start3A_184 : memref<64x128xf32, #tpu.memory_space<vmem>>) target(%dma_start3A_181 : memref<64x128xf32, #tpu.memory_space<hbm>>) target_semaphore(%arg13 : memref<!tpu.dma_semaphore, #tpu.memory_space<semaphore_mem>>)
      %lt3A_185 = arith.constant 99 : i32
      %lt3A_186 = arith.cmpi slt, %scan3A_50, %lt3A_185 : i32
      %convert_element_type3A_187 = arith.extui %lt3A_186 : i1 to i32
      %cond3A_188 = arith.constant 0 : i32
      %cond3A_189 = arith.cmpi ne, %convert_element_type3A_187, %cond3A_188 : i32
      scf.if %cond3A_189 {
        %add3A_190 = arith.constant 3 : i32
        %add3A_191 = arith.addi %mul3A_52, %add3A_190 : i32
        %dma_start3A_192 = arith.constant 0 : i32
        %dma_start3A_193 = tpu.memref_slice %arg5[%add3A_191, %dma_start3A_192] : memref<200x128xi32, #tpu.memory_space<vmem>> -> memref<1x128xi32, #tpu.memory_space<vmem>>
        %dma_start3A_194 = tpu.memref_squeeze %dma_start3A_193 : memref<1x128xi32, #tpu.memory_space<vmem>> -> memref<128xi32, #tpu.memory_space<vmem>>
        %dma_start3A_195 = arith.constant 0 : i32
        %dma_start3A_196 = arith.constant 0 : i32
        %dma_start3A_197 = tpu.memref_slice %arg2[%dma_start3A_195, %dma_start3A_196] : memref<1000000x64xf32, #tpu.memory_space<hbm>> -> memref<1000000x64xf32, #tpu.memory_space<hbm>>
        tpu.enqueue_indirect_dma source(%dma_start3A_197 : memref<1000000x64xf32, #tpu.memory_space<hbm>>) target(%arg7 : memref<128x64xf32, #tpu.memory_space<vmem>>) offsets(%dma_start3A_194 : memref<128xi32, #tpu.memory_space<vmem>>) semaphore(%arg11 : memref<!tpu.dma_semaphore, #tpu.memory_space<semaphore_mem>>)
      } else {
      }
    }
    %scan3A_20 = arith.constant 100 : i32
    %dma_wait3A = arith.constant 0 : i32
    %dma_wait3A_21 = arith.constant 0 : i32
    %dma_wait3A_22 = arith.constant 0 : i32
    %dma_wait3A_23 = tpu.memref_slice %arg8[%dma_wait3A_21, %dma_wait3A_22] : memref<64x131xf32, #tpu.memory_space<vmem>> -> memref<64x128xf32, #tpu.memory_space<vmem>>
    %dma_wait3A_24 = arith.constant 0 : i32
    %dma_wait3A_25 = arith.constant 0 : i32
    %dma_wait3A_26 = tpu.memref_slice %arg4[%dma_wait3A, %dma_wait3A_24, %dma_wait3A_25] : memref<50x64x16384xf32, #tpu.memory_space<hbm>> -> memref<1x64x128xf32, #tpu.memory_space<hbm>>
    %dma_wait3A_27 = tpu.memref_squeeze %dma_wait3A_26 : memref<1x64x128xf32, #tpu.memory_space<hbm>> -> memref<64x128xf32, #tpu.memory_space<hbm>>
    %dma_wait3A_28 = arith.constant 0 : i32
    %dma_wait3A_29 = arith.constant 0 : i32
    %dma_wait3A_30 = tpu.memref_slice %arg4[%dma_wait3A, %dma_wait3A_28, %dma_wait3A_29] : memref<50x64x16384xf32, #tpu.memory_space<hbm>> -> memref<1x64x128xf32, #tpu.memory_space<hbm>>
    %dma_wait3A_31 = tpu.memref_squeeze %dma_wait3A_30 : memref<1x64x128xf32, #tpu.memory_space<hbm>> -> memref<64x128xf32, #tpu.memory_space<hbm>>
    %dma_wait3A_32 = arith.constant 0 : i32
    %dma_wait3A_33 = arith.constant 0 : i32
    %dma_wait3A_34 = tpu.memref_slice %arg8[%dma_wait3A_32, %dma_wait3A_33] : memref<64x131xf32, #tpu.memory_space<vmem>> -> memref<64x128xf32, #tpu.memory_space<vmem>>
    tpu.wait_dma2 semaphore(%arg12 : memref<!tpu.dma_semaphore, #tpu.memory_space<semaphore_mem>>) src(%dma_wait3A_34 : memref<64x128xf32, #tpu.memory_space<vmem>>) dst(%dma_wait3A_31 : memref<64x128xf32, #tpu.memory_space<hbm>>)
    %dma_wait3A_35 = arith.constant 0 : i32
    %dma_wait3A_36 = arith.constant 0 : i32
    %dma_wait3A_37 = arith.constant 0 : i32
    %dma_wait3A_38 = tpu.memref_slice %arg9[%dma_wait3A_36, %dma_wait3A_37] : memref<64x131xf32, #tpu.memory_space<vmem>> -> memref<64x128xf32, #tpu.memory_space<vmem>>
    %dma_wait3A_39 = arith.constant 0 : i32
    %dma_wait3A_40 = arith.constant 0 : i32
    %dma_wait3A_41 = tpu.memref_slice %arg4[%dma_wait3A_35, %dma_wait3A_39, %dma_wait3A_40] : memref<50x64x16384xf32, #tpu.memory_space<hbm>> -> memref<1x64x128xf32, #tpu.memory_space<hbm>>
    %dma_wait3A_42 = tpu.memref_squeeze %dma_wait3A_41 : memref<1x64x128xf32, #tpu.memory_space<hbm>> -> memref<64x128xf32, #tpu.memory_space<hbm>>
    %dma_wait3A_43 = arith.constant 0 : i32
    %dma_wait3A_44 = arith.constant 0 : i32
    %dma_wait3A_45 = tpu.memref_slice %arg4[%dma_wait3A_35, %dma_wait3A_43, %dma_wait3A_44] : memref<50x64x16384xf32, #tpu.memory_space<hbm>> -> memref<1x64x128xf32, #tpu.memory_space<hbm>>
    %dma_wait3A_46 = tpu.memref_squeeze %dma_wait3A_45 : memref<1x64x128xf32, #tpu.memory_space<hbm>> -> memref<64x128xf32, #tpu.memory_space<hbm>>
    %dma_wait3A_47 = arith.constant 0 : i32
    %dma_wait3A_48 = arith.constant 0 : i32
    %dma_wait3A_49 = tpu.memref_slice %arg9[%dma_wait3A_47, %dma_wait3A_48] : memref<64x131xf32, #tpu.memory_space<vmem>> -> memref<64x128xf32, #tpu.memory_space<vmem>>
    tpu.wait_dma2 semaphore(%arg13 : memref<!tpu.dma_semaphore, #tpu.memory_space<semaphore_mem>>) src(%dma_wait3A_49 : memref<64x128xf32, #tpu.memory_space<vmem>>) dst(%dma_wait3A_46 : memref<64x128xf32, #tpu.memory_space<hbm>>)
    return
  }
}

</mosaic_0001>

<sc_bundles>
// kernel: kernel.4.cloned.1.call-start
scs
__scs_entry_jumppad:
0x0: {  	(pc) =	sbr.rel $0x88, $3  }
0x1: {  	(tag) =	ssettag $0x0;
	lr =	simm.s32 $0x1  }
0x2: {  	[smem:$0x3F9F] =	sst lr;
	_ =	strace $0xD0000000  }
0x3: {  	_ = 	snop  }
0x4: {  	_ = 	snop  }
0x5: {  	_ = 	snop  }
0x6: {  	_ = 	snop  }
0x7: {  	_ = 	snop  }
__scs_overlays_trampoline_lowered:
0x8: {  	[smem:$0x3FAE] =	sst s0  }
0x9: {  	[smem:$0x3FAF] =	sst s1  }
0xa: {  	[smem:$0x3FB0] =	sst s2  }
0xb: {  	[smem:$0x3FB1] =	sst s3  }
0xc: {  	[smem:$0x3FB2] =	sst s4  }
0xd: {  	[smem:$0x3FB3] =	sst s5  }
0xe: {  	[smem:$0x3FB4] =	sst s6  }
0xf: {  	[smem:$0x3FB5] =	sst s7  }
0x10: {  	[smem:$0x3FB6] =	sst s8  }
0x11: {  	[smem:$0x3FB7] =	sst s9;
	s0 =	simm.s32 @!p0 $0x0  }
0x12: {  	s1 =	sld [smem:$0x3F9D];
	s0 =	simm.s32 @p0 $0x1  }
0x13: {  	[smem:$0x3FB8] =	sst s0;
	s0 =	simm.s32 @!p1 $0x0  }
0x14: {  	s2 =	sld [smem:$0x3F9C];
	s0 =	simm.s32 @p1 $0x1  }
0x15: {  	[smem:$0x3FB9] =	sst s0;
	s0 =	simm.s32 @!p2 $0x0  }
0x16: {  	s3 =	sld [smem:$0x3FDB];
	s0 =	simm.s32 @p2 $0x1  }
0x17: {  	s4 =	simm.s32 $0x1BF5;
	[smem:$0x3FBB] =	sst s0  }
0x18: {  	s0 =	sld [smem:$0x3F9E];
	_ =	swait.ge [sflag:s4], $0x0  }
0x19: {  	s7 =	sld [smem:$0x3F9F]  }
0x1a: {  	s8 =	sadd.s32 $0xFFFFE003, lr  }
0x1b: {  	s9 =	sadd.s32 $0xFFFFFEF7, lr;
	s5 =	simm.s32 $0xFFFFFFFF;
	p2 =	slt.u32 s8, $0xFFFFF086  }
0x1c: {  	p1 =	slt.u32 s9, $0xF7A;
	s5 =	simm.s32 @!p2 $0x0  }
0x1d: {  	s5 =	simm.s32 @p1 $0x1;
	p0 =	seq.s32 s7, s2  }
0x1e: {  	s7 =	smul.u32 @!p0 $0xF7A, s2;
	p2 =	seq.s32 @!p0 s5, $0x0  }
0x1f: {  	s9 =	smul.u32 $0xF7A, s1;
	s8 =	simm.s32 @!p0 $0x1BF5;
	p2 =	por !p2, p0  }
0x20: {  	[sflag:s8] =	ssyncset.s32 @!p0 $0xFFFFF086;
	s6 =	sadd.s32 @!p0 s3, s7;
	s7 =	simm.s32 @!p0 $0x108  }
0x21: {  	s3 =	sadd.s32 s3, s9;
	s6 =	sadd.s32 @!p0 $0x88, s6;
	s7 =	simm.s32 @p2 $0x1082  }
0x22: {  	[simem:s7], [sflag:s8] =	dma.local @!p0 [hbm:s6], $0xF7A  }
0x23: {  	s9 =	sor.u32 $0xD0000000, s2;
	s6 =	simm.s32 $0x108;
	_ =	swait.ge @!p0 [sflag:s8], $0x0  }
0x24: {  	s3 =	sadd.s32 $0x88, s3;
	s6 =	simm.s32 @!p1 $0x1082;
	[sflag:s4] =	ssyncset.s32 $0xFFFFF086  }
0x25: {  	[simem:s6], [sflag:s4] =	dma.local [hbm:s3], $0xF7A  }
0x26: {  	[smem:$0x3F9F] =	sst s1;
	(tag) =	ssettag s2;
	_ =	strace s9  }
0x27: {  	s1 =	sld [smem:$0x3FAF]  }
0x28: {  	s2 =	sld [smem:$0x3FB0]  }
0x29: {  	s4 =	sld [smem:$0x3FB2]  }
0x2a: {  	p0 =	seq.s32 s5, $0x0;
	s5 =	sld [smem:$0x3FB3]  }
0x2b: {  	s6 =	sld [smem:$0x3FB4]  }
0x2c: {  	s7 =	sld [smem:$0x3FB5]  }
0x2d: {  	s3 =	simm.s32 $0x108;
	s8 =	sld [smem:$0x3FB6]  }
0x2e: {  	s3 =	simm.s32 @!p0 $0x1082;
	s9 =	sld [smem:$0x3FB7]  }
0x2f: {  	lr =	sadd.s32 s0, s3;
	s0 =	sld [smem:$0x3FAE]  }
0x30: {  	s3 =	sld [smem:$0x3FB1]  }
0x31: {  	[smem:$0x3FBA] =	sst s10  }
0x32: {  	s10 =	sld [smem:$0x3FB8];
	_ =	sdelay $0x3  }
0x33: {  	p0 =	seq.s32 s10, $0x1;
	s10 =	sld [smem:$0x3FBA];
	_ =	sdelay $0x3  }
0x34: {  	[smem:$0x3FBA] =	sst s10  }
0x35: {  	s10 =	sld [smem:$0x3FB9];
	_ =	sdelay $0x3  }
0x36: {  	p1 =	seq.s32 s10, $0x1;
	s10 =	sld [smem:$0x3FBA];
	_ =	sdelay $0x3  }
0x37: {  	[smem:$0x3FBA] =	sst s10  }
0x38: {  	s10 =	sld [smem:$0x3FBB]  }
0x39: {  	_ = 	snop;
	(pc) =	sbr.ind lr, $3  }
0x3a: {  	_ = 	snop  }
0x3b: {  	_ = 	snop  }
0x3c: {  	p2 =	seq.s32 s10, $0x1;
	s10 =	sld [smem:$0x3FBA]  }
0x3d: {  	_ =	shalt  }
0x3e: {  	_ =	shalt  }
0x3f: {  	_ =	shalt  }
0x40: {  	_ =	shalt  }
0x41: {  	_ =	shalt  }
0x42: {  	_ =	shalt  }
0x43: {  	_ =	shalt  }
0x44: {  	_ =	shalt  }
0x45: {  	_ =	shalt  }
0x46: {  	_ =	shalt  }
0x47: {  	_ =	shalt  }
0x48: {  	_ =	shalt  }
0x49: {  	_ =	shalt  }
0x4a: {  	_ =	shalt  }
0x4b: {  	_ =	shalt  }
0x4c: {  	_ =	shalt  }
0x4d: {  	_ =	shalt  }
0x4e: {  	_ =	shalt  }
0x4f: {  	_ =	shalt  }
0x50: {  	_ =	shalt  }
0x51: {  	_ =	shalt  }
0x52: {  	_ =	shalt  }
0x53: {  	_ =	shalt  }
0x54: {  	_ =	shalt  }
0x55: {  	_ =	shalt  }
0x56: {  	_ =	shalt  }
0x57: {  	_ =	shalt  }
0x58: {  	_ =	shalt  }
0x59: {  	_ =	shalt  }
0x5a: {  	_ =	shalt  }
0x5b: {  	_ =	shalt  }
0x5c: {  	_ =	shalt  }
0x5d: {  	_ =	shalt  }
0x5e: {  	_ =	shalt  }
0x5f: {  	_ =	shalt  }
0x60: {  	_ =	shalt  }
0x61: {  	_ =	shalt  }
0x62: {  	_ =	shalt  }
0x63: {  	_ =	shalt  }
0x64: {  	_ =	shalt  }
0x65: {  	_ =	shalt  }
0x66: {  	_ =	shalt  }
0x67: {  	_ =	shalt  }
0x68: {  	_ =	shalt  }
0x69: {  	_ =	shalt  }
0x6a: {  	_ =	shalt  }
0x6b: {  	_ =	shalt  }
0x6c: {  	_ =	shalt  }
0x6d: {  	_ =	shalt  }
0x6e: {  	_ =	shalt  }
0x6f: {  	_ =	shalt  }
0x70: {  	_ =	shalt  }
0x71: {  	_ =	shalt  }
0x72: {  	_ =	shalt  }
0x73: {  	_ =	shalt  }
0x74: {  	_ =	shalt  }
0x75: {  	_ =	shalt  }
0x76: {  	_ =	shalt  }
0x77: {  	_ =	shalt  }
0x78: {  	_ =	shalt  }
0x79: {  	_ =	shalt  }
0x7a: {  	_ =	shalt  }
0x7b: {  	_ =	shalt  }
0x7c: {  	_ =	shalt  }
0x7d: {  	_ =	shalt  }
0x7e: {  	_ =	shalt  }
0x7f: {  	_ =	shalt  }
0x80: {  	_ =	shalt  }
0x81: {  	_ =	shalt  }
0x82: {  	_ =	shalt  }
0x83: {  	_ =	shalt  }
0x84: {  	_ =	shalt  }
0x85: {  	_ =	shalt  }
0x86: {  	_ =	shalt  }
0x87: {  	_ =	shalt  }
.Lfunc_end0:
.L_simem_size_0:
called_computation_lowered:
.L_overlay_start_0:
0x88: {  	s2 =	sld [smem:$0x3FD9]  }
0x89: {  	s3 =	sld [smem:$0x3FFE];
	_ =	sdelay $0x1  }
0x8a: {  	s1 =	srdreg.scid  }
0x8b: {  	s0 =	sand.u32 $0x1, s1  }
0x8c: {  	s17 =	sshll.u32 s0, $0xA;
	s2 =	sadd.s32 s3, s2  }
0x8d: {  	s2 =	sadd.s32 s2, s17  }
0x8e: {  	[smem:$0x3FC6] =	sst s2  }
0x8f: {  	_ = 	snop  }
0x90: {  	s2 =	sld [smem:$0x3FC8];
	(tm) =	ssettm $0x1  }
0x91: {  	s18 =	sld [smem:$0x3FFB];
	_ =	sdelay $0x3  }
0x92: {  	_ =	strace s18  }
0x93: {  	s3 =	sld [smem:$0x3FFC];
	_ =	sdelay $0x3  }
0x94: {  	_ =	strace s3  }
0x95: {  	s3 =	sld [smem:$0x3FFD];
	_ =	sdelay $0x3  }
0x96: {  	_ =	strace s3  }
0x97: {  	_ =	strace $0x8FFFFFFF  }
0x98: {  	s19 =	sld [smem:$0x3FDB];
	_ =	sdelay $0x1  }
0x99: {  	s4 =	simm.s32 $_scs_section_size  }
0x9a: {  	s5 =	simm.s32 $_size__tile_overlayer_lowered;
	s6 =	simm.s32 $_tile_overlayer_lowered  }
0x9b: {  	s22 =	simm.s32 $0x1BFF;
	s21 =	sshll.u32 s6, $0x1;
	s3 =	sadd.s32 s4, s19  }
0x9c: {  	s7 =	simm.s32 $0x0;
	s20 =	sshll.u32 s5, $0x1;
	s5 =	sadd.s32 s21, s3  }
0x9d: {  	[timem:s7], [sflag:s22] =	dma.local [hbm:s5], s20  }
0x9e: {  	_ =	swait.ge [sflag:s22], s20  }
0x9f: {  	s4 =	ssub.s32 $0x0, s20;
	[sflag:s22] =	ssyncset.done $0x0  }
0xa0: {  	[sflag:s22] =	ssyncadd.s32 s4;
	_ =	sdelay $0x1  }
0xa1: {  	s23 =	simm.s32 $0x1B8B  }
0xa2: {  	_ =	swait.ge [sflag:s23], $0x1  }
0xa3: {  	[sflag:s23] =	ssyncset.done $0x0  }
0xa4: {  	s25 =	simm.s32 $0x1B8E;
	s24 =	sld [smem:$0x3FFE];
	[sflag:s23] =	ssyncadd.s32 $0xFFFFFFFF  }
0xa5: {  	s26 =	simm.s32 $execute0_lowered;
	[smem:$0x3FD2] =	sst s25  }
0xa6: {  	s5 =	sshll.u32 s26, $0x1;
	_ =	strace $0x80000046;
	[dreg:$0x1] =	wrdreg $0xFFFFFFFF  }
0xa7: {  	s28 =	simm.s32 $_size_execute0_lowered;
	s3 =	sadd.s32 s3, s5;
	[dreg:$0x0] =	wrdreg $0x0  }
0xa8: {  	s5 =	sshll.u32 s28, $0x1;
	[dreg:$0x2] =	wrdreg s3  }
0xa9: {  	[dreg:$0x3] =	wrdreg s5  }
0xaa: {  	[dreg:$0x4] =	wrdreg $0xC0  }
0xab: {  	_ =	task [dreg:s7], $0x5FFFF  }
0xac: {  	[dreg:$0x1] =	wrdreg $0xFFFFFFFF  }
0xad: {  	[dreg:$0x0] =	wrdreg $0x60  }
0xae: {  	[dreg:$0x2] =	wrdreg s2  }
0xaf: {  	[dreg:$0x3] =	wrdreg s24  }
0xb0: {  	[dreg:$0x4] =	wrdreg $0x9  }
0xb1: {  	_ =	task.clear_ibuf [dreg:s7], $0x5FFFF;
	_ =	strace $0x90000046  }
0xb2: {  	s29 =	simm.s32 $0x9;
	_ =	strace $0x80000048  }
0xb3: {  	_ =	swait.ge [sflag:s29], $0x1  }
0xb4: {  	[sflag:s29] =	ssyncadd.s32 $0xFFFFFFFF  }
0xb5: {  	_ =	strace $0x90000048  }
0xb6: {  	_ =	sfence  }
0xb7: {  	s30 =	sld [smem:$0x0];
	_ =	sdelay $0x2  }
0xb8: {  	s31 =	sshll.u32 s1, $0xD;
	s1 =	sshrl.u32 s1, $0x2  }
0xb9: {  	s3 =	sand.u32 $0x4000, s31;
	s1 =	sadd.s32 s1, s30  }
0xba: {  	s0 =	sor.u32 s3, s0;
	s1 =	sshll.u32 s1, $0x11  }
0xbb: {  	s0 =	sor.u32 s1, s0  }
0xbc: {  	s0 =	sadd.s32 $0x8F2B, s0  }
0xbd: {  	[sflag:s0] =	ssyncadd.remote.s32 $0x1  }
0xbe: {  	_ =	sfence.sel $0xFFFF  }
0xbf: {  	[dreg:$0x0] =	wrdreg $0xFFFFFFFF;
	(pc) =	sbr.abs _section_cstart, $3  }
0xc0: {  	[dreg:$0x1] =	wrdreg $0xFFFFFFFF  }
0xc1: {  	_ =	task.clear_ibuf [dreg:s7], $0x2FFFF;
	_ =	strace $0x9FFFFFFF  }
0xc2: {  	(tm) =	ssettm $0x7FFFFFFF  }
0xc3: {  	_ =	shalt  }
tec
execute0_lowered:
.L_overlay_start_1:
0x0: {  	(tag) =	ssettag $0x1  }
0x1: {  	s7 =	rddreg [dreg:$0x0]  }
0x2: {  	s0 =	rddreg [dreg:$0x1]  }
0x3: {  	s1 =	srdreg.scid;
	s2 =	stileid.u32  }
0x4: {  	s3 =	simm.s32 $0x0;
	s14 =	simm.s32 $0x1;
	s15 =	simm.s32 $0x4000  }
0x5: {  	s16 =	simm.s32 $0x4800;
	s17 =	simm.s32 $0x5000;
	s18 =	simm.s32 $0x5800  }
0x6: {  	s19 =	simm.s32 $0x6000;
	s20 =	simm.s32 $0x6800;
	s21 =	simm.s32 $0x7000  }
0x7: {  	s22 =	simm.s32 $0x7800;
	s23 =	simm.s32 $0x2;
	s24 =	simm.s32 $0x8000  }
0x8: {  	s13 =	simm.s32 $0x0;
	s1 =	sand.u32 $0x1, s1;
	s2 =	sshll.u32 s2, $0x1  }
0x9: {  	[smem:$0x7FF] =	sst s3;
	s5 =	sadd.s32 $0xA00, s0;
	s2 =	sor.u32 s1, s2  }
0xa: {  	v0 =	vlaneseq.u32;
	_ =	strace $0x80000047;
	s1 =	ssub.s32 $0x2, s1;
	s4 =	smul.u32 $0x7B00, s2  }
.Ltmp0:
0xb: {  	v0 =	vmul.u32 $0x40, v0;
	[dreg:$0x3] =	wrdreg s5;
	s30 =	sshrl.u32 s1, $0x1;
	(pc) =	sbr.rel .LBB2_1-.Ltmp0, $4  }
0xc: {  	s5 =	sadd.s32 $0xE00, s0;
	s0 =	ssub.s32 s1, s30;
	s31 =	sadd.s32 s7, s4  }
0xd: {  	s9 =	sadd.s32 $0x180, s7;
	v1 =	vor.u32 $0x800, v0;
	s0 =	smax.u32 s0, $0x1;
	[dreg:$0x4] =	wrdreg s31  }
0xe: {  	s6 =	smul.u32 $0xF6, s2;
	v2 =	vor.u32 $0x1000, v0;
	v3 =	vor.u32 $0x1800, v0;
	v4 =	vor.u32 $0x2000, v0;
	s1 =	sadd.s32 $0x80, s31;
	[dreg:$0x6] =	wrdreg s0  }
0xf: {  	p0 =	seq.s32 s2, $0x1F;
	v5 =	vor.u32 $0x2800, v0;
	v6 =	vor.u32 $0x3000, v0;
	v7 =	vor.u32 $0x3800, v0;
	[dreg:$0x5] =	wrdreg s1;
	s1 =	simm.s32 $0x3  }
.LBB2_18:
0x10: {  	s0 =	simm.s32 @!p0 $0x3  }
0x11: {  	_ =	swait.ge @!p0 [sflag:s0], $0x2000  }
0x12: {  	[sflag:s0] =	ssyncset.done @!p0 $0x0  }
0x13: {  	[sflag:s0] =	ssyncadd.s32 @!p0 $0xFFFFE000;
	s0 =	simm.s32 @!p0 $0x4  }
0x14: {  	_ =	swait.ge @!p0 [sflag:s0], $0x2000  }
0x15: {  	s13 =	sadd.s32 $0x1, s13;
	s2 =	rddreg [dreg:$0x6]  }
0x16: {  	p1 =	sne.s32 s13, s2  }
.Ltmp1:
0x17: {  	_ = 	snop;
	(pc) =	sbr.rel @!p1 .LBB2_19-.Ltmp1, $3  }
0x18: {  	_ =	sdelay $0x1  }
0x19: {  	[sflag:s0] =	ssyncset.done @!p0 $0x0  }
0x1a: {  	[sflag:s0] =	ssyncadd.s32 @!p0 $0xFFFFE000  }
.LBB2_1:
.Ltmp2:
0x1b: {  	(pc) =	sbr.rel .LBB2_2-.Ltmp2, $4  }
0x1c: {  	s0 =	rddreg [dreg:$0x4];
	s2 =	simm.s32 $0x400;
	s4 =	simm.s32 $0x7A1400  }
0x1d: {  	[tilespmem:s3], [sflag:$0x1] =	stream.strided.gather [hbm4b:s0+s2], $0x2000, s4, s2, $0x38;
	[tilespmem:$0xC000] =	vst v63  }
0x1e: {  	s31 =	rddreg [dreg:$0x5];
	s7 =	simm.s32 $0x2000;
	s8 =	simm.s32 $0x0  }
0x1f: {  	[tilespmem:s7], [sflag:$0x2] =	stream.strided.gather [hbm4b:s31+s2], $0x2000, s4, s2, $0x38;
	[tilespmem:$0xC000] =	vst v63  }
.LBB2_11:
0x20: {  	p1 =	sne.s32 s10, $0x1E84  }
0x21: {  	s0 =	simm.s32 @!p1 $0x4  }
0x22: {  	_ =	swait.ge @!p1 [sflag:s0], $0x2000  }
0x23: {  	[sflag:s0] =	ssyncset.done @!p1 $0x0  }
0x24: {  	[sflag:s0] =	ssyncadd.s32 @!p1 $0xFFFFE000  }
.LBB2_17:
0x25: {  	s8 =	sadd.s32 $0x1, s8  }
0x26: {  	p1 =	sne.s32 s8, $0x7B  }
.Ltmp3:
0x27: {  	_ = 	snop;
	(pc) =	sbr.rel @!p1 .LBB2_18-.Ltmp3, $1  }
0x28: {  	_ =	sdelay $0x3  }
.LBB2_2:
0x29: {  	s0 =	sshll.u32 s8, $0x1  }
0x2a: {  	s10 =	sadd.s32 s6, s0  }
0x2b: {  	p1 =	sgt.u32 s10, $0x1E84  }
.Ltmp4:
0x2c: {  	_ = 	snop;
	(pc) =	sbr.rel @p1 .LBB2_6-.Ltmp4, $1  }
0x2d: {  	_ =	sdelay $0x3  }
0x2e: {  	_ =	swait.ge [sflag:s14], $0x2000  }
0x2f: {  	p1 =	seq.s32 s8, $0x0;
	[sflag:s14] =	ssyncset.done $0x0  }
0x30: {  	s0 =	simm.s32 @!p1 $0x3;
	[sflag:s14] =	ssyncadd.s32 $0xFFFFE000  }
0x31: {  	_ =	swait.ge @!p1 [sflag:s0], $0x2000  }
0x32: {  	[sflag:s0] =	ssyncset.done @!p1 $0x0  }
0x33: {  	s31 =	simm.s32 $0x200;
	s28 =	simm.s32 $0x7;
	[sflag:s0] =	ssyncadd.s32 @!p1 $0xFFFFE000  }
0x34: {  	s7 =	simm.s32 $0x1;
	v9 =	vor.u32 s28, v0;
	v8 =	vld [tilespmem:s31+$0x180]  }
0x35: {  	s25 =	simm.s32 $0x2;
	v11 =	vor.u32 s7, v0;
	v10 =	vld [tilespmem:s31+$0xFFFFFE80]  }
0x36: {  	s4 =	simm.s32 $0x3;
	v13 =	vor.u32 s25, v0;
	v12 =	vld [tilespmem:s31+$0xFFFFFF00]  }
0x37: {  	s2 =	simm.s32 $0x4;
	v15 =	vor.u32 s4, v0;
	v14 =	vld [tilespmem:s31+$0xFFFFFF80]  }
0x38: {  	s11 =	simm.s32 $0x5;
	v17 =	vor.u32 s2, v0;
	v16 =	vld [tilespmem:s31+$0x0]  }
0x39: {  	s26 =	simm.s32 $0x6;
	v19 =	vor.u32 s11, v0;
	v18 =	vld [tilespmem:s31+$0x80];
	[tilespmem:v9+s15+$0x0] =	vst.idx.msk $0xffff, v8  }
0x3a: {  	s12 =	simm.s32 $0x0;
	[tilespmem:v11+s15+$0x0] =	vst.idx.msk $0xffff, v10;
	v10 =	vld [tilespmem:s31+$0x100];
	v11 =	vor.u32 s26, v0  }
0x3b: {  	[tilespmem:v13+s15+$0x0] =	vst.idx.msk $0xffff, v12;
	v12 =	vld [tilespmem:s31+$0xFFFFFE00];
	v13 =	vor.u32 s12, v0  }
0x3c: {  	v9 =	vor.u32 s28, v1;
	[tilespmem:v15+s15+$0x0] =	vst.idx.msk $0xffff, v14;
	v8 =	vld [tilespmem:s31+$0x190]  }
0x3d: {  	v15 =	vor.u32 s7, v1;
	[tilespmem:v17+s15+$0x0] =	vst.idx.msk $0xffff, v16;
	v14 =	vld [tilespmem:s31+$0xFFFFFE90]  }
0x3e: {  	v17 =	vor.u32 s25, v1;
	[tilespmem:v19+s15+$0x0] =	vst.idx.msk $0xffff, v18;
	v16 =	vld [tilespmem:s31+$0xFFFFFF10]  }
0x3f: {  	v19 =	vor.u32 s4, v1;
	v18 =	vld [tilespmem:s31+$0xFFFFFF90];
	[tilespmem:v11+s15+$0x0] =	vst.idx.msk $0xffff, v10  }
0x40: {  	[tilespmem:v13+s15+$0x0] =	vst.idx.msk $0xffff, v12;
	v10 =	vld [tilespmem:s31+$0x10];
	v11 =	vor.u32 s2, v1  }
0x41: {  	v12 =	vld [tilespmem:s31+$0x90];
	v13 =	vor.u32 s11, v1;
	[tilespmem:v9+s15+$0x0] =	vst.idx.msk $0xffff, v8  }
0x42: {  	[tilespmem:v15+s15+$0x0] =	vst.idx.msk $0xffff, v14;
	v14 =	vld [tilespmem:s31+$0x110];
	v15 =	vor.u32 s26, v1  }
0x43: {  	v9 =	vor.u32 s28, v2;
	[tilespmem:v17+s15+$0x0] =	vst.idx.msk $0xffff, v16;
	v8 =	vld [tilespmem:s31+$0x1A0]  }
0x44: {  	v16 =	vld [tilespmem:s31+$0xFFFFFE10];
	v17 =	vor.u32 s12, v1;
	[tilespmem:v19+s15+$0x0] =	vst.idx.msk $0xffff, v18  }
0x45: {  	v19 =	vor.u32 s7, v2;
	v18 =	vld [tilespmem:s31+$0xFFFFFEA0];
	[tilespmem:v11+s15+$0x0] =	vst.idx.msk $0xffff, v10  }
0x46: {  	v10 =	vld [tilespmem:s31+$0xFFFFFF20];
	v11 =	vor.u32 s25, v2;
	[tilespmem:v13+s15+$0x0] =	vst.idx.msk $0xffff, v12  }
0x47: {  	v12 =	vld [tilespmem:s31+$0xFFFFFFA0];
	v13 =	vor.u32 s4, v2;
	[tilespmem:v15+s15+$0x0] =	vst.idx.msk $0xffff, v14  }
0x48: {  	v14 =	vld [tilespmem:s31+$0x20];
	v15 =	vor.u32 s2, v2;
	[tilespmem:v9+s15+$0x0] =	vst.idx.msk $0xffff, v8  }
0x49: {  	[tilespmem:v17+s15+$0x0] =	vst.idx.msk $0xffff, v16;
	v9 =	vor.u32 s28, v3;
	v8 =	vld [tilespmem:s31+$0x1B0]  }
0x4a: {  	v16 =	vld [tilespmem:s31+$0xA0];
	v17 =	vor.u32 s11, v2;
	[tilespmem:v19+s15+$0x0] =	vst.idx.msk $0xffff, v18  }
0x4b: {  	v18 =	vld [tilespmem:s31+$0x120];
	v19 =	vor.u32 s26, v2;
	[tilespmem:v11+s15+$0x0] =	vst.idx.msk $0xffff, v10  }
0x4c: {  	v10 =	vld [tilespmem:s31+$0xFFFFFE20];
	v11 =	vor.u32 s12, v2;
	[tilespmem:v13+s15+$0x0] =	vst.idx.msk $0xffff, v12  }
0x4d: {  	v12 =	vld [tilespmem:s31+$0xFFFFFEB0];
	v13 =	vor.u32 s7, v3;
	[tilespmem:v15+s15+$0x0] =	vst.idx.msk $0xffff, v14  }
0x4e: {  	v14 =	vld [tilespmem:s31+$0xFFFFFF30];
	v15 =	vor.u32 s25, v3;
	[tilespmem:v9+s15+$0x0] =	vst.idx.msk $0xffff, v8  }
0x4f: {  	[tilespmem:v17+s15+$0x0] =	vst.idx.msk $0xffff, v16;
	v9 =	vor.u32 s28, v4;
	v8 =	vld [tilespmem:s31+$0x1C0]  }
0x50: {  	v16 =	vld [tilespmem:s31+$0xFFFFFFB0];
	v17 =	vor.u32 s4, v3;
	[tilespmem:v19+s15+$0x0] =	vst.idx.msk $0xffff, v18  }
0x51: {  	v18 =	vld [tilespmem:s31+$0x30];
	v19 =	vor.u32 s2, v3;
	[tilespmem:v11+s15+$0x0] =	vst.idx.msk $0xffff, v10  }
0x52: {  	[tilespmem:v13+s15+$0x0] =	vst.idx.msk $0xffff, v12;
	v10 =	vld [tilespmem:s31+$0xB0];
	v11 =	vor.u32 s11, v3  }
0x53: {  	v12 =	vld [tilespmem:s31+$0x130];
	v13 =	vor.u32 s26, v3;
	[tilespmem:v15+s15+$0x0] =	vst.idx.msk $0xffff, v14  }
0x54: {  	v14 =	vld [tilespmem:s31+$0xFFFFFE30];
	v15 =	vor.u32 s12, v3;
	[tilespmem:v9+s15+$0x0] =	vst.idx.msk $0xffff, v8  }
0x55: {  	[tilespmem:v17+s15+$0x0] =	vst.idx.msk $0xffff, v16;
	v9 =	vor.u32 s28, v5;
	v8 =	vld [tilespmem:s31+$0x1D0]  }
0x56: {  	v16 =	vld [tilespmem:s31+$0xFFFFFEC0];
	v17 =	vor.u32 s7, v4;
	[tilespmem:v19+s15+$0x0] =	vst.idx.msk $0xffff, v18  }
0x57: {  	v18 =	vld [tilespmem:s31+$0xFFFFFF40];
	v19 =	vor.u32 s25, v4;
	[tilespmem:v11+s15+$0x0] =	vst.idx.msk $0xffff, v10  }
0x58: {  	v10 =	vld [tilespmem:s31+$0xFFFFFFC0];
	v11 =	vor.u32 s4, v4;
	[tilespmem:v13+s15+$0x0] =	vst.idx.msk $0xffff, v12  }
0x59: {  	v12 =	vld [tilespmem:s31+$0x40];
	v13 =	vor.u32 s2, v4;
	[tilespmem:v15+s15+$0x0] =	vst.idx.msk $0xffff, v14  }
0x5a: {  	v14 =	vld [tilespmem:s31+$0xC0];
	v15 =	vor.u32 s11, v4;
	[tilespmem:v9+s15+$0x0] =	vst.idx.msk $0xffff, v8  }
0x5b: {  	[tilespmem:v17+s15+$0x0] =	vst.idx.msk $0xffff, v16;
	v9 =	vor.u32 s28, v6;
	v8 =	vld [tilespmem:s31+$0x1E0]  }
0x5c: {  	v16 =	vld [tilespmem:s31+$0x140];
	v17 =	vor.u32 s26, v4;
	[tilespmem:v19+s15+$0x0] =	vst.idx.msk $0xffff, v18  }
0x5d: {  	v18 =	vld [tilespmem:s31+$0xFFFFFE40];
	v19 =	vor.u32 s12, v4;
	[tilespmem:v11+s15+$0x0] =	vst.idx.msk $0xffff, v10  }
0x5e: {  	v10 =	vld [tilespmem:s31+$0xFFFFFED0];
	v11 =	vor.u32 s7, v5;
	[tilespmem:v13+s15+$0x0] =	vst.idx.msk $0xffff, v12  }
0x5f: {  	v12 =	vld [tilespmem:s31+$0xFFFFFF50];
	v13 =	vor.u32 s25, v5;
	[tilespmem:v15+s15+$0x0] =	vst.idx.msk $0xffff, v14  }
0x60: {  	v14 =	vld [tilespmem:s31+$0xFFFFFFD0];
	v15 =	vor.u32 s4, v5;
	[tilespmem:v9+s15+$0x0] =	vst.idx.msk $0xffff, v8  }
0x61: {  	[tilespmem:v17+s15+$0x0] =	vst.idx.msk $0xffff, v16;
	v9 =	vor.u32 s28, v7;
	v8 =	vld [tilespmem:s31+$0x1F0]  }
0x62: {  	v16 =	vld [tilespmem:s31+$0x50];
	v17 =	vor.u32 s2, v5;
	[tilespmem:v19+s15+$0x0] =	vst.idx.msk $0xffff, v18  }
0x63: {  	v18 =	vld [tilespmem:s31+$0xD0];
	v19 =	vor.u32 s11, v5;
	[tilespmem:v11+s15+$0x0] =	vst.idx.msk $0xffff, v10  }
0x64: {  	v10 =	vld [tilespmem:s31+$0xFFFFFE50];
	v11 =	vor.u32 s12, v5;
	[tilespmem:v13+s15+$0x0] =	vst.idx.msk $0xffff, v12  }
0x65: {  	v13 =	vor.u32 s7, v6;
	v12 =	vld [tilespmem:s31+$0xFFFFFEE0];
	[tilespmem:v15+s15+$0x0] =	vst.idx.msk $0xffff, v14  }
0x66: {  	[tilespmem:v9+s15+$0x0] =	vst.idx.msk $0xffff, v8;
	v8 =	vld [tilespmem:s31+$0x150];
	v9 =	vor.u32 s26, v5  }
0x67: {  	v14 =	vld [tilespmem:s31+$0xFFFFFF60];
	v15 =	vor.u32 s25, v6;
	[tilespmem:v17+s15+$0x0] =	vst.idx.msk $0xffff, v16  }
0x68: {  	v17 =	vor.u32 s4, v6;
	v16 =	vld [tilespmem:s31+$0xFFFFFFE0];
	[tilespmem:v19+s15+$0x0] =	vst.idx.msk $0xffff, v18  }
0x69: {  	v18 =	vld [tilespmem:s31+$0x60];
	v19 =	vor.u32 s2, v6;
	[tilespmem:v11+s15+$0x0] =	vst.idx.msk $0xffff, v10  }
0x6a: {  	v20 =	vor.u32 s12, v6;
	[tilespmem:v13+s15+$0x0] =	vst.idx.msk $0xffff, v12;
	v13 =	vld [tilespmem:s31+$0xFFFFFE60]  }
0x6b: {  	[tilespmem:v9+s15+$0x0] =	vst.idx.msk $0xffff, v8;
	v8 =	vld [tilespmem:s31+$0xE0];
	v9 =	vor.u32 s11, v6  }
0x6c: {  	v12 =	vor.u32 s26, v6;
	[tilespmem:v15+s15+$0x0] =	vst.idx.msk $0xffff, v14;
	v10 =	vld [tilespmem:s31+$0x160]  }
0x6d: {  	v22 =	vor.u32 s7, v7;
	v21 =	vld [tilespmem:s31+$0xFFFFFEF0];
	[tilespmem:v17+s15+$0x0] =	vst.idx.msk $0xffff, v16  }
0x6e: {  	v24 =	vor.u32 s25, v7;
	v23 =	vld [tilespmem:s31+$0xFFFFFF70];
	[tilespmem:v19+s15+$0x0] =	vst.idx.msk $0xffff, v18  }
0x6f: {  	v17 =	vor.u32 s4, v7;
	v15 =	vld [tilespmem:s31+$0xFFFFFFF0];
	[tilespmem:v20+s15+$0x0] =	vst.idx.msk $0xffff, v13  }
0x70: {  	v16 =	vor.u32 s2, v7;
	v11 =	vld [tilespmem:s31+$0x70];
	[tilespmem:v9+s15+$0x0] =	vst.idx.msk $0xffff, v8  }
0x71: {  	v14 =	vor.u32 s11, v7;
	[tilespmem:v12+s15+$0x0] =	vst.idx.msk $0xffff, v10;
	v8 =	vld [tilespmem:s31+$0xF0]  }
0x72: {  	s7 =	simm.s32 $0x8;
	[tilespmem:v22+s15+$0x0] =	vst.idx.msk $0xffff, v21;
	v12 =	vor.u32 s26, v7;
	v9 =	vld [tilespmem:s31+$0x170]  }
0x73: {  	s4 =	simm.s32 $0xF;
	s2 =	simm.s32 $0x600;
	v13 =	vor.u32 s12, v7;
	s11 =	simm.s32 $0x10;
	[tilespmem:v24+s15+$0x0] =	vst.idx.msk $0xffff, v23;
	v10 =	vld [tilespmem:s31+$0xFFFFFE70]  }
.LBB2_4:
0x74: {  	p1 =	slt.u32 s11, $0x38;
	s25 =	sadd.s32 $0x1, s7;
	v18 =	vld [tilespmem:s2+$0x180];
	v19 =	vor.u32 s4, v0;
	[tilespmem:v17+s15+$0x0] =	vst.idx.msk $0xffff, v15;
	s12 =	smov.u32 s7  }
0x75: {  	s7 =	smov.u32 s11;
	v15 =	vld [tilespmem:s2+$0xFFFFFE80];
	v17 =	vor.u32 s25, v0;
	s26 =	sadd.s32 $0x2, s12;
	[tilespmem:v16+s15+$0x0] =	vst.idx.msk $0xffff, v11  }
0x76: {  	s28 =	sadd.s32 $0x3, s12;
	v11 =	vld [tilespmem:s2+$0xFFFFFF00];
	v16 =	vor.u32 s26, v0;
	[tilespmem:v14+s15+$0x0] =	vst.idx.msk $0xffff, v8  }
0x77: {  	s29 =	sadd.s32 $0x4, s12;
	v14 =	vor.u32 s28, v0;
	v8 =	vld [tilespmem:s2+$0xFFFFFF80];
	[tilespmem:v12+s15+$0x0] =	vst.idx.msk $0xffff, v9  }
0x78: {  	s30 =	sadd.s32 $0x5, s12;
	v12 =	vor.u32 s29, v0;
	v9 =	vld [tilespmem:s2+$0x0];
	[tilespmem:v13+s15+$0x0] =	vst.idx.msk $0xffff, v10  }
0x79: {  	v13 =	vor.u32 s30, v0;
	v10 =	vld [tilespmem:s2+$0x80];
	[tilespmem:v19+s15+$0x0] =	vst.idx.msk $0xffff, v18  }
0x7a: {  	s31 =	sadd.s32 $0x6, s12;
	[tilespmem:v17+s15+$0x0] =	vst.idx.msk $0xffff, v15;
	v15 =	vld [tilespmem:s2+$0x190];
	v17 =	vor.u32 s4, v1  }
0x7b: {  	[tilespmem:v16+s15+$0x0] =	vst.idx.msk $0xffff, v11;
	v11 =	vld [tilespmem:s2+$0x100];
	v16 =	vor.u32 s31, v0  }
0x7c: {  	v19 =	vor.u32 s12, v0;
	v18 =	vld [tilespmem:s2+$0xFFFFFE00];
	[tilespmem:v14+s15+$0x0] =	vst.idx.msk $0xffff, v8  }
0x7d: {  	v14 =	vor.u32 s25, v1;
	v8 =	vld [tilespmem:s2+$0xFFFFFE90];
	[tilespmem:v12+s15+$0x0] =	vst.idx.msk $0xffff, v9  }
0x7e: {  	v12 =	vor.u32 s26, v1;
	v9 =	vld [tilespmem:s2+$0xFFFFFF10];
	[tilespmem:v13+s15+$0x0] =	vst.idx.msk $0xffff, v10  }
0x7f: {  	v13 =	vor.u32 s28, v1;
	v10 =	vld [tilespmem:s2+$0xFFFFFF90];
	[tilespmem:v17+s15+$0x0] =	vst.idx.msk $0xffff, v15  }
0x80: {  	v15 =	vor.u32 s4, v2;
	[tilespmem:v16+s15+$0x0] =	vst.idx.msk $0xffff, v11;
	v11 =	vld [tilespmem:s2+$0x1A0]  }
0x81: {  	v17 =	vor.u32 s29, v1;
	[tilespmem:v19+s15+$0x0] =	vst.idx.msk $0xffff, v18;
	v16 =	vld [tilespmem:s2+$0x10]  }
0x82: {  	[tilespmem:v14+s15+$0x0] =	vst.idx.msk $0xffff, v8;
	v8 =	vld [tilespmem:s2+$0x90];
	v14 =	vor.u32 s30, v1  }
0x83: {  	[tilespmem:v12+s15+$0x0] =	vst.idx.msk $0xffff, v9;
	v9 =	vld [tilespmem:s2+$0x110];
	v12 =	vor.u32 s31, v1  }
0x84: {  	v19 =	vor.u32 s12, v1;
	v18 =	vld [tilespmem:s2+$0xFFFFFE10];
	[tilespmem:v13+s15+$0x0] =	vst.idx.msk $0xffff, v10  }
0x85: {  	v13 =	vor.u32 s25, v2;
	v10 =	vld [tilespmem:s2+$0xFFFFFEA0];
	[tilespmem:v15+s15+$0x0] =	vst.idx.msk $0xffff, v11  }
0x86: {  	v15 =	vor.u32 s4, v3;
	[tilespmem:v17+s15+$0x0] =	vst.idx.msk $0xffff, v16;
	v11 =	vld [tilespmem:s2+$0x1B0]  }
0x87: {  	v17 =	vor.u32 s26, v2;
	v16 =	vld [tilespmem:s2+$0xFFFFFF20];
	[tilespmem:v14+s15+$0x0] =	vst.idx.msk $0xffff, v8  }
0x88: {  	v14 =	vor.u32 s28, v2;
	v8 =	vld [tilespmem:s2+$0xFFFFFFA0];
	[tilespmem:v12+s15+$0x0] =	vst.idx.msk $0xffff, v9  }
0x89: {  	v12 =	vor.u32 s29, v2;
	[tilespmem:v19+s15+$0x0] =	vst.idx.msk $0xffff, v18;
	v9 =	vld [tilespmem:s2+$0x20]  }
0x8a: {  	[tilespmem:v13+s15+$0x0] =	vst.idx.msk $0xffff, v10;
	v10 =	vld [tilespmem:s2+$0xA0];
	v13 =	vor.u32 s30, v2  }
0x8b: {  	v19 =	vor.u32 s31, v2;
	v18 =	vld [tilespmem:s2+$0x120];
	[tilespmem:v15+s15+$0x0] =	vst.idx.msk $0xffff, v11  }
0x8c: {  	v15 =	vor.u32 s4, v4;
	[tilespmem:v17+s15+$0x0] =	vst.idx.msk $0xffff, v16;
	v11 =	vld [tilespmem:s2+$0x1C0]  }
0x8d: {  	v17 =	vor.u32 s12, v2;
	v16 =	vld [tilespmem:s2+$0xFFFFFE20];
	[tilespmem:v14+s15+$0x0] =	vst.idx.msk $0xffff, v8  }
0x8e: {  	v14 =	vor.u32 s25, v3;
	v8 =	vld [tilespmem:s2+$0xFFFFFEB0];
	[tilespmem:v12+s15+$0x0] =	vst.idx.msk $0xffff, v9  }
0x8f: {  	v12 =	vor.u32 s26, v3;
	v9 =	vld [tilespmem:s2+$0xFFFFFF30];
	[tilespmem:v13+s15+$0x0] =	vst.idx.msk $0xffff, v10  }
0x90: {  	v13 =	vor.u32 s28, v3;
	v10 =	vld [tilespmem:s2+$0xFFFFFFB0];
	[tilespmem:v19+s15+$0x0] =	vst.idx.msk $0xffff, v18  }
0x91: {  	v19 =	vor.u32 s29, v3;
	v18 =	vld [tilespmem:s2+$0x30];
	[tilespmem:v15+s15+$0x0] =	vst.idx.msk $0xffff, v11  }
0x92: {  	v15 =	vor.u32 s4, v5;
	[tilespmem:v17+s15+$0x0] =	vst.idx.msk $0xffff, v16;
	v11 =	vld [tilespmem:s2+$0x1D0]  }
0x93: {  	[tilespmem:v14+s15+$0x0] =	vst.idx.msk $0xffff, v8;
	v8 =	vld [tilespmem:s2+$0xB0];
	v14 =	vor.u32 s30, v3  }
0x94: {  	[tilespmem:v12+s15+$0x0] =	vst.idx.msk $0xffff, v9;
	v9 =	vld [tilespmem:s2+$0x130];
	v12 =	vor.u32 s31, v3  }
0x95: {  	v17 =	vor.u32 s12, v3;
	v16 =	vld [tilespmem:s2+$0xFFFFFE30];
	[tilespmem:v13+s15+$0x0] =	vst.idx.msk $0xffff, v10  }
0x96: {  	v13 =	vor.u32 s25, v4;
	v10 =	vld [tilespmem:s2+$0xFFFFFEC0];
	[tilespmem:v19+s15+$0x0] =	vst.idx.msk $0xffff, v18  }
0x97: {  	v19 =	vor.u32 s26, v4;
	v18 =	vld [tilespmem:s2+$0xFFFFFF40];
	[tilespmem:v15+s15+$0x0] =	vst.idx.msk $0xffff, v11  }
0x98: {  	v11 =	vor.u32 s4, v6;
	[tilespmem:v14+s15+$0x0] =	vst.idx.msk $0xffff, v8;
	v8 =	vld [tilespmem:s2+$0x1E0]  }
0x99: {  	v15 =	vor.u32 s28, v4;
	v14 =	vld [tilespmem:s2+$0xFFFFFFC0];
	[tilespmem:v12+s15+$0x0] =	vst.idx.msk $0xffff, v9  }
0x9a: {  	v12 =	vor.u32 s29, v4;
	[tilespmem:v17+s15+$0x0] =	vst.idx.msk $0xffff, v16;
	v9 =	vld [tilespmem:s2+$0x40]  }
0x9b: {  	[tilespmem:v13+s15+$0x0] =	vst.idx.msk $0xffff, v10;
	v10 =	vld [tilespmem:s2+$0xC0];
	v13 =	vor.u32 s30, v4  }
0x9c: {  	v17 =	vor.u32 s31, v4;
	[tilespmem:v19+s15+$0x0] =	vst.idx.msk $0xffff, v18;
	v16 =	vld [tilespmem:s2+$0x140]  }
0x9d: {  	v19 =	vor.u32 s12, v4;
	v18 =	vld [tilespmem:s2+$0xFFFFFE40];
	[tilespmem:v11+s15+$0x0] =	vst.idx.msk $0xffff, v8  }
0x9e: {  	v11 =	vor.u32 s4, v7;
	[tilespmem:v15+s15+$0x0] =	vst.idx.msk $0xffff, v14;
	v8 =	vld [tilespmem:s2+$0x1F0]  }
0x9f: {  	v15 =	vor.u32 s25, v5;
	v14 =	vld [tilespmem:s2+$0xFFFFFED0];
	[tilespmem:v12+s15+$0x0] =	vst.idx.msk $0xffff, v9  }
0xa0: {  	v12 =	vor.u32 s26, v5;
	v9 =	vld [tilespmem:s2+$0xFFFFFF50];
	[tilespmem:v13+s15+$0x0] =	vst.idx.msk $0xffff, v10  }
0xa1: {  	v13 =	vor.u32 s28, v5;
	v10 =	vld [tilespmem:s2+$0xFFFFFFD0];
	[tilespmem:v17+s15+$0x0] =	vst.idx.msk $0xffff, v16  }
0xa2: {  	v17 =	vor.u32 s29, v5;
	[tilespmem:v19+s15+$0x0] =	vst.idx.msk $0xffff, v18;
	v16 =	vld [tilespmem:s2+$0x50]  }
0xa3: {  	v19 =	vor.u32 s30, v5;
	v18 =	vld [tilespmem:s2+$0xD0];
	[tilespmem:v11+s15+$0x0] =	vst.idx.msk $0xffff, v8  }
0xa4: {  	v11 =	vor.u32 s31, v5;
	[tilespmem:v15+s15+$0x0] =	vst.idx.msk $0xffff, v14;
	v8 =	vld [tilespmem:s2+$0x150]  }
0xa5: {  	v15 =	vor.u32 s12, v5;
	v14 =	vld [tilespmem:s2+$0xFFFFFE50];
	[tilespmem:v12+s15+$0x0] =	vst.idx.msk $0xffff, v9  }
0xa6: {  	v12 =	vor.u32 s25, v6;
	v9 =	vld [tilespmem:s2+$0xFFFFFEE0];
	[tilespmem:v13+s15+$0x0] =	vst.idx.msk $0xffff, v10  }
0xa7: {  	v13 =	vor.u32 s26, v6;
	v10 =	vld [tilespmem:s2+$0xFFFFFF60];
	[tilespmem:v17+s15+$0x0] =	vst.idx.msk $0xffff, v16  }
0xa8: {  	v17 =	vor.u32 s28, v6;
	v16 =	vld [tilespmem:s2+$0xFFFFFFE0];
	[tilespmem:v19+s15+$0x0] =	vst.idx.msk $0xffff, v18  }
0xa9: {  	v19 =	vor.u32 s29, v6;
	v18 =	vld [tilespmem:s2+$0x60];
	[tilespmem:v11+s15+$0x0] =	vst.idx.msk $0xffff, v8  }
0xaa: {  	v11 =	vor.u32 s30, v6;
	[tilespmem:v15+s15+$0x0] =	vst.idx.msk $0xffff, v14;
	v8 =	vld [tilespmem:s2+$0xE0]  }
0xab: {  	[tilespmem:v12+s15+$0x0] =	vst.idx.msk $0xffff, v9;
	v9 =	vld [tilespmem:s2+$0x160];
	v12 =	vor.u32 s31, v6  }
0xac: {  	v20 =	vor.u32 s12, v6;
	v14 =	vld [tilespmem:s2+$0xFFFFFE60];
	[tilespmem:v13+s15+$0x0] =	vst.idx.msk $0xffff, v10  }
0xad: {  	v13 =	vor.u32 s25, v7;
	v10 =	vld [tilespmem:s2+$0xFFFFFEF0];
	[tilespmem:v17+s15+$0x0] =	vst.idx.msk $0xffff, v16  }
0xae: {  	v22 =	vor.u32 s26, v7;
	v21 =	vld [tilespmem:s2+$0xFFFFFF70];
	[tilespmem:v19+s15+$0x0] =	vst.idx.msk $0xffff, v18  }
.Ltmp5:
0xaf: {  	v17 =	vor.u32 s28, v7;
	v15 =	vld [tilespmem:s2+$0xFFFFFFF0];
	[tilespmem:v11+s15+$0x0] =	vst.idx.msk $0xffff, v8;
	(pc) =	sbr.rel @p1 .LBB2_4-.Ltmp5, $4  }
0xb0: {  	v16 =	vor.u32 s29, v7;
	v11 =	vld [tilespmem:s2+$0x70];
	[tilespmem:v12+s15+$0x0] =	vst.idx.msk $0xffff, v9  }
0xb1: {  	[tilespmem:v20+s15+$0x0] =	vst.idx.msk $0xffff, v14;
	v8 =	vld [tilespmem:s2+$0xF0];
	v14 =	vor.u32 s30, v7  }
0xb2: {  	v12 =	vor.u32 s31, v7;
	[tilespmem:v13+s15+$0x0] =	vst.idx.msk $0xffff, v10;
	v9 =	vld [tilespmem:s2+$0x170]  }
0xb3: {  	s11 =	sadd.s32 $0x8, s11;
	s4 =	sadd.s32 $0x7, s7;
	v13 =	vor.u32 s12, v7;
	v10 =	vld [tilespmem:s2+$0xFFFFFE70];
	[tilespmem:v22+s15+$0x0] =	vst.idx.msk $0xffff, v21;
	s2 =	sadd.s32 $0x400, s2  }
0xb4: {  	_ =	sdelay $0x3  }
0xb5: {  	v18 =	vld [tilespmem:s2+$0x180];
	v19 =	vor.u32 s4, v0;
	[tilespmem:v17+s15+$0x0] =	vst.idx.msk $0xffff, v15  }
0xb6: {  	s0 =	sadd.s32 $0x1, s7;
	v55 =	vld [tilespmem:s2+$0xFFFFFE00];
	v56 =	vor.u32 s7, v0;
	[tilespmem:v16+s15+$0x0] =	vst.idx.msk $0xffff, v11  }
0xb7: {  	v42 =	vld [tilespmem:s2+$0xFFFFFE80];
	s11 =	sadd.s32 $0x2, s7;
	v43 =	vor.u32 s0, v0;
	[tilespmem:v14+s15+$0x0] =	vst.idx.msk $0xffff, v8  }
0xb8: {  	v44 =	vld [tilespmem:s2+$0xFFFFFF00];
	s25 =	sadd.s32 $0x4, s7;
	v45 =	vor.u32 s11, v0;
	[tilespmem:v12+s15+$0x0] =	vst.idx.msk $0xffff, v9  }
0xb9: {  	s12 =	sadd.s32 $0x3, s7;
	v47 =	vld [tilespmem:s2+$0x0];
	v48 =	vor.u32 s25, v0;
	[tilespmem:v13+s15+$0x0] =	vst.idx.msk $0xffff, v10  }
0xba: {  	s26 =	sadd.s32 $0x5, s7;
	v46 =	vor.u32 s12, v0;
	v8 =	vld [tilespmem:s2+$0xFFFFFF80];
	[tilespmem:v19+s15+$0x0] =	vst.idx.msk $0xffff, v18  }
0xbb: {  	v49 =	vld [tilespmem:s2+$0x80];
	s28 =	sadd.s32 $0x6, s7;
	v50 =	vor.u32 s26, v0;
	[tilespmem:v56+s15+$0x0] =	vst.idx.msk $0xffff, v55  }
0xbc: {  	v53 =	vld [tilespmem:s2+$0x100];
	v54 =	vor.u32 s28, v0;
	[tilespmem:v43+s15+$0x0] =	vst.idx.msk $0xffff, v42  }
0xbd: {  	v52 =	vor.u32 s4, v1;
	v51 =	vld [tilespmem:s2+$0x190];
	[tilespmem:v45+s15+$0x0] =	vst.idx.msk $0xffff, v44  }
0xbe: {  	v26 =	vor.u32 s7, v1;
	[tilespmem:v48+s15+$0x0] =	vst.idx.msk $0xffff, v47;
	v18 =	vld [tilespmem:s2+$0xFFFFFE10]  }
0xbf: {  	v57 =	vor.u32 s0, v1;
	[tilespmem:v46+s15+$0x0] =	vst.idx.msk $0xffff, v8;
	v8 =	vld [tilespmem:s2+$0xFFFFFE90]  }
0xc0: {  	v59 =	vor.u32 s11, v1;
	[tilespmem:v50+s15+$0x0] =	vst.idx.msk $0xffff, v49;
	v58 =	vld [tilespmem:s2+$0xFFFFFF10]  }
0xc1: {  	v22 =	vor.u32 s25, v1;
	[tilespmem:v54+s15+$0x0] =	vst.idx.msk $0xffff, v53;
	v21 =	vld [tilespmem:s2+$0x10]  }
0xc2: {  	v25 =	vor.u32 s28, v1;
	v24 =	vld [tilespmem:s2+$0x110];
	[tilespmem:v52+s15+$0x0] =	vst.idx.msk $0xffff, v51  }
0xc3: {  	v61 =	vor.u32 s12, v1;
	v60 =	vld [tilespmem:s2+$0xFFFFFF90];
	[tilespmem:v26+s15+$0x0] =	vst.idx.msk $0xffff, v18  }
0xc4: {  	v63 =	vor.u32 s4, v2;
	v62 =	vld [tilespmem:s2+$0x1A0];
	[tilespmem:v57+s15+$0x0] =	vst.idx.msk $0xffff, v8  }
0xc5: {  	v23 =	vor.u32 s26, v1;
	v8 =	vld [tilespmem:s2+$0x90];
	[tilespmem:v59+s15+$0x0] =	vst.idx.msk $0xffff, v58  }
0xc6: {  	v41 =	vor.u32 s7, v2;
	[tilespmem:v22+s15+$0x0] =	vst.idx.msk $0xffff, v21;
	v40 =	vld [tilespmem:s2+$0xFFFFFE20]  }
0xc7: {  	v28 =	vor.u32 s0, v2;
	[tilespmem:v25+s15+$0x0] =	vst.idx.msk $0xffff, v24;
	v27 =	vld [tilespmem:s2+$0xFFFFFEA0]  }
0xc8: {  	v31 =	vor.u32 s11, v2;
	[tilespmem:v61+s15+$0x0] =	vst.idx.msk $0xffff, v60;
	v30 =	vld [tilespmem:s2+$0xFFFFFF20]  }
0xc9: {  	v34 =	vor.u32 s25, v2;
	v33 =	vld [tilespmem:s2+$0x20];
	[tilespmem:v63+s15+$0x0] =	vst.idx.msk $0xffff, v62  }
0xca: {  	v38 =	vor.u32 s28, v2;
	v37 =	vld [tilespmem:s2+$0x120];
	[tilespmem:v23+s15+$0x0] =	vst.idx.msk $0xffff, v8  }
0xcb: {  	v29 =	vor.u32 s4, v3;
	[tilespmem:v41+s15+$0x0] =	vst.idx.msk $0xffff, v40;
	v11 =	vld [tilespmem:s2+$0x1B0]  }
0xcc: {  	v32 =	vor.u32 s12, v2;
	v8 =	vld [tilespmem:s2+$0xFFFFFFA0];
	[tilespmem:v28+s15+$0x0] =	vst.idx.msk $0xffff, v27  }
0xcd: {  	v36 =	vor.u32 s26, v2;
	v35 =	vld [tilespmem:s2+$0xA0];
	[tilespmem:v31+s15+$0x0] =	vst.idx.msk $0xffff, v30  }
0xce: {  	v53 =	vor.u32 s7, v3;
	[tilespmem:v34+s15+$0x0] =	vst.idx.msk $0xffff, v33;
	v16 =	vld [tilespmem:s2+$0xFFFFFE30]  }
0xcf: {  	v44 =	vor.u32 s11, v3;
	[tilespmem:v38+s15+$0x0] =	vst.idx.msk $0xffff, v37;
	v43 =	vld [tilespmem:s2+$0xFFFFFF30]  }
0xd0: {  	v48 =	vor.u32 s25, v3;
	v47 =	vld [tilespmem:s2+$0x30];
	[tilespmem:v29+s15+$0x0] =	vst.idx.msk $0xffff, v11  }
0xd1: {  	v39 =	vor.u32 s4, v4;
	[tilespmem:v32+s15+$0x0] =	vst.idx.msk $0xffff, v8;
	v11 =	vld [tilespmem:s2+$0x1C0]  }
0xd2: {  	v52 =	vor.u32 s28, v3;
	v51 =	vld [tilespmem:s2+$0x130];
	[tilespmem:v36+s15+$0x0] =	vst.idx.msk $0xffff, v35  }
0xd3: {  	v42 =	vor.u32 s0, v3;
	v8 =	vld [tilespmem:s2+$0xFFFFFEB0];
	[tilespmem:v53+s15+$0x0] =	vst.idx.msk $0xffff, v16  }
0xd4: {  	v46 =	vor.u32 s12, v3;
	v45 =	vld [tilespmem:s2+$0xFFFFFFB0];
	[tilespmem:v44+s15+$0x0] =	vst.idx.msk $0xffff, v43  }
0xd5: {  	v25 =	vor.u32 s7, v4;
	[tilespmem:v48+s15+$0x0] =	vst.idx.msk $0xffff, v47;
	v24 =	vld [tilespmem:s2+$0xFFFFFE40]  }
0xd6: {  	v57 =	vor.u32 s11, v4;
	v56 =	vld [tilespmem:s2+$0xFFFFFF40];
	[tilespmem:v39+s15+$0x0] =	vst.idx.msk $0xffff, v11  }
0xd7: {  	v49 =	vor.u32 s4, v5;
	[tilespmem:v52+s15+$0x0] =	vst.idx.msk $0xffff, v51;
	v11 =	vld [tilespmem:s2+$0x1D0]  }
0xd8: {  	v50 =	vor.u32 s26, v3;
	[tilespmem:v42+s15+$0x0] =	vst.idx.msk $0xffff, v8;
	v8 =	vld [tilespmem:s2+$0xB0]  }
0xd9: {  	v62 =	vor.u32 s25, v4;
	v61 =	vld [tilespmem:s2+$0x40];
	[tilespmem:v46+s15+$0x0] =	vst.idx.msk $0xffff, v45  }
0xda: {  	v23 =	vor.u32 s28, v4;
	v22 =	vld [tilespmem:s2+$0x140];
	[tilespmem:v25+s15+$0x0] =	vst.idx.msk $0xffff, v24  }
0xdb: {  	v55 =	vor.u32 s0, v4;
	v54 =	vld [tilespmem:s2+$0xFFFFFEC0];
	[tilespmem:v57+s15+$0x0] =	vst.idx.msk $0xffff, v56  }
0xdc: {  	v60 =	vor.u32 s12, v4;
	v59 =	vld [tilespmem:s2+$0xFFFFFFC0];
	[tilespmem:v49+s15+$0x0] =	vst.idx.msk $0xffff, v11  }
0xdd: {  	v58 =	vor.u32 s4, v6;
	[tilespmem:v50+s15+$0x0] =	vst.idx.msk $0xffff, v8;
	v8 =	vld [tilespmem:s2+$0x1E0]  }
0xde: {  	v39 =	vor.u32 s7, v5;
	[tilespmem:v62+s15+$0x0] =	vst.idx.msk $0xffff, v61;
	v38 =	vld [tilespmem:s2+$0xFFFFFE50]  }
0xdf: {  	v30 =	vor.u32 s11, v5;
	[tilespmem:v23+s15+$0x0] =	vst.idx.msk $0xffff, v22;
	v29 =	vld [tilespmem:s2+$0xFFFFFF50]  }
0xe0: {  	v34 =	vor.u32 s25, v5;
	v33 =	vld [tilespmem:s2+$0x50];
	[tilespmem:v55+s15+$0x0] =	vst.idx.msk $0xffff, v54  }
0xe1: {  	v21 =	vor.u32 s26, v4;
	v63 =	vld [tilespmem:s2+$0xC0];
	[tilespmem:v60+s15+$0x0] =	vst.idx.msk $0xffff, v59  }
0xe2: {  	v28 =	vor.u32 s0, v5;
	v27 =	vld [tilespmem:s2+$0xFFFFFED0];
	[tilespmem:v58+s15+$0x0] =	vst.idx.msk $0xffff, v8  }
0xe3: {  	v26 =	vor.u32 s4, v7;
	[tilespmem:v39+s15+$0x0] =	vst.idx.msk $0xffff, v38;
	v8 =	vld [tilespmem:s2+$0x1F0]  }
0xe4: {  	v32 =	vor.u32 s12, v5;
	v31 =	vld [tilespmem:s2+$0xFFFFFFD0];
	[tilespmem:v30+s15+$0x0] =	vst.idx.msk $0xffff, v29  }
0xe5: {  	v51 =	vor.u32 s7, v6;
	[tilespmem:v34+s15+$0x0] =	vst.idx.msk $0xffff, v33;
	v14 =	vld [tilespmem:s2+$0xFFFFFE60]  }
0xe6: {  	v43 =	vor.u32 s11, v6;
	v42 =	vld [tilespmem:s2+$0xFFFFFF60];
	[tilespmem:v21+s15+$0x0] =	vst.idx.msk $0xffff, v63  }
0xe7: {  	v36 =	vor.u32 s26, v5;
	v35 =	vld [tilespmem:s2+$0xD0];
	[tilespmem:v28+s15+$0x0] =	vst.idx.msk $0xffff, v27  }
0xe8: {  	v37 =	vor.u32 s28, v5;
	[tilespmem:v26+s15+$0x0] =	vst.idx.msk $0xffff, v8;
	v8 =	vld [tilespmem:s2+$0x150]  }
0xe9: {  	v47 =	vor.u32 s25, v6;
	v46 =	vld [tilespmem:s2+$0x60];
	[tilespmem:v32+s15+$0x0] =	vst.idx.msk $0xffff, v31  }
0xea: {  	v41 =	vor.u32 s0, v6;
	v40 =	vld [tilespmem:s2+$0xFFFFFEE0];
	[tilespmem:v51+s15+$0x0] =	vst.idx.msk $0xffff, v14  }
0xeb: {  	v45 =	vor.u32 s12, v6;
	v44 =	vld [tilespmem:s2+$0xFFFFFFE0];
	[tilespmem:v43+s15+$0x0] =	vst.idx.msk $0xffff, v42  }
0xec: {  	v63 =	vor.u32 s7, v7;
	v14 =	vld [tilespmem:s2+$0xFFFFFE70];
	[tilespmem:v36+s15+$0x0] =	vst.idx.msk $0xffff, v35  }
0xed: {  	v48 =	vor.u32 s26, v6;
	[tilespmem:v37+s15+$0x0] =	vst.idx.msk $0xffff, v8;
	v8 =	vld [tilespmem:s2+$0xE0]  }
0xee: {  	v50 =	vor.u32 s28, v6;
	[tilespmem:v47+s15+$0x0] =	vst.idx.msk $0xffff, v46;
	v49 =	vld [tilespmem:s2+$0x160]  }
0xef: {  	v55 =	vor.u32 s11, v7;
	v54 =	vld [tilespmem:s2+$0xFFFFFF70];
	[tilespmem:v41+s15+$0x0] =	vst.idx.msk $0xffff, v40  }
0xf0: {  	v53 =	vor.u32 s0, v7;
	v52 =	vld [tilespmem:s2+$0xFFFFFEF0];
	[tilespmem:v45+s15+$0x0] =	vst.idx.msk $0xffff, v44  }
0xf1: {  	v57 =	vor.u32 s12, v7;
	v56 =	vld [tilespmem:s2+$0xFFFFFFF0];
	[tilespmem:v63+s15+$0x0] =	vst.idx.msk $0xffff, v14  }
0xf2: {  	v58 =	vor.u32 s25, v7;
	[tilespmem:v48+s15+$0x0] =	vst.idx.msk $0xffff, v8;
	v8 =	vld [tilespmem:s2+$0x70]  }
0xf3: {  	v60 =	vor.u32 s26, v7;
	[tilespmem:v50+s15+$0x0] =	vst.idx.msk $0xffff, v49;
	v59 =	vld [tilespmem:s2+$0xF0]  }
0xf4: {  	v62 =	vor.u32 s28, v7;
	[tilespmem:v55+s15+$0x0] =	vst.idx.msk $0xffff, v54;
	v61 =	vld [tilespmem:s2+$0x170]  }
0xf5: {  	[tilespmem:v53+s15+$0x0] =	vst.idx.msk $0xffff, v52  }
0xf6: {  	[tilespmem:v57+s15+$0x0] =	vst.idx.msk $0xffff, v56  }
0xf7: {  	p1 =	seq.s32 s10, $0x1E84;
	s0 =	sshll.u32 s10, $0xA;
	[tilespmem:v58+s15+$0x0] =	vst.idx.msk $0xffff, v8  }
0xf8: {  	s0 =	simm.s32 @p1 $0x7A0E00;
	[tilespmem:v60+s15+$0x0] =	vst.idx.msk $0xffff, v59  }
0xf9: {  	s0 =	sadd.s32 s5, s0;
	[tilespmem:v62+s15+$0x0] =	vst.idx.msk $0xffff, v61  }
0xfa: {  	[hbm4b:s0+s3] =	stream.linear.scatter [tilespmem:s15], [sflag:$0x3], $0x400, $0x38;
	[tilespmem:$0xC000] =	vst v63  }
0xfb: {  	s25 =	sadd.s32 $0x80, s0  }
0xfc: {  	[hbm4b:s25+s3] =	stream.linear.scatter [tilespmem:s16], [sflag:$0x3], $0x400, $0x38;
	[tilespmem:$0xC000] =	vst v63  }
0xfd: {  	s26 =	sadd.s32 $0x100, s0  }
0xfe: {  	[hbm4b:s26+s3] =	stream.linear.scatter [tilespmem:s17], [sflag:$0x3], $0x400, $0x38;
	[tilespmem:$0xC000] =	vst v63  }
0xff: {  	s28 =	sadd.s32 $0x180, s0  }
0x100: {  	[hbm4b:s28+s3] =	stream.linear.scatter [tilespmem:s18], [sflag:$0x3], $0x400, $0x38;
	[tilespmem:$0xC000] =	vst v63  }
0x101: {  	s29 =	sadd.s32 $0x200, s0  }
0x102: {  	[hbm4b:s29+s3] =	stream.linear.scatter [tilespmem:s19], [sflag:$0x3], $0x400, $0x38;
	[tilespmem:$0xC000] =	vst v63  }
0x103: {  	s30 =	sadd.s32 $0x280, s0  }
0x104: {  	[hbm4b:s30+s3] =	stream.linear.scatter [tilespmem:s20], [sflag:$0x3], $0x400, $0x38;
	[tilespmem:$0xC000] =	vst v63  }
.Ltmp6:
0x105: {  	_ = 	snop;
	(pc) =	sbr.rel .LBB2_7-.Ltmp6, $4  }
0x106: {  	s31 =	sadd.s32 $0x300, s0  }
0x107: {  	[hbm4b:s31+s3] =	stream.linear.scatter [tilespmem:s21], [sflag:$0x3], $0x400, $0x38;
	[tilespmem:$0xC000] =	vst v63  }
0x108: {  	s0 =	sadd.s32 $0x380, s0  }
0x109: {  	[hbm4b:s0+s3] =	stream.linear.scatter [tilespmem:s22], [sflag:$0x3], $0x400, $0x38;
	[tilespmem:$0xC000] =	vst v63  }
.LBB2_6:
0x10a: {  	p1 =	seq.s32 s10, $0x1E86  }
.Ltmp7:
0x10b: {  	_ = 	snop;
	(pc) =	sbr.rel @!p1 .LBB2_7-.Ltmp7, $1  }
0x10c: {  	_ =	sdelay $0x3  }
.Ltmp8:
0x10d: {  	(pc) =	sbr.rel .LBB2_17-.Ltmp8, $4  }
0x10e: {  	_ = 	snop  }
0x10f: {  	_ =	swait.ge [sflag:s1], $0x2000  }
0x110: {  	[sflag:s1] =	ssyncset.done $0x0  }
0x111: {  	[sflag:s1] =	ssyncadd.s32 $0xFFFFE000  }
.LBB2_7:
0x112: {  	p1 =	sne.s32 s8, $0x7A  }
.Ltmp9:
0x113: {  	_ = 	snop;
	(pc) =	sbr.rel @!p1 .LBB2_10-.Ltmp9, $1  }
0x114: {  	_ =	sdelay $0x3  }
0x115: {  	p1 =	sgt.u32 s10, $0x1E81  }
.Ltmp10:
0x116: {  	_ = 	snop;
	(pc) =	sbr.rel @p1 .LBB2_12-.Ltmp10, $2  }
0x117: {  	_ =	sdelay $0x2  }
0x118: {  	s0 =	sadd.s32 $0x2, s10  }
.Ltmp11:
0x119: {  	(pc) =	sbr.rel .LBB2_10-.Ltmp11, $4  }
0x11a: {  	_ = 	snop  }
0x11b: {  	s0 =	sshll.u32 s0, $0x7;
	s2 =	rddreg [dreg:$0x0]  }
0x11c: {  	s31 =	simm.s32 $0x400;
	s4 =	simm.s32 $0x7A1400;
	s0 =	sadd.s32 s2, s0  }
0x11d: {  	[tilespmem:s3], [sflag:$0x1] =	stream.strided.gather [hbm4b:s0+s31], $0x2000, s4, s31, $0x38;
	[tilespmem:$0xC000] =	vst v63  }
.LBB2_12:
0x11e: {  	p1 =	sne.s32 s0, $0x1E84  }
.Ltmp12:
0x11f: {  	_ = 	snop;
	(pc) =	sbr.rel @p1 .LBB2_10-.Ltmp12, $1  }
0x120: {  	_ =	sdelay $0x3  }
.Ltmp13:
0x121: {  	(pc) =	sbr.rel .LBB2_14-.Ltmp13, $3  }
0x122: {  	_ =	sdelay $0x1  }
0x123: {  	s0 =	rddreg [dreg:$0x3];
	s7 =	simm.s32 $0x1E83  }
0x124: {  	[tilespmem:s3], [sflag:$0x1] =	stream.linear.gather [hbm4b:s0+s3], $0x2000, $0x38;
	[tilespmem:$0xC000] =	vst v63  }
.LBB2_10:
0x125: {  	s7 =	sor.u32 $0x1, s10  }
0x126: {  	p1 =	sgt.u32 s7, $0x1E84  }
.Ltmp14:
0x127: {  	_ = 	snop;
	(pc) =	sbr.rel @p1 .LBB2_11-.Ltmp14, $1  }
0x128: {  	_ =	sdelay $0x3  }
.LBB2_14:
0x129: {  	_ =	swait.ge [sflag:s23], $0x2000  }
0x12a: {  	p1 =	seq.s32 s8, $0x0;
	[sflag:s23] =	ssyncset.done $0x0  }
0x12b: {  	s0 =	simm.s32 @!p1 $0x4;
	[sflag:s23] =	ssyncadd.s32 $0xFFFFE000  }
0x12c: {  	_ =	swait.ge @!p1 [sflag:s0], $0x2000  }
0x12d: {  	[sflag:s0] =	ssyncset.done @!p1 $0x0  }
0x12e: {  	s31 =	simm.s32 $0x2200;
	s29 =	simm.s32 $0x7;
	[sflag:s0] =	ssyncadd.s32 @!p1 $0xFFFFE000  }
0x12f: {  	s11 =	simm.s32 $0x1;
	v9 =	vor.u32 s29, v0;
	v8 =	vld [tilespmem:s31+$0x180]  }
0x130: {  	s26 =	simm.s32 $0x2;
	v11 =	vor.u32 s11, v0;
	v10 =	vld [tilespmem:s31+$0xFFFFFE80]  }
0x131: {  	s2 =	simm.s32 $0x3;
	v13 =	vor.u32 s26, v0;
	v12 =	vld [tilespmem:s31+$0xFFFFFF00]  }
0x132: {  	s4 =	simm.s32 $0x4;
	v15 =	vor.u32 s2, v0;
	v14 =	vld [tilespmem:s31+$0xFFFFFF80]  }
0x133: {  	s12 =	simm.s32 $0x5;
	v17 =	vor.u32 s4, v0;
	v16 =	vld [tilespmem:s31+$0x0]  }
0x134: {  	s28 =	simm.s32 $0x6;
	v19 =	vor.u32 s12, v0;
	v18 =	vld [tilespmem:s31+$0x80];
	[tilespmem:v9+s24+$0x0] =	vst.idx.msk $0xffff, v8  }
0x135: {  	s25 =	simm.s32 $0x0;
	[tilespmem:v11+s24+$0x0] =	vst.idx.msk $0xffff, v10;
	v10 =	vld [tilespmem:s31+$0x100];
	v11 =	vor.u32 s28, v0  }
0x136: {  	[tilespmem:v13+s24+$0x0] =	vst.idx.msk $0xffff, v12;
	v12 =	vld [tilespmem:s31+$0xFFFFFE00];
	v13 =	vor.u32 s25, v0  }
0x137: {  	v9 =	vor.u32 s29, v1;
	[tilespmem:v15+s24+$0x0] =	vst.idx.msk $0xffff, v14;
	v8 =	vld [tilespmem:s31+$0x190]  }
0x138: {  	v15 =	vor.u32 s11, v1;
	[tilespmem:v17+s24+$0x0] =	vst.idx.msk $0xffff, v16;
	v14 =	vld [tilespmem:s31+$0xFFFFFE90]  }
0x139: {  	v17 =	vor.u32 s26, v1;
	[tilespmem:v19+s24+$0x0] =	vst.idx.msk $0xffff, v18;
	v16 =	vld [tilespmem:s31+$0xFFFFFF10]  }
0x13a: {  	v19 =	vor.u32 s2, v1;
	v18 =	vld [tilespmem:s31+$0xFFFFFF90];
	[tilespmem:v11+s24+$0x0] =	vst.idx.msk $0xffff, v10  }
0x13b: {  	[tilespmem:v13+s24+$0x0] =	vst.idx.msk $0xffff, v12;
	v10 =	vld [tilespmem:s31+$0x10];
	v11 =	vor.u32 s4, v1  }
0x13c: {  	v12 =	vld [tilespmem:s31+$0x90];
	v13 =	vor.u32 s12, v1;
	[tilespmem:v9+s24+$0x0] =	vst.idx.msk $0xffff, v8  }
0x13d: {  	[tilespmem:v15+s24+$0x0] =	vst.idx.msk $0xffff, v14;
	v14 =	vld [tilespmem:s31+$0x110];
	v15 =	vor.u32 s28, v1  }
0x13e: {  	v9 =	vor.u32 s29, v2;
	[tilespmem:v17+s24+$0x0] =	vst.idx.msk $0xffff, v16;
	v8 =	vld [tilespmem:s31+$0x1A0]  }
0x13f: {  	v16 =	vld [tilespmem:s31+$0xFFFFFE10];
	v17 =	vor.u32 s25, v1;
	[tilespmem:v19+s24+$0x0] =	vst.idx.msk $0xffff, v18  }
0x140: {  	v19 =	vor.u32 s11, v2;
	v18 =	vld [tilespmem:s31+$0xFFFFFEA0];
	[tilespmem:v11+s24+$0x0] =	vst.idx.msk $0xffff, v10  }
0x141: {  	v10 =	vld [tilespmem:s31+$0xFFFFFF20];
	v11 =	vor.u32 s26, v2;
	[tilespmem:v13+s24+$0x0] =	vst.idx.msk $0xffff, v12  }
0x142: {  	v12 =	vld [tilespmem:s31+$0xFFFFFFA0];
	v13 =	vor.u32 s2, v2;
	[tilespmem:v15+s24+$0x0] =	vst.idx.msk $0xffff, v14  }
0x143: {  	v14 =	vld [tilespmem:s31+$0x20];
	v15 =	vor.u32 s4, v2;
	[tilespmem:v9+s24+$0x0] =	vst.idx.msk $0xffff, v8  }
0x144: {  	[tilespmem:v17+s24+$0x0] =	vst.idx.msk $0xffff, v16;
	v9 =	vor.u32 s29, v3;
	v8 =	vld [tilespmem:s31+$0x1B0]  }
0x145: {  	v16 =	vld [tilespmem:s31+$0xA0];
	v17 =	vor.u32 s12, v2;
	[tilespmem:v19+s24+$0x0] =	vst.idx.msk $0xffff, v18  }
0x146: {  	v18 =	vld [tilespmem:s31+$0x120];
	v19 =	vor.u32 s28, v2;
	[tilespmem:v11+s24+$0x0] =	vst.idx.msk $0xffff, v10  }
0x147: {  	v10 =	vld [tilespmem:s31+$0xFFFFFE20];
	v11 =	vor.u32 s25, v2;
	[tilespmem:v13+s24+$0x0] =	vst.idx.msk $0xffff, v12  }
0x148: {  	v12 =	vld [tilespmem:s31+$0xFFFFFEB0];
	v13 =	vor.u32 s11, v3;
	[tilespmem:v15+s24+$0x0] =	vst.idx.msk $0xffff, v14  }
0x149: {  	v14 =	vld [tilespmem:s31+$0xFFFFFF30];
	v15 =	vor.u32 s26, v3;
	[tilespmem:v9+s24+$0x0] =	vst.idx.msk $0xffff, v8  }
0x14a: {  	[tilespmem:v17+s24+$0x0] =	vst.idx.msk $0xffff, v16;
	v9 =	vor.u32 s29, v4;
	v8 =	vld [tilespmem:s31+$0x1C0]  }
0x14b: {  	v16 =	vld [tilespmem:s31+$0xFFFFFFB0];
	v17 =	vor.u32 s2, v3;
	[tilespmem:v19+s24+$0x0] =	vst.idx.msk $0xffff, v18  }
0x14c: {  	v18 =	vld [tilespmem:s31+$0x30];
	v19 =	vor.u32 s4, v3;
	[tilespmem:v11+s24+$0x0] =	vst.idx.msk $0xffff, v10  }
0x14d: {  	[tilespmem:v13+s24+$0x0] =	vst.idx.msk $0xffff, v12;
	v10 =	vld [tilespmem:s31+$0xB0];
	v11 =	vor.u32 s12, v3  }
0x14e: {  	v12 =	vld [tilespmem:s31+$0x130];
	v13 =	vor.u32 s28, v3;
	[tilespmem:v15+s24+$0x0] =	vst.idx.msk $0xffff, v14  }
0x14f: {  	v14 =	vld [tilespmem:s31+$0xFFFFFE30];
	v15 =	vor.u32 s25, v3;
	[tilespmem:v9+s24+$0x0] =	vst.idx.msk $0xffff, v8  }
0x150: {  	[tilespmem:v17+s24+$0x0] =	vst.idx.msk $0xffff, v16;
	v9 =	vor.u32 s29, v5;
	v8 =	vld [tilespmem:s31+$0x1D0]  }
0x151: {  	v16 =	vld [tilespmem:s31+$0xFFFFFEC0];
	v17 =	vor.u32 s11, v4;
	[tilespmem:v19+s24+$0x0] =	vst.idx.msk $0xffff, v18  }
0x152: {  	v18 =	vld [tilespmem:s31+$0xFFFFFF40];
	v19 =	vor.u32 s26, v4;
	[tilespmem:v11+s24+$0x0] =	vst.idx.msk $0xffff, v10  }
0x153: {  	v10 =	vld [tilespmem:s31+$0xFFFFFFC0];
	v11 =	vor.u32 s2, v4;
	[tilespmem:v13+s24+$0x0] =	vst.idx.msk $0xffff, v12  }
0x154: {  	v12 =	vld [tilespmem:s31+$0x40];
	v13 =	vor.u32 s4, v4;
	[tilespmem:v15+s24+$0x0] =	vst.idx.msk $0xffff, v14  }
0x155: {  	v14 =	vld [tilespmem:s31+$0xC0];
	v15 =	vor.u32 s12, v4;
	[tilespmem:v9+s24+$0x0] =	vst.idx.msk $0xffff, v8  }
0x156: {  	[tilespmem:v17+s24+$0x0] =	vst.idx.msk $0xffff, v16;
	v9 =	vor.u32 s29, v6;
	v8 =	vld [tilespmem:s31+$0x1E0]  }
0x157: {  	v16 =	vld [tilespmem:s31+$0x140];
	v17 =	vor.u32 s28, v4;
	[tilespmem:v19+s24+$0x0] =	vst.idx.msk $0xffff, v18  }
0x158: {  	v18 =	vld [tilespmem:s31+$0xFFFFFE40];
	v19 =	vor.u32 s25, v4;
	[tilespmem:v11+s24+$0x0] =	vst.idx.msk $0xffff, v10  }
0x159: {  	v10 =	vld [tilespmem:s31+$0xFFFFFED0];
	v11 =	vor.u32 s11, v5;
	[tilespmem:v13+s24+$0x0] =	vst.idx.msk $0xffff, v12  }
0x15a: {  	v12 =	vld [tilespmem:s31+$0xFFFFFF50];
	v13 =	vor.u32 s26, v5;
	[tilespmem:v15+s24+$0x0] =	vst.idx.msk $0xffff, v14  }
0x15b: {  	v14 =	vld [tilespmem:s31+$0xFFFFFFD0];
	v15 =	vor.u32 s2, v5;
	[tilespmem:v9+s24+$0x0] =	vst.idx.msk $0xffff, v8  }
0x15c: {  	[tilespmem:v17+s24+$0x0] =	vst.idx.msk $0xffff, v16;
	v9 =	vor.u32 s29, v7;
	v8 =	vld [tilespmem:s31+$0x1F0]  }
0x15d: {  	v16 =	vld [tilespmem:s31+$0x50];
	v17 =	vor.u32 s4, v5;
	[tilespmem:v19+s24+$0x0] =	vst.idx.msk $0xffff, v18  }
0x15e: {  	v18 =	vld [tilespmem:s31+$0xD0];
	v19 =	vor.u32 s12, v5;
	[tilespmem:v11+s24+$0x0] =	vst.idx.msk $0xffff, v10  }
0x15f: {  	v10 =	vld [tilespmem:s31+$0xFFFFFE50];
	v11 =	vor.u32 s25, v5;
	[tilespmem:v13+s24+$0x0] =	vst.idx.msk $0xffff, v12  }
0x160: {  	v13 =	vor.u32 s11, v6;
	v12 =	vld [tilespmem:s31+$0xFFFFFEE0];
	[tilespmem:v15+s24+$0x0] =	vst.idx.msk $0xffff, v14  }
0x161: {  	[tilespmem:v9+s24+$0x0] =	vst.idx.msk $0xffff, v8;
	v8 =	vld [tilespmem:s31+$0x150];
	v9 =	vor.u32 s28, v5  }
0x162: {  	v14 =	vld [tilespmem:s31+$0xFFFFFF60];
	v15 =	vor.u32 s26, v6;
	[tilespmem:v17+s24+$0x0] =	vst.idx.msk $0xffff, v16  }
0x163: {  	v17 =	vor.u32 s2, v6;
	v16 =	vld [tilespmem:s31+$0xFFFFFFE0];
	[tilespmem:v19+s24+$0x0] =	vst.idx.msk $0xffff, v18  }
0x164: {  	v18 =	vld [tilespmem:s31+$0x60];
	v19 =	vor.u32 s4, v6;
	[tilespmem:v11+s24+$0x0] =	vst.idx.msk $0xffff, v10  }
0x165: {  	v20 =	vor.u32 s25, v6;
	[tilespmem:v13+s24+$0x0] =	vst.idx.msk $0xffff, v12;
	v13 =	vld [tilespmem:s31+$0xFFFFFE60]  }
0x166: {  	[tilespmem:v9+s24+$0x0] =	vst.idx.msk $0xffff, v8;
	v8 =	vld [tilespmem:s31+$0xE0];
	v9 =	vor.u32 s12, v6  }
0x167: {  	v12 =	vor.u32 s28, v6;
	[tilespmem:v15+s24+$0x0] =	vst.idx.msk $0xffff, v14;
	v10 =	vld [tilespmem:s31+$0x160]  }
0x168: {  	v22 =	vor.u32 s11, v7;
	v21 =	vld [tilespmem:s31+$0xFFFFFEF0];
	[tilespmem:v17+s24+$0x0] =	vst.idx.msk $0xffff, v16  }
0x169: {  	v24 =	vor.u32 s26, v7;
	v23 =	vld [tilespmem:s31+$0xFFFFFF70];
	[tilespmem:v19+s24+$0x0] =	vst.idx.msk $0xffff, v18  }
0x16a: {  	v17 =	vor.u32 s2, v7;
	v15 =	vld [tilespmem:s31+$0xFFFFFFF0];
	[tilespmem:v20+s24+$0x0] =	vst.idx.msk $0xffff, v13  }
0x16b: {  	v16 =	vor.u32 s4, v7;
	v11 =	vld [tilespmem:s31+$0x70];
	[tilespmem:v9+s24+$0x0] =	vst.idx.msk $0xffff, v8  }
0x16c: {  	v14 =	vor.u32 s12, v7;
	[tilespmem:v12+s24+$0x0] =	vst.idx.msk $0xffff, v10;
	v8 =	vld [tilespmem:s31+$0xF0]  }
0x16d: {  	s11 =	simm.s32 $0xF;
	[tilespmem:v22+s24+$0x0] =	vst.idx.msk $0xffff, v21;
	v12 =	vor.u32 s28, v7;
	v9 =	vld [tilespmem:s31+$0x170]  }
0x16e: {  	s2 =	simm.s32 $0x8;
	s4 =	simm.s32 $0x2600;
	v13 =	vor.u32 s25, v7;
	s12 =	simm.s32 $0x10;
	[tilespmem:v24+s24+$0x0] =	vst.idx.msk $0xffff, v23;
	v10 =	vld [tilespmem:s31+$0xFFFFFE70]  }
.LBB2_15:
0x16f: {  	p1 =	slt.u32 s12, $0x38;
	s26 =	sadd.s32 $0x1, s2;
	v18 =	vld [tilespmem:s4+$0x180];
	v19 =	vor.u32 s11, v0;
	[tilespmem:v17+s24+$0x0] =	vst.idx.msk $0xffff, v15;
	s25 =	smov.u32 s2  }
0x170: {  	s2 =	smov.u32 s12;
	v15 =	vld [tilespmem:s4+$0xFFFFFE80];
	v17 =	vor.u32 s26, v0;
	s28 =	sadd.s32 $0x2, s25;
	[tilespmem:v16+s24+$0x0] =	vst.idx.msk $0xffff, v11  }
0x171: {  	s29 =	sadd.s32 $0x3, s25;
	v11 =	vld [tilespmem:s4+$0xFFFFFF00];
	v16 =	vor.u32 s28, v0;
	[tilespmem:v14+s24+$0x0] =	vst.idx.msk $0xffff, v8  }
0x172: {  	s30 =	sadd.s32 $0x4, s25;
	v14 =	vor.u32 s29, v0;
	v8 =	vld [tilespmem:s4+$0xFFFFFF80];
	[tilespmem:v12+s24+$0x0] =	vst.idx.msk $0xffff, v9  }
0x173: {  	s31 =	sadd.s32 $0x5, s25;
	v12 =	vor.u32 s30, v0;
	v9 =	vld [tilespmem:s4+$0x0];
	[tilespmem:v13+s24+$0x0] =	vst.idx.msk $0xffff, v10  }
0x174: {  	v13 =	vor.u32 s31, v0;
	v10 =	vld [tilespmem:s4+$0x80];
	[tilespmem:v19+s24+$0x0] =	vst.idx.msk $0xffff, v18  }
0x175: {  	s0 =	sadd.s32 $0x6, s25;
	[tilespmem:v17+s24+$0x0] =	vst.idx.msk $0xffff, v15;
	v15 =	vld [tilespmem:s4+$0x190];
	v17 =	vor.u32 s11, v1  }
0x176: {  	[tilespmem:v16+s24+$0x0] =	vst.idx.msk $0xffff, v11;
	v11 =	vld [tilespmem:s4+$0x100];
	v16 =	vor.u32 s0, v0  }
0x177: {  	v19 =	vor.u32 s25, v0;
	v18 =	vld [tilespmem:s4+$0xFFFFFE00];
	[tilespmem:v14+s24+$0x0] =	vst.idx.msk $0xffff, v8  }
0x178: {  	v14 =	vor.u32 s26, v1;
	v8 =	vld [tilespmem:s4+$0xFFFFFE90];
	[tilespmem:v12+s24+$0x0] =	vst.idx.msk $0xffff, v9  }
0x179: {  	v12 =	vor.u32 s28, v1;
	v9 =	vld [tilespmem:s4+$0xFFFFFF10];
	[tilespmem:v13+s24+$0x0] =	vst.idx.msk $0xffff, v10  }
0x17a: {  	v13 =	vor.u32 s29, v1;
	v10 =	vld [tilespmem:s4+$0xFFFFFF90];
	[tilespmem:v17+s24+$0x0] =	vst.idx.msk $0xffff, v15  }
0x17b: {  	v15 =	vor.u32 s11, v2;
	[tilespmem:v16+s24+$0x0] =	vst.idx.msk $0xffff, v11;
	v11 =	vld [tilespmem:s4+$0x1A0]  }
0x17c: {  	v17 =	vor.u32 s30, v1;
	[tilespmem:v19+s24+$0x0] =	vst.idx.msk $0xffff, v18;
	v16 =	vld [tilespmem:s4+$0x10]  }
0x17d: {  	[tilespmem:v14+s24+$0x0] =	vst.idx.msk $0xffff, v8;
	v8 =	vld [tilespmem:s4+$0x90];
	v14 =	vor.u32 s31, v1  }
0x17e: {  	[tilespmem:v12+s24+$0x0] =	vst.idx.msk $0xffff, v9;
	v9 =	vld [tilespmem:s4+$0x110];
	v12 =	vor.u32 s0, v1  }
0x17f: {  	v19 =	vor.u32 s25, v1;
	v18 =	vld [tilespmem:s4+$0xFFFFFE10];
	[tilespmem:v13+s24+$0x0] =	vst.idx.msk $0xffff, v10  }
0x180: {  	v13 =	vor.u32 s26, v2;
	v10 =	vld [tilespmem:s4+$0xFFFFFEA0];
	[tilespmem:v15+s24+$0x0] =	vst.idx.msk $0xffff, v11  }
0x181: {  	v15 =	vor.u32 s11, v3;
	[tilespmem:v17+s24+$0x0] =	vst.idx.msk $0xffff, v16;
	v11 =	vld [tilespmem:s4+$0x1B0]  }
0x182: {  	v17 =	vor.u32 s28, v2;
	v16 =	vld [tilespmem:s4+$0xFFFFFF20];
	[tilespmem:v14+s24+$0x0] =	vst.idx.msk $0xffff, v8  }
0x183: {  	v14 =	vor.u32 s29, v2;
	v8 =	vld [tilespmem:s4+$0xFFFFFFA0];
	[tilespmem:v12+s24+$0x0] =	vst.idx.msk $0xffff, v9  }
0x184: {  	v12 =	vor.u32 s30, v2;
	[tilespmem:v19+s24+$0x0] =	vst.idx.msk $0xffff, v18;
	v9 =	vld [tilespmem:s4+$0x20]  }
0x185: {  	[tilespmem:v13+s24+$0x0] =	vst.idx.msk $0xffff, v10;
	v10 =	vld [tilespmem:s4+$0xA0];
	v13 =	vor.u32 s31, v2  }
0x186: {  	v19 =	vor.u32 s0, v2;
	v18 =	vld [tilespmem:s4+$0x120];
	[tilespmem:v15+s24+$0x0] =	vst.idx.msk $0xffff, v11  }
0x187: {  	v15 =	vor.u32 s11, v4;
	[tilespmem:v17+s24+$0x0] =	vst.idx.msk $0xffff, v16;
	v11 =	vld [tilespmem:s4+$0x1C0]  }
0x188: {  	v17 =	vor.u32 s25, v2;
	v16 =	vld [tilespmem:s4+$0xFFFFFE20];
	[tilespmem:v14+s24+$0x0] =	vst.idx.msk $0xffff, v8  }
0x189: {  	v14 =	vor.u32 s26, v3;
	v8 =	vld [tilespmem:s4+$0xFFFFFEB0];
	[tilespmem:v12+s24+$0x0] =	vst.idx.msk $0xffff, v9  }
0x18a: {  	v12 =	vor.u32 s28, v3;
	v9 =	vld [tilespmem:s4+$0xFFFFFF30];
	[tilespmem:v13+s24+$0x0] =	vst.idx.msk $0xffff, v10  }
0x18b: {  	v13 =	vor.u32 s29, v3;
	v10 =	vld [tilespmem:s4+$0xFFFFFFB0];
	[tilespmem:v19+s24+$0x0] =	vst.idx.msk $0xffff, v18  }
0x18c: {  	v19 =	vor.u32 s30, v3;
	v18 =	vld [tilespmem:s4+$0x30];
	[tilespmem:v15+s24+$0x0] =	vst.idx.msk $0xffff, v11  }
0x18d: {  	v15 =	vor.u32 s11, v5;
	[tilespmem:v17+s24+$0x0] =	vst.idx.msk $0xffff, v16;
	v11 =	vld [tilespmem:s4+$0x1D0]  }
0x18e: {  	[tilespmem:v14+s24+$0x0] =	vst.idx.msk $0xffff, v8;
	v8 =	vld [tilespmem:s4+$0xB0];
	v14 =	vor.u32 s31, v3  }
0x18f: {  	[tilespmem:v12+s24+$0x0] =	vst.idx.msk $0xffff, v9;
	v9 =	vld [tilespmem:s4+$0x130];
	v12 =	vor.u32 s0, v3  }
0x190: {  	v17 =	vor.u32 s25, v3;
	v16 =	vld [tilespmem:s4+$0xFFFFFE30];
	[tilespmem:v13+s24+$0x0] =	vst.idx.msk $0xffff, v10  }
0x191: {  	v13 =	vor.u32 s26, v4;
	v10 =	vld [tilespmem:s4+$0xFFFFFEC0];
	[tilespmem:v19+s24+$0x0] =	vst.idx.msk $0xffff, v18  }
0x192: {  	v19 =	vor.u32 s28, v4;
	v18 =	vld [tilespmem:s4+$0xFFFFFF40];
	[tilespmem:v15+s24+$0x0] =	vst.idx.msk $0xffff, v11  }
0x193: {  	v11 =	vor.u32 s11, v6;
	[tilespmem:v14+s24+$0x0] =	vst.idx.msk $0xffff, v8;
	v8 =	vld [tilespmem:s4+$0x1E0]  }
0x194: {  	v15 =	vor.u32 s29, v4;
	v14 =	vld [tilespmem:s4+$0xFFFFFFC0];
	[tilespmem:v12+s24+$0x0] =	vst.idx.msk $0xffff, v9  }
0x195: {  	v12 =	vor.u32 s30, v4;
	[tilespmem:v17+s24+$0x0] =	vst.idx.msk $0xffff, v16;
	v9 =	vld [tilespmem:s4+$0x40]  }
0x196: {  	[tilespmem:v13+s24+$0x0] =	vst.idx.msk $0xffff, v10;
	v10 =	vld [tilespmem:s4+$0xC0];
	v13 =	vor.u32 s31, v4  }
0x197: {  	v17 =	vor.u32 s0, v4;
	[tilespmem:v19+s24+$0x0] =	vst.idx.msk $0xffff, v18;
	v16 =	vld [tilespmem:s4+$0x140]  }
0x198: {  	v19 =	vor.u32 s25, v4;
	v18 =	vld [tilespmem:s4+$0xFFFFFE40];
	[tilespmem:v11+s24+$0x0] =	vst.idx.msk $0xffff, v8  }
0x199: {  	v11 =	vor.u32 s11, v7;
	[tilespmem:v15+s24+$0x0] =	vst.idx.msk $0xffff, v14;
	v8 =	vld [tilespmem:s4+$0x1F0]  }
0x19a: {  	v15 =	vor.u32 s26, v5;
	v14 =	vld [tilespmem:s4+$0xFFFFFED0];
	[tilespmem:v12+s24+$0x0] =	vst.idx.msk $0xffff, v9  }
0x19b: {  	v12 =	vor.u32 s28, v5;
	v9 =	vld [tilespmem:s4+$0xFFFFFF50];
	[tilespmem:v13+s24+$0x0] =	vst.idx.msk $0xffff, v10  }
0x19c: {  	v13 =	vor.u32 s29, v5;
	v10 =	vld [tilespmem:s4+$0xFFFFFFD0];
	[tilespmem:v17+s24+$0x0] =	vst.idx.msk $0xffff, v16  }
0x19d: {  	v17 =	vor.u32 s30, v5;
	[tilespmem:v19+s24+$0x0] =	vst.idx.msk $0xffff, v18;
	v16 =	vld [tilespmem:s4+$0x50]  }
0x19e: {  	v19 =	vor.u32 s31, v5;
	v18 =	vld [tilespmem:s4+$0xD0];
	[tilespmem:v11+s24+$0x0] =	vst.idx.msk $0xffff, v8  }
0x19f: {  	v11 =	vor.u32 s0, v5;
	[tilespmem:v15+s24+$0x0] =	vst.idx.msk $0xffff, v14;
	v8 =	vld [tilespmem:s4+$0x150]  }
0x1a0: {  	v15 =	vor.u32 s25, v5;
	v14 =	vld [tilespmem:s4+$0xFFFFFE50];
	[tilespmem:v12+s24+$0x0] =	vst.idx.msk $0xffff, v9  }
0x1a1: {  	v12 =	vor.u32 s26, v6;
	v9 =	vld [tilespmem:s4+$0xFFFFFEE0];
	[tilespmem:v13+s24+$0x0] =	vst.idx.msk $0xffff, v10  }
0x1a2: {  	v13 =	vor.u32 s28, v6;
	v10 =	vld [tilespmem:s4+$0xFFFFFF60];
	[tilespmem:v17+s24+$0x0] =	vst.idx.msk $0xffff, v16  }
0x1a3: {  	v17 =	vor.u32 s29, v6;
	v16 =	vld [tilespmem:s4+$0xFFFFFFE0];
	[tilespmem:v19+s24+$0x0] =	vst.idx.msk $0xffff, v18  }
0x1a4: {  	v19 =	vor.u32 s30, v6;
	v18 =	vld [tilespmem:s4+$0x60];
	[tilespmem:v11+s24+$0x0] =	vst.idx.msk $0xffff, v8  }
0x1a5: {  	v11 =	vor.u32 s31, v6;
	[tilespmem:v15+s24+$0x0] =	vst.idx.msk $0xffff, v14;
	v8 =	vld [tilespmem:s4+$0xE0]  }
0x1a6: {  	[tilespmem:v12+s24+$0x0] =	vst.idx.msk $0xffff, v9;
	v9 =	vld [tilespmem:s4+$0x160];
	v12 =	vor.u32 s0, v6  }
0x1a7: {  	v20 =	vor.u32 s25, v6;
	v14 =	vld [tilespmem:s4+$0xFFFFFE60];
	[tilespmem:v13+s24+$0x0] =	vst.idx.msk $0xffff, v10  }
0x1a8: {  	v13 =	vor.u32 s26, v7;
	v10 =	vld [tilespmem:s4+$0xFFFFFEF0];
	[tilespmem:v17+s24+$0x0] =	vst.idx.msk $0xffff, v16  }
0x1a9: {  	v22 =	vor.u32 s28, v7;
	v21 =	vld [tilespmem:s4+$0xFFFFFF70];
	[tilespmem:v19+s24+$0x0] =	vst.idx.msk $0xffff, v18  }
.Ltmp15:
0x1aa: {  	v17 =	vor.u32 s29, v7;
	v15 =	vld [tilespmem:s4+$0xFFFFFFF0];
	[tilespmem:v11+s24+$0x0] =	vst.idx.msk $0xffff, v8;
	(pc) =	sbr.rel @p1 .LBB2_15-.Ltmp15, $4  }
0x1ab: {  	v16 =	vor.u32 s30, v7;
	v11 =	vld [tilespmem:s4+$0x70];
	[tilespmem:v12+s24+$0x0] =	vst.idx.msk $0xffff, v9  }
0x1ac: {  	[tilespmem:v20+s24+$0x0] =	vst.idx.msk $0xffff, v14;
	v8 =	vld [tilespmem:s4+$0xF0];
	v14 =	vor.u32 s31, v7  }
0x1ad: {  	v12 =	vor.u32 s0, v7;
	[tilespmem:v13+s24+$0x0] =	vst.idx.msk $0xffff, v10;
	v9 =	vld [tilespmem:s4+$0x170]  }
0x1ae: {  	s12 =	sadd.s32 $0x8, s12;
	s11 =	sadd.s32 $0x7, s2;
	v13 =	vor.u32 s25, v7;
	v10 =	vld [tilespmem:s4+$0xFFFFFE70];
	[tilespmem:v22+s24+$0x0] =	vst.idx.msk $0xffff, v21;
	s4 =	sadd.s32 $0x400, s4  }
0x1af: {  	_ =	sdelay $0x3  }
0x1b0: {  	v18 =	vld [tilespmem:s4+$0x180];
	v19 =	vor.u32 s11, v0;
	[tilespmem:v17+s24+$0x0] =	vst.idx.msk $0xffff, v15  }
0x1b1: {  	s0 =	sadd.s32 $0x1, s2;
	v55 =	vld [tilespmem:s4+$0xFFFFFE00];
	v56 =	vor.u32 s2, v0;
	[tilespmem:v16+s24+$0x0] =	vst.idx.msk $0xffff, v11  }
0x1b2: {  	v42 =	vld [tilespmem:s4+$0xFFFFFE80];
	s12 =	sadd.s32 $0x2, s2;
	v43 =	vor.u32 s0, v0;
	[tilespmem:v14+s24+$0x0] =	vst.idx.msk $0xffff, v8  }
0x1b3: {  	v44 =	vld [tilespmem:s4+$0xFFFFFF00];
	s26 =	sadd.s32 $0x4, s2;
	v45 =	vor.u32 s12, v0;
	[tilespmem:v12+s24+$0x0] =	vst.idx.msk $0xffff, v9  }
0x1b4: {  	s25 =	sadd.s32 $0x3, s2;
	v47 =	vld [tilespmem:s4+$0x0];
	v48 =	vor.u32 s26, v0;
	[tilespmem:v13+s24+$0x0] =	vst.idx.msk $0xffff, v10  }
0x1b5: {  	s28 =	sadd.s32 $0x5, s2;
	v46 =	vor.u32 s25, v0;
	v8 =	vld [tilespmem:s4+$0xFFFFFF80];
	[tilespmem:v19+s24+$0x0] =	vst.idx.msk $0xffff, v18  }
0x1b6: {  	v49 =	vld [tilespmem:s4+$0x80];
	s29 =	sadd.s32 $0x6, s2;
	v50 =	vor.u32 s28, v0;
	[tilespmem:v56+s24+$0x0] =	vst.idx.msk $0xffff, v55  }
0x1b7: {  	v53 =	vld [tilespmem:s4+$0x100];
	v54 =	vor.u32 s29, v0;
	[tilespmem:v43+s24+$0x0] =	vst.idx.msk $0xffff, v42  }
0x1b8: {  	v52 =	vor.u32 s11, v1;
	v51 =	vld [tilespmem:s4+$0x190];
	[tilespmem:v45+s24+$0x0] =	vst.idx.msk $0xffff, v44  }
0x1b9: {  	v26 =	vor.u32 s2, v1;
	[tilespmem:v48+s24+$0x0] =	vst.idx.msk $0xffff, v47;
	v18 =	vld [tilespmem:s4+$0xFFFFFE10]  }
0x1ba: {  	v57 =	vor.u32 s0, v1;
	[tilespmem:v46+s24+$0x0] =	vst.idx.msk $0xffff, v8;
	v8 =	vld [tilespmem:s4+$0xFFFFFE90]  }
0x1bb: {  	v59 =	vor.u32 s12, v1;
	[tilespmem:v50+s24+$0x0] =	vst.idx.msk $0xffff, v49;
	v58 =	vld [tilespmem:s4+$0xFFFFFF10]  }
0x1bc: {  	v22 =	vor.u32 s26, v1;
	[tilespmem:v54+s24+$0x0] =	vst.idx.msk $0xffff, v53;
	v21 =	vld [tilespmem:s4+$0x10]  }
0x1bd: {  	v25 =	vor.u32 s29, v1;
	v24 =	vld [tilespmem:s4+$0x110];
	[tilespmem:v52+s24+$0x0] =	vst.idx.msk $0xffff, v51  }
0x1be: {  	v61 =	vor.u32 s25, v1;
	v60 =	vld [tilespmem:s4+$0xFFFFFF90];
	[tilespmem:v26+s24+$0x0] =	vst.idx.msk $0xffff, v18  }
0x1bf: {  	v63 =	vor.u32 s11, v2;
	v62 =	vld [tilespmem:s4+$0x1A0];
	[tilespmem:v57+s24+$0x0] =	vst.idx.msk $0xffff, v8  }
0x1c0: {  	v23 =	vor.u32 s28, v1;
	v8 =	vld [tilespmem:s4+$0x90];
	[tilespmem:v59+s24+$0x0] =	vst.idx.msk $0xffff, v58  }
0x1c1: {  	v41 =	vor.u32 s2, v2;
	[tilespmem:v22+s24+$0x0] =	vst.idx.msk $0xffff, v21;
	v40 =	vld [tilespmem:s4+$0xFFFFFE20]  }
0x1c2: {  	v28 =	vor.u32 s0, v2;
	[tilespmem:v25+s24+$0x0] =	vst.idx.msk $0xffff, v24;
	v27 =	vld [tilespmem:s4+$0xFFFFFEA0]  }
0x1c3: {  	v31 =	vor.u32 s12, v2;
	[tilespmem:v61+s24+$0x0] =	vst.idx.msk $0xffff, v60;
	v30 =	vld [tilespmem:s4+$0xFFFFFF20]  }
0x1c4: {  	v34 =	vor.u32 s26, v2;
	v33 =	vld [tilespmem:s4+$0x20];
	[tilespmem:v63+s24+$0x0] =	vst.idx.msk $0xffff, v62  }
0x1c5: {  	v38 =	vor.u32 s29, v2;
	v37 =	vld [tilespmem:s4+$0x120];
	[tilespmem:v23+s24+$0x0] =	vst.idx.msk $0xffff, v8  }
0x1c6: {  	v29 =	vor.u32 s11, v3;
	[tilespmem:v41+s24+$0x0] =	vst.idx.msk $0xffff, v40;
	v11 =	vld [tilespmem:s4+$0x1B0]  }
0x1c7: {  	v32 =	vor.u32 s25, v2;
	v8 =	vld [tilespmem:s4+$0xFFFFFFA0];
	[tilespmem:v28+s24+$0x0] =	vst.idx.msk $0xffff, v27  }
0x1c8: {  	v36 =	vor.u32 s28, v2;
	v35 =	vld [tilespmem:s4+$0xA0];
	[tilespmem:v31+s24+$0x0] =	vst.idx.msk $0xffff, v30  }
0x1c9: {  	v53 =	vor.u32 s2, v3;
	[tilespmem:v34+s24+$0x0] =	vst.idx.msk $0xffff, v33;
	v16 =	vld [tilespmem:s4+$0xFFFFFE30]  }
0x1ca: {  	v44 =	vor.u32 s12, v3;
	[tilespmem:v38+s24+$0x0] =	vst.idx.msk $0xffff, v37;
	v43 =	vld [tilespmem:s4+$0xFFFFFF30]  }
0x1cb: {  	v48 =	vor.u32 s26, v3;
	v47 =	vld [tilespmem:s4+$0x30];
	[tilespmem:v29+s24+$0x0] =	vst.idx.msk $0xffff, v11  }
0x1cc: {  	v39 =	vor.u32 s11, v4;
	[tilespmem:v32+s24+$0x0] =	vst.idx.msk $0xffff, v8;
	v11 =	vld [tilespmem:s4+$0x1C0]  }
0x1cd: {  	v52 =	vor.u32 s29, v3;
	v51 =	vld [tilespmem:s4+$0x130];
	[tilespmem:v36+s24+$0x0] =	vst.idx.msk $0xffff, v35  }
0x1ce: {  	v42 =	vor.u32 s0, v3;
	v8 =	vld [tilespmem:s4+$0xFFFFFEB0];
	[tilespmem:v53+s24+$0x0] =	vst.idx.msk $0xffff, v16  }
0x1cf: {  	v46 =	vor.u32 s25, v3;
	v45 =	vld [tilespmem:s4+$0xFFFFFFB0];
	[tilespmem:v44+s24+$0x0] =	vst.idx.msk $0xffff, v43  }
0x1d0: {  	v25 =	vor.u32 s2, v4;
	[tilespmem:v48+s24+$0x0] =	vst.idx.msk $0xffff, v47;
	v24 =	vld [tilespmem:s4+$0xFFFFFE40]  }
0x1d1: {  	v57 =	vor.u32 s12, v4;
	v56 =	vld [tilespmem:s4+$0xFFFFFF40];
	[tilespmem:v39+s24+$0x0] =	vst.idx.msk $0xffff, v11  }
0x1d2: {  	v49 =	vor.u32 s11, v5;
	[tilespmem:v52+s24+$0x0] =	vst.idx.msk $0xffff, v51;
	v11 =	vld [tilespmem:s4+$0x1D0]  }
0x1d3: {  	v50 =	vor.u32 s28, v3;
	[tilespmem:v42+s24+$0x0] =	vst.idx.msk $0xffff, v8;
	v8 =	vld [tilespmem:s4+$0xB0]  }
0x1d4: {  	v62 =	vor.u32 s26, v4;
	v61 =	vld [tilespmem:s4+$0x40];
	[tilespmem:v46+s24+$0x0] =	vst.idx.msk $0xffff, v45  }
0x1d5: {  	v23 =	vor.u32 s29, v4;
	v22 =	vld [tilespmem:s4+$0x140];
	[tilespmem:v25+s24+$0x0] =	vst.idx.msk $0xffff, v24  }
0x1d6: {  	v55 =	vor.u32 s0, v4;
	v54 =	vld [tilespmem:s4+$0xFFFFFEC0];
	[tilespmem:v57+s24+$0x0] =	vst.idx.msk $0xffff, v56  }
0x1d7: {  	v60 =	vor.u32 s25, v4;
	v59 =	vld [tilespmem:s4+$0xFFFFFFC0];
	[tilespmem:v49+s24+$0x0] =	vst.idx.msk $0xffff, v11  }
0x1d8: {  	v58 =	vor.u32 s11, v6;
	[tilespmem:v50+s24+$0x0] =	vst.idx.msk $0xffff, v8;
	v8 =	vld [tilespmem:s4+$0x1E0]  }
0x1d9: {  	v39 =	vor.u32 s2, v5;
	[tilespmem:v62+s24+$0x0] =	vst.idx.msk $0xffff, v61;
	v38 =	vld [tilespmem:s4+$0xFFFFFE50]  }
0x1da: {  	v30 =	vor.u32 s12, v5;
	[tilespmem:v23+s24+$0x0] =	vst.idx.msk $0xffff, v22;
	v29 =	vld [tilespmem:s4+$0xFFFFFF50]  }
0x1db: {  	v34 =	vor.u32 s26, v5;
	v33 =	vld [tilespmem:s4+$0x50];
	[tilespmem:v55+s24+$0x0] =	vst.idx.msk $0xffff, v54  }
0x1dc: {  	v21 =	vor.u32 s28, v4;
	v63 =	vld [tilespmem:s4+$0xC0];
	[tilespmem:v60+s24+$0x0] =	vst.idx.msk $0xffff, v59  }
0x1dd: {  	v28 =	vor.u32 s0, v5;
	v27 =	vld [tilespmem:s4+$0xFFFFFED0];
	[tilespmem:v58+s24+$0x0] =	vst.idx.msk $0xffff, v8  }
0x1de: {  	v26 =	vor.u32 s11, v7;
	[tilespmem:v39+s24+$0x0] =	vst.idx.msk $0xffff, v38;
	v8 =	vld [tilespmem:s4+$0x1F0]  }
0x1df: {  	v32 =	vor.u32 s25, v5;
	v31 =	vld [tilespmem:s4+$0xFFFFFFD0];
	[tilespmem:v30+s24+$0x0] =	vst.idx.msk $0xffff, v29  }
0x1e0: {  	v51 =	vor.u32 s2, v6;
	[tilespmem:v34+s24+$0x0] =	vst.idx.msk $0xffff, v33;
	v14 =	vld [tilespmem:s4+$0xFFFFFE60]  }
0x1e1: {  	v43 =	vor.u32 s12, v6;
	v42 =	vld [tilespmem:s4+$0xFFFFFF60];
	[tilespmem:v21+s24+$0x0] =	vst.idx.msk $0xffff, v63  }
0x1e2: {  	v36 =	vor.u32 s28, v5;
	v35 =	vld [tilespmem:s4+$0xD0];
	[tilespmem:v28+s24+$0x0] =	vst.idx.msk $0xffff, v27  }
0x1e3: {  	v37 =	vor.u32 s29, v5;
	[tilespmem:v26+s24+$0x0] =	vst.idx.msk $0xffff, v8;
	v8 =	vld [tilespmem:s4+$0x150]  }
0x1e4: {  	v47 =	vor.u32 s26, v6;
	v46 =	vld [tilespmem:s4+$0x60];
	[tilespmem:v32+s24+$0x0] =	vst.idx.msk $0xffff, v31  }
0x1e5: {  	v41 =	vor.u32 s0, v6;
	v40 =	vld [tilespmem:s4+$0xFFFFFEE0];
	[tilespmem:v51+s24+$0x0] =	vst.idx.msk $0xffff, v14  }
0x1e6: {  	v45 =	vor.u32 s25, v6;
	v44 =	vld [tilespmem:s4+$0xFFFFFFE0];
	[tilespmem:v43+s24+$0x0] =	vst.idx.msk $0xffff, v42  }
0x1e7: {  	v63 =	vor.u32 s2, v7;
	v14 =	vld [tilespmem:s4+$0xFFFFFE70];
	[tilespmem:v36+s24+$0x0] =	vst.idx.msk $0xffff, v35  }
0x1e8: {  	v48 =	vor.u32 s28, v6;
	[tilespmem:v37+s24+$0x0] =	vst.idx.msk $0xffff, v8;
	v8 =	vld [tilespmem:s4+$0xE0]  }
0x1e9: {  	v50 =	vor.u32 s29, v6;
	[tilespmem:v47+s24+$0x0] =	vst.idx.msk $0xffff, v46;
	v49 =	vld [tilespmem:s4+$0x160]  }
0x1ea: {  	v55 =	vor.u32 s12, v7;
	v54 =	vld [tilespmem:s4+$0xFFFFFF70];
	[tilespmem:v41+s24+$0x0] =	vst.idx.msk $0xffff, v40  }
0x1eb: {  	v53 =	vor.u32 s0, v7;
	v52 =	vld [tilespmem:s4+$0xFFFFFEF0];
	[tilespmem:v45+s24+$0x0] =	vst.idx.msk $0xffff, v44  }
0x1ec: {  	v57 =	vor.u32 s25, v7;
	v56 =	vld [tilespmem:s4+$0xFFFFFFF0];
	[tilespmem:v63+s24+$0x0] =	vst.idx.msk $0xffff, v14  }
0x1ed: {  	v58 =	vor.u32 s26, v7;
	[tilespmem:v48+s24+$0x0] =	vst.idx.msk $0xffff, v8;
	v8 =	vld [tilespmem:s4+$0x70]  }
0x1ee: {  	v60 =	vor.u32 s28, v7;
	[tilespmem:v50+s24+$0x0] =	vst.idx.msk $0xffff, v49;
	v59 =	vld [tilespmem:s4+$0xF0]  }
0x1ef: {  	v62 =	vor.u32 s29, v7;
	[tilespmem:v55+s24+$0x0] =	vst.idx.msk $0xffff, v54;
	v61 =	vld [tilespmem:s4+$0x170]  }
0x1f0: {  	[tilespmem:v53+s24+$0x0] =	vst.idx.msk $0xffff, v52  }
0x1f1: {  	[tilespmem:v57+s24+$0x0] =	vst.idx.msk $0xffff, v56  }
0x1f2: {  	[tilespmem:v58+s24+$0x0] =	vst.idx.msk $0xffff, v8  }
0x1f3: {  	s26 =	sshll.u32 s7, $0xA;
	[tilespmem:v60+s24+$0x0] =	vst.idx.msk $0xffff, v59  }
0x1f4: {  	s0 =	sadd.s32 s5, s26;
	[tilespmem:v62+s24+$0x0] =	vst.idx.msk $0xffff, v61  }
0x1f5: {  	[hbm4b:s0+s3] =	stream.linear.scatter [tilespmem:s24], [sflag:$0x4], $0x400, $0x38;
	[tilespmem:$0xC000] =	vst v63  }
0x1f6: {  	s29 =	simm.s32 $0x8800;
	s28 =	sadd.s32 $0x80, s0  }
0x1f7: {  	[hbm4b:s28+s3] =	stream.linear.scatter [tilespmem:s29], [sflag:$0x4], $0x400, $0x38;
	[tilespmem:$0xC000] =	vst v63  }
0x1f8: {  	s31 =	simm.s32 $0x9000;
	s30 =	sadd.s32 $0x100, s0  }
0x1f9: {  	[hbm4b:s30+s3] =	stream.linear.scatter [tilespmem:s31], [sflag:$0x4], $0x400, $0x38;
	[tilespmem:$0xC000] =	vst v63  }
0x1fa: {  	s11 =	simm.s32 $0x9800;
	s7 =	sadd.s32 $0x180, s0  }
0x1fb: {  	[hbm4b:s7+s3] =	stream.linear.scatter [tilespmem:s11], [sflag:$0x4], $0x400, $0x38;
	[tilespmem:$0xC000] =	vst v63  }
0x1fc: {  	p1 =	seq.s32 s8, $0x7A;
	s25 =	simm.s32 $0xA000;
	s12 =	sadd.s32 $0x200, s0  }
0x1fd: {  	[hbm4b:s12+s3] =	stream.linear.scatter [tilespmem:s25], [sflag:$0x4], $0x400, $0x38;
	[tilespmem:$0xC000] =	vst v63  }
0x1fe: {  	p2 =	sgt.u32 @!p1 s10, $0x1E80;
	s26 =	sadd.s32 $0x280, s0;
	s28 =	simm.s32 $0xA800  }
0x1ff: {  	[hbm4b:s26+s3] =	stream.linear.scatter [tilespmem:s28], [sflag:$0x4], $0x400, $0x38;
	[tilespmem:$0xC000] =	vst v63  }
0x200: {  	p1 =	por p2, p1;
	s29 =	sadd.s32 $0x300, s0;
	s30 =	simm.s32 $0xB000  }
0x201: {  	[hbm4b:s29+s3] =	stream.linear.scatter [tilespmem:s30], [sflag:$0x4], $0x400, $0x38;
	[tilespmem:$0xC000] =	vst v63  }
.Ltmp16:
0x202: {  	s0 =	sadd.s32 $0x380, s0;
	s31 =	simm.s32 $0xB800;
	(pc) =	sbr.rel .LBB2_17-.Ltmp16, $4  }
0x203: {  	[hbm4b:s0+s3] =	stream.linear.scatter [tilespmem:s31], [sflag:$0x4], $0x400, $0x38;
	[tilespmem:$0xC000] =	vst v63  }
0x204: {  	s2 =	simm.s32 @!p1 $0x400;
	s0 =	sshll.u32 @!p1 s10, $0x7  }
0x205: {  	s4 =	simm.s32 @!p1 $0x7A1400;
	s7 =	simm.s32 @!p1 $0x2000;
	s0 =	sadd.s32 @!p1 s0, s9  }
0x206: {  	[tilespmem:s7], [sflag:$0x2] =	stream.strided.gather @!p1 [hbm4b:s0+s2], $0x2000, s4, s2, $0x38;
	[tilespmem:$0xC000] =	vst v63  }
.LBB2_19:
0x207: {  	_ =	sfence.sel $0x180000  }
0x208: {  	[bflag:$0x0] =	sbarrier.arrive $0xFFFF  }
0x209: {  	_ =	strace $0x90000047  }
0x20a: {  	s0 =	stileid.u32;
	[bflag:$0x2] =	sbarrier.arrive $0xFFFF  }
0x20b: {  	p0 =	sne.s32 s0, $0x0;
	s0 =	rddreg [dreg:$0x2]  }
0x20c: {  	s0 =	sadd.s32 @!p0 $0x100000, s0  }
0x20d: {  	[sflag:s0] =	ssyncadd.tile.s32 @!p0 $0x1;
	_ =	shalt  }
.Lfunc_end2:
_tile_overlayer_lowered:
.L_overlay_start_2:
0x20e: {  	(tag) =	ssettag $0x2  }
0x20f: {  	s0 =	rddreg [dreg:$0x0];
	s2 =	stileid.u32  }
0x210: {  	s1 =	rddreg [dreg:$0x1];
	p0 =	sne.s32 s2, $0x0  }
0x211: {  	s3 =	rddreg [dreg:$0x2];
	[bflag:$0x3] =	sbarrier.arrive $0xFFFF;
	s2 =	simm.s32 @!p0 $0x1C05  }
0x212: {  	[timem:s3], [sflag:s2] =	dma.local @!p0 [hbm:s0], s1  }
0x213: {  	s0 =	simm.s32 @!p0 $0x5  }
0x214: {  	_ =	swait.ge @!p0 [sflag:s0], s1  }
0x215: {  	s1 =	ssub.s32 @!p0 $0x0, s1;
	[sflag:s0] =	ssyncset.done @!p0 $0x0  }
0x216: {  	[sflag:s0] =	ssyncadd.s32 @!p0 s1  }
0x217: {  	[bflag:$0x3] =	sbarrier.arrive $0xFFFF  }
0x218: {  	_ =	shalt  }

// kernel: kernel.7.cloned.1.call-start
scs
__scs_entry_jumppad:
0x0: {  	(pc) =	sbr.rel $0x88, $3  }
0x1: {  	(tag) =	ssettag $0x0;
	lr =	simm.s32 $0x1  }
0x2: {  	[smem:$0x3F9F] =	sst lr;
	_ =	strace $0xD0000000  }
0x3: {  	_ = 	snop  }
0x4: {  	_ = 	snop  }
0x5: {  	_ = 	snop  }
0x6: {  	_ = 	snop  }
0x7: {  	_ = 	snop  }
__scs_overlays_trampoline_lowered:
0x8: {  	[smem:$0x3FAE] =	sst s0  }
0x9: {  	[smem:$0x3FAF] =	sst s1  }
0xa: {  	[smem:$0x3FB0] =	sst s2  }
0xb: {  	[smem:$0x3FB1] =	sst s3  }
0xc: {  	[smem:$0x3FB2] =	sst s4  }
0xd: {  	[smem:$0x3FB3] =	sst s5  }
0xe: {  	[smem:$0x3FB4] =	sst s6  }
0xf: {  	[smem:$0x3FB5] =	sst s7  }
0x10: {  	[smem:$0x3FB6] =	sst s8  }
0x11: {  	[smem:$0x3FB7] =	sst s9;
	s0 =	simm.s32 @!p0 $0x0  }
0x12: {  	s1 =	sld [smem:$0x3F9D];
	s0 =	simm.s32 @p0 $0x1  }
0x13: {  	[smem:$0x3FB8] =	sst s0;
	s0 =	simm.s32 @!p1 $0x0  }
0x14: {  	s2 =	sld [smem:$0x3F9C];
	s0 =	simm.s32 @p1 $0x1  }
0x15: {  	[smem:$0x3FB9] =	sst s0;
	s0 =	simm.s32 @!p2 $0x0  }
0x16: {  	s3 =	sld [smem:$0x3FDB];
	s0 =	simm.s32 @p2 $0x1  }
0x17: {  	s4 =	simm.s32 $0x1BF5;
	[smem:$0x3FBB] =	sst s0  }
0x18: {  	s0 =	sld [smem:$0x3F9E];
	_ =	swait.ge [sflag:s4], $0x0  }
0x19: {  	s7 =	sld [smem:$0x3F9F]  }
0x1a: {  	s8 =	sadd.s32 $0xFFFFE003, lr  }
0x1b: {  	s9 =	sadd.s32 $0xFFFFFEF7, lr;
	s5 =	simm.s32 $0xFFFFFFFF;
	p2 =	slt.u32 s8, $0xFFFFF086  }
0x1c: {  	p1 =	slt.u32 s9, $0xF7A;
	s5 =	simm.s32 @!p2 $0x0  }
0x1d: {  	s5 =	simm.s32 @p1 $0x1;
	p0 =	seq.s32 s7, s2  }
0x1e: {  	s7 =	smul.u32 @!p0 $0xF7A, s2;
	p2 =	seq.s32 @!p0 s5, $0x0  }
0x1f: {  	s9 =	smul.u32 $0xF7A, s1;
	s8 =	simm.s32 @!p0 $0x1BF5;
	p2 =	por !p2, p0  }
0x20: {  	[sflag:s8] =	ssyncset.s32 @!p0 $0xFFFFF086;
	s6 =	sadd.s32 @!p0 s3, s7;
	s7 =	simm.s32 @!p0 $0x108  }
0x21: {  	s3 =	sadd.s32 s3, s9;
	s6 =	sadd.s32 @!p0 $0x88, s6;
	s7 =	simm.s32 @p2 $0x1082  }
0x22: {  	[simem:s7], [sflag:s8] =	dma.local @!p0 [hbm:s6], $0xF7A  }
0x23: {  	s9 =	sor.u32 $0xD0000000, s2;
	s6 =	simm.s32 $0x108;
	_ =	swait.ge @!p0 [sflag:s8], $0x0  }
0x24: {  	s3 =	sadd.s32 $0x88, s3;
	s6 =	simm.s32 @!p1 $0x1082;
	[sflag:s4] =	ssyncset.s32 $0xFFFFF086  }
0x25: {  	[simem:s6], [sflag:s4] =	dma.local [hbm:s3], $0xF7A  }
0x26: {  	[smem:$0x3F9F] =	sst s1;
	(tag) =	ssettag s2;
	_ =	strace s9  }
0x27: {  	s1 =	sld [smem:$0x3FAF]  }
0x28: {  	s2 =	sld [smem:$0x3FB0]  }
0x29: {  	s4 =	sld [smem:$0x3FB2]  }
0x2a: {  	p0 =	seq.s32 s5, $0x0;
	s5 =	sld [smem:$0x3FB3]  }
0x2b: {  	s6 =	sld [smem:$0x3FB4]  }
0x2c: {  	s7 =	sld [smem:$0x3FB5]  }
0x2d: {  	s3 =	simm.s32 $0x108;
	s8 =	sld [smem:$0x3FB6]  }
0x2e: {  	s3 =	simm.s32 @!p0 $0x1082;
	s9 =	sld [smem:$0x3FB7]  }
0x2f: {  	lr =	sadd.s32 s0, s3;
	s0 =	sld [smem:$0x3FAE]  }
0x30: {  	s3 =	sld [smem:$0x3FB1]  }
0x31: {  	[smem:$0x3FBA] =	sst s10  }
0x32: {  	s10 =	sld [smem:$0x3FB8];
	_ =	sdelay $0x3  }
0x33: {  	p0 =	seq.s32 s10, $0x1;
	s10 =	sld [smem:$0x3FBA];
	_ =	sdelay $0x3  }
0x34: {  	[smem:$0x3FBA] =	sst s10  }
0x35: {  	s10 =	sld [smem:$0x3FB9];
	_ =	sdelay $0x3  }
0x36: {  	p1 =	seq.s32 s10, $0x1;
	s10 =	sld [smem:$0x3FBA];
	_ =	sdelay $0x3  }
0x37: {  	[smem:$0x3FBA] =	sst s10  }
0x38: {  	s10 =	sld [smem:$0x3FBB]  }
0x39: {  	_ = 	snop;
	(pc) =	sbr.ind lr, $3  }
0x3a: {  	_ = 	snop  }
0x3b: {  	_ = 	snop  }
0x3c: {  	p2 =	seq.s32 s10, $0x1;
	s10 =	sld [smem:$0x3FBA]  }
0x3d: {  	_ =	shalt  }
0x3e: {  	_ =	shalt  }
0x3f: {  	_ =	shalt  }
0x40: {  	_ =	shalt  }
0x41: {  	_ =	shalt  }
0x42: {  	_ =	shalt  }
0x43: {  	_ =	shalt  }
0x44: {  	_ =	shalt  }
0x45: {  	_ =	shalt  }
0x46: {  	_ =	shalt  }
0x47: {  	_ =	shalt  }
0x48: {  	_ =	shalt  }
0x49: {  	_ =	shalt  }
0x4a: {  	_ =	shalt  }
0x4b: {  	_ =	shalt  }
0x4c: {  	_ =	shalt  }
0x4d: {  	_ =	shalt  }
0x4e: {  	_ =	shalt  }
0x4f: {  	_ =	shalt  }
0x50: {  	_ =	shalt  }
0x51: {  	_ =	shalt  }
0x52: {  	_ =	shalt  }
0x53: {  	_ =	shalt  }
0x54: {  	_ =	shalt  }
0x55: {  	_ =	shalt  }
0x56: {  	_ =	shalt  }
0x57: {  	_ =	shalt  }
0x58: {  	_ =	shalt  }
0x59: {  	_ =	shalt  }
0x5a: {  	_ =	shalt  }
0x5b: {  	_ =	shalt  }
0x5c: {  	_ =	shalt  }
0x5d: {  	_ =	shalt  }
0x5e: {  	_ =	shalt  }
0x5f: {  	_ =	shalt  }
0x60: {  	_ =	shalt  }
0x61: {  	_ =	shalt  }
0x62: {  	_ =	shalt  }
0x63: {  	_ =	shalt  }
0x64: {  	_ =	shalt  }
0x65: {  	_ =	shalt  }
0x66: {  	_ =	shalt  }
0x67: {  	_ =	shalt  }
0x68: {  	_ =	shalt  }
0x69: {  	_ =	shalt  }
0x6a: {  	_ =	shalt  }
0x6b: {  	_ =	shalt  }
0x6c: {  	_ =	shalt  }
0x6d: {  	_ =	shalt  }
0x6e: {  	_ =	shalt  }
0x6f: {  	_ =	shalt  }
0x70: {  	_ =	shalt  }
0x71: {  	_ =	shalt  }
0x72: {  	_ =	shalt  }
0x73: {  	_ =	shalt  }
0x74: {  	_ =	shalt  }
0x75: {  	_ =	shalt  }
0x76: {  	_ =	shalt  }
0x77: {  	_ =	shalt  }
0x78: {  	_ =	shalt  }
0x79: {  	_ =	shalt  }
0x7a: {  	_ =	shalt  }
0x7b: {  	_ =	shalt  }
0x7c: {  	_ =	shalt  }
0x7d: {  	_ =	shalt  }
0x7e: {  	_ =	shalt  }
0x7f: {  	_ =	shalt  }
0x80: {  	_ =	shalt  }
0x81: {  	_ =	shalt  }
0x82: {  	_ =	shalt  }
0x83: {  	_ =	shalt  }
0x84: {  	_ =	shalt  }
0x85: {  	_ =	shalt  }
0x86: {  	_ =	shalt  }
0x87: {  	_ =	shalt  }
.Lfunc_end0:
.L_simem_size_0:
called_computation.1_lowered:
.L_overlay_start_0:
0x88: {  	s2 =	sld [smem:$0x3FD9]  }
0x89: {  	s3 =	sld [smem:$0x3FFE];
	_ =	sdelay $0x1  }
0x8a: {  	s1 =	srdreg.scid  }
0x8b: {  	s0 =	sand.u32 $0x1, s1  }
0x8c: {  	s17 =	sshll.u32 s0, $0xA;
	s2 =	sadd.s32 s3, s2  }
0x8d: {  	s2 =	sadd.s32 s2, s17  }
0x8e: {  	[smem:$0x3FC6] =	sst s2  }
0x8f: {  	_ = 	snop  }
0x90: {  	s2 =	sld [smem:$0x3FD0];
	(tm) =	ssettm $0x1  }
0x91: {  	s18 =	sld [smem:$0x3FFB];
	_ =	sdelay $0x3  }
0x92: {  	_ =	strace s18  }
0x93: {  	s3 =	sld [smem:$0x3FFC];
	_ =	sdelay $0x3  }
0x94: {  	_ =	strace s3  }
0x95: {  	s3 =	sld [smem:$0x3FFD];
	_ =	sdelay $0x3  }
0x96: {  	_ =	strace s3  }
0x97: {  	_ =	strace $0x8FFFFFFF  }
0x98: {  	s19 =	sld [smem:$0x3FDB];
	_ =	sdelay $0x1  }
0x99: {  	s4 =	simm.s32 $_scs_section_size  }
0x9a: {  	s5 =	simm.s32 $_size__tile_overlayer_lowered;
	s6 =	simm.s32 $_tile_overlayer_lowered  }
0x9b: {  	s22 =	simm.s32 $0x1BFF;
	s21 =	sshll.u32 s6, $0x1;
	s3 =	sadd.s32 s4, s19  }
0x9c: {  	s7 =	simm.s32 $0x0;
	s20 =	sshll.u32 s5, $0x1;
	s5 =	sadd.s32 s21, s3  }
0x9d: {  	[timem:s7], [sflag:s22] =	dma.local [hbm:s5], s20  }
0x9e: {  	_ =	swait.ge [sflag:s22], s20  }
0x9f: {  	s4 =	ssub.s32 $0x0, s20;
	[sflag:s22] =	ssyncset.done $0x0  }
0xa0: {  	[sflag:s22] =	ssyncadd.s32 s4;
	_ =	sdelay $0x1  }
0xa1: {  	s23 =	simm.s32 $0x1B8B  }
0xa2: {  	_ =	swait.ge [sflag:s23], $0x1  }
0xa3: {  	[sflag:s23] =	ssyncset.done $0x0  }
0xa4: {  	s25 =	simm.s32 $0x1B8E;
	s24 =	sld [smem:$0x3FFE];
	[sflag:s23] =	ssyncadd.s32 $0xFFFFFFFF  }
0xa5: {  	s26 =	simm.s32 $execute0_lowered;
	[smem:$0x3FD2] =	sst s25  }
0xa6: {  	s5 =	sshll.u32 s26, $0x1;
	_ =	strace $0x80000049;
	[dreg:$0x1] =	wrdreg $0xFFFFFFFF  }
0xa7: {  	s28 =	simm.s32 $_size_execute0_lowered;
	s3 =	sadd.s32 s3, s5;
	[dreg:$0x0] =	wrdreg $0x0  }
0xa8: {  	s5 =	sshll.u32 s28, $0x1;
	[dreg:$0x2] =	wrdreg s3  }
0xa9: {  	[dreg:$0x3] =	wrdreg s5  }
0xaa: {  	[dreg:$0x4] =	wrdreg $0xC0  }
0xab: {  	_ =	task [dreg:s7], $0x5FFFF  }
0xac: {  	[dreg:$0x1] =	wrdreg $0xFFFFFFFF  }
0xad: {  	[dreg:$0x0] =	wrdreg $0x60  }
0xae: {  	[dreg:$0x2] =	wrdreg s24  }
0xaf: {  	[dreg:$0x3] =	wrdreg s2  }
0xb0: {  	[dreg:$0x4] =	wrdreg $0x9  }
0xb1: {  	_ =	task.clear_ibuf [dreg:s7], $0x5FFFF;
	_ =	strace $0x90000049  }
0xb2: {  	s29 =	simm.s32 $0x9;
	_ =	strace $0x8000004B  }
0xb3: {  	_ =	swait.ge [sflag:s29], $0x1  }
0xb4: {  	[sflag:s29] =	ssyncadd.s32 $0xFFFFFFFF  }
0xb5: {  	_ =	strace $0x9000004B  }
0xb6: {  	_ =	sfence  }
0xb7: {  	s30 =	sld [smem:$0x0];
	_ =	sdelay $0x2  }
0xb8: {  	s31 =	sshll.u32 s1, $0xD;
	s1 =	sshrl.u32 s1, $0x2  }
0xb9: {  	s3 =	sand.u32 $0x4000, s31;
	s1 =	sadd.s32 s1, s30  }
0xba: {  	s0 =	sor.u32 s3, s0;
	s1 =	sshll.u32 s1, $0x11  }
0xbb: {  	s0 =	sor.u32 s1, s0  }
0xbc: {  	s0 =	sadd.s32 $0x8F2B, s0  }
0xbd: {  	[sflag:s0] =	ssyncadd.remote.s32 $0x1  }
0xbe: {  	_ =	sfence.sel $0xFFFF  }
0xbf: {  	[dreg:$0x0] =	wrdreg $0xFFFFFFFF;
	(pc) =	sbr.abs _section_cstart, $3  }
0xc0: {  	[dreg:$0x1] =	wrdreg $0xFFFFFFFF  }
0xc1: {  	_ =	task.clear_ibuf [dreg:s7], $0x2FFFF;
	_ =	strace $0x9FFFFFFF  }
0xc2: {  	(tm) =	ssettm $0x7FFFFFFF  }
0xc3: {  	_ =	shalt  }
tec
execute0_lowered:
.L_overlay_start_1:
0x0: {  	(tag) =	ssettag $0x1  }
0x1: {  	v0 =	vlaneseq.u32;
	s4 =	rddreg [dreg:$0x0]  }
0x2: {  	s6 =	rddreg [dreg:$0x1];
	s2 =	simm.s32 $0x0;
	v5 =	vmul.u32 $0x88, v0  }
0x3: {  	[smem:$0x7FF] =	sst s2  }
0x4: {  	s0 =	rddreg [dreg:$0x2];
	_ =	strace $0x8000004A;
	v0 =	vadd.s32 $0x1987, v5;
	[tilespmem:$0x1FF00] =	vst v5  }
0x5: {  	v2 =	vadd.s32 $0x1982, v5;
	[tilespmem:$0x1FEA0] =	vst v0  }
0x6: {  	v58 =	vadd.s32 $0x1983, v5;
	[tilespmem:$0x1FEB0] =	vst v2  }
0x7: {  	v20 =	vadd.s32 $0x1984, v5;
	[tilespmem:$0x1FEC0] =	vst v58  }
0x8: {  	v14 =	vadd.s32 $0x1985, v5;
	[tilespmem:$0x1FED0] =	vst v20  }
0x9: {  	v31 =	vadd.s32 $0x1986, v5;
	[tilespmem:$0x1FEE0] =	vst v14  }
0xa: {  	v7 =	vor.u32 $0x1, v5;
	[tilespmem:$0x1FEF0] =	vst v31  }
0xb: {  	v11 =	vor.u32 $0x2, v5;
	[tilespmem:$0x1FF10] =	vst v7  }
0xc: {  	v16 =	vor.u32 $0x3, v5;
	[tilespmem:$0x1FF20] =	vst v11  }
0xd: {  	v21 =	vor.u32 $0x4, v5;
	[tilespmem:$0x1FF30] =	vst v16  }
0xe: {  	v23 =	vor.u32 $0x5, v5;
	[tilespmem:$0x1FF40] =	vst v21  }
0xf: {  	v27 =	vor.u32 $0x6, v5;
	[tilespmem:$0x1FF50] =	vst v23  }
0x10: {  	v32 =	vor.u32 $0x7, v5;
	[tilespmem:$0x1FF60] =	vst v27  }
0x11: {  	s3 =	srdreg.scid;
	s1 =	stileid.u32;
	v19 =	vadd.s32 $0x884, v5;
	[tilespmem:$0x1FF70] =	vst v32  }
0x12: {  	s10 =	simm.s32 $0x6400;
	s11 =	simm.s32 $0x8400;
	s12 =	simm.s32 $0x1;
	v15 =	vadd.s32 $0x883, v5;
	[tilespmem:$0x1FF80] =	vst v19  }
0x13: {  	s13 =	simm.s32 $0xA400;
	s14 =	simm.s32 $0x2;
	s15 =	simm.s32 $0x4;
	v24 =	vadd.s32 $0x885, v5;
	[tilespmem:$0x1FF90] =	vst v15  }
0x14: {  	v1 =	vimm.s32 $0x0;
	vm0 =	vcmask $0x300;
	s16 =	simm.s32 $0xC600;
	s17 =	simm.s32 $0x3;
	s18 =	simm.s32 $0x0;
	v28 =	vadd.s32 $0x886, v5;
	[tilespmem:$0x1FFA0] =	vst v24  }
.Ltmp0:
0x15: {  	v1 =	vsel vm0, $0x3, v1;
	s3 =	sand.u32 $0x1, s3;
	s5 =	sshll.u32 s1, $0x1;
	v18 =	vadd.s32 $0x880, v5;
	v3 =	vadd.s32 $0x1100, v5;
	[tilespmem:$0x1FFB0] =	vst v28;
	(pc) =	sbr.rel .LBB2_1-.Ltmp0, $4  }
0x16: {  	s5 =	sor.u32 s3, s5;
	s7 =	ssub.s32 $0x2, s3;
	s3 =	sadd.s32 $0xE00, s4;
	v6 =	vadd.s32 $0x1980, v5;
	v8 =	vadd.s32 $0x881, v5;
	v30 =	vadd.s32 $0x1107, v5;
	[tilespmem:$0x1FFC0] =	vst v18  }
0x17: {  	s4 =	sadd.s32 $0x7A2000, s4;
	v9 =	vadd.s32 $0x1101, v5;
	v10 =	vadd.s32 $0x1981, v5;
	s8 =	smul.u32 $0xC80, s5;
	s9 =	sshrl.u32 s7, $0x1;
	v4 =	vadd.s32 $0x887, v5;
	[tilespmem:$0x1FFD0] =	vst v30  }
0x18: {  	v12 =	vadd.s32 $0x882, v5;
	v13 =	vadd.s32 $0x1102, v5;
	v17 =	vadd.s32 $0x1103, v5;
	s5 =	smul.u32 $0xC8, s5;
	s7 =	ssub.s32 s7, s9;
	s9 =	simm.s32 $0x80;
	[tilespmem:$0x1FFE0] =	vst v4  }
0x19: {  	v22 =	vadd.s32 $0x1104, v5;
	v25 =	vadd.s32 $0x1105, v5;
	v29 =	vadd.s32 $0x1106, v5;
	[tilespmem:$0x1FFF0] =	vst v10;
	s6 =	sadd.s32 s6, s8;
	s7 =	smax.u32 s7, $0x1;
	s8 =	simm.s32 $0x5  }
.LBB2_16:
0x1a: {  	_ =	swait.ge [sflag:s17], $0x2000  }
0x1b: {  	[sflag:s17] =	ssyncset.done $0x0  }
0x1c: {  	[sflag:s17] =	ssyncadd.s32 $0xFFFFE000  }
0x1d: {  	_ =	swait.ge [sflag:s15], $0x2000  }
0x1e: {  	v5 =	vld [tilespmem:$0x1FF00]  }
0x1f: {  	s18 =	sadd.s32 $0x1, s18;
	v7 =	vld [tilespmem:$0x1FF10]  }
0x20: {  	v8 =	vmov v11;
	p0 =	sne.s32 s18, s7;
	v11 =	vld [tilespmem:$0x1FF20]  }
.Ltmp1:
0x21: {  	v16 =	vld [tilespmem:$0x1FF30];
	(pc) =	sbr.rel @!p0 .LBB2_17-.Ltmp1, $4  }
0x22: {  	v21 =	vld [tilespmem:$0x1FF40]  }
0x23: {  	v3 =	vmov v53;
	v23 =	vld [tilespmem:$0x1FF50]  }
0x24: {  	v6 =	vmovc v49;
	v9 =	vmovc v56;
	v10 =	vmov v50;
	v12 =	vmov v15;
	v13 =	vmov v59;
	[sflag:s15] =	ssyncset.done $0x0;
	v27 =	vld [tilespmem:$0x1FF60]  }
0x25: {  	v15 =	vmovc v61;
	v17 =	vmovc v62;
	v22 =	vmov v54;
	v25 =	vmov v51;
	v29 =	vmov v60;
	v32 =	vld [tilespmem:$0x1FF70];
	[sflag:s15] =	ssyncadd.s32 $0xFFFFE000  }
.LBB2_1:
0x26: {  	[tilespmem:s2], [sflag:$0x5] =	stream.linear.gather [hbm4b:s6+s2], $0x6400, $0x38;
	[tilespmem:$0xE800] =	vst v63  }
0x27: {  	_ =	swait.ge [sflag:s8], $0x6400  }
0x28: {  	[sflag:s8] =	ssyncset.done $0x0  }
0x29: {  	[sflag:s8] =	ssyncadd.s32 $0xFFFF9C00  }
0x2a: {  	[tilespmem:s10], [sflag:$0x1] =	stream.indirect.gather [hbm4b:s3+s9], $0x40, s2, s9, $0xb8;
	[tilespmem:$0xE800] =	vst v63  }
0x2b: {  	s19 =	simm.s32 $0x0  }
0x2c: {  	v26 =	vmov v58;
	[tilespmem:s11], [sflag:$0x2] =	stream.indirect.gather [hbm4b:s3+s9], $0x40, s9, s9, $0xb8;
	[tilespmem:$0xE800] =	vst v63  }
.LBB2_2:
0x2d: {  	_ =	swait.ge [sflag:s12], $0x2000  }
0x2e: {  	s20 =	simm.s32 $0x0;
	p0 =	seq.s32 s19, $0x0;
	s28 =	simm.s32 $0x1  }
0x2f: {  	s21 =	simm.s32 $0x2;
	s22 =	simm.s32 $0x3;
	s29 =	simm.s32 $0x4;
	v33 =	vmov s20;
	v34 =	vmov s28  }
0x30: {  	s30 =	simm.s32 $0x5;
	s31 =	simm.s32 $0x6;
	[sflag:s12] =	ssyncset.done $0x0;
	v35 =	vmov s21;
	v36 =	vmov s22;
	v37 =	vmov s29  }
0x31: {  	s23 =	simm.s32 @!p0 $0x3;
	v38 =	vmov s30;
	v39 =	vmov s31;
	s22 =	simm.s32 $0x7;
	v33 =	vshrl.u32 v33, $0x3;
	[sflag:s12] =	ssyncadd.s32 $0xFFFFE000  }
0x32: {  	v34 =	vshrl.u32 v34, $0x3;
	v40 =	vmov s22;
	v35 =	vshrl.u32 v35, $0x3;
	_ =	swait.ge @!p0 [sflag:s23], $0x2000  }
0x33: {  	v36 =	vshrl.u32 v36, $0x3;
	v37 =	vshrl.u32 v37, $0x3;
	v40 =	vshrl.u32 v40, $0x3;
	[sflag:s23] =	ssyncset.done @!p0 $0x0  }
0x34: {  	s21 =	simm.s32 $0x6500;
	v38 =	vshrl.u32 v38, $0x3;
	v42 =	vshrl.u32 v39, $0x3;
	v40 =	vshll.u32 v40, v1;
	[sflag:s23] =	ssyncadd.s32 @!p0 $0xFFFFE000  }
0x35: {  	v33 =	vshll.u32 v33, v1;
	v34 =	vshll.u32 v34, v1;
	v31 =	vbroadcast v40, $0x0;
	v61 =	vld [tilespmem:s21+$0xC0]  }
0x36: {  	v35 =	vshll.u32 v35, v1;
	v36 =	vshll.u32 v36, v1;
	v2 =	vbroadcast v33, $0x0;
	v43 =	vld [tilespmem:s21+$0xFFFFFF00]  }
0x37: {  	v44 =	vshll.u32 v37, v1;
	v20 =	vbroadcast v34, $0x0;
	v45 =	vld [tilespmem:s21+$0xFFFFFF40];
	v46 =	vadd.s32 v32, v31  }
0x38: {  	v62 =	vshll.u32 v38, v1;
	v37 =	vbroadcast v35, $0x0;
	v63 =	vadd.s32 v5, v2;
	v47 =	vld [tilespmem:s21+$0xFFFFFF80]  }
0x39: {  	v42 =	vshll.u32 v42, v1;
	v36 =	vbroadcast v36, $0x0;
	v48 =	vadd.s32 v7, v20;
	v49 =	vld [tilespmem:s21+$0xFFFFFFC0]  }
0x3a: {  	v35 =	vbroadcast v44, $0x0;
	v50 =	vadd.s32 v11, v37;
	v51 =	vld [tilespmem:s21+$0x0];
	v57 =	vmul.f32 $8.000000000e+00, v61  }
0x3b: {  	v33 =	vbroadcast v62, $0x0;
	v52 =	vadd.s32 v16, v36;
	v53 =	vld [tilespmem:s21+$0x40];
	v43 =	vmul.f32 $8.000000000e+00, v43  }
0x3c: {  	v34 =	vbroadcast v42, $0x0;
	v54 =	vadd.s32 v21, v35;
	v55 =	vld [tilespmem:s21+$0x80];
	v45 =	vmul.f32 $8.000000000e+00, v45;
	[tilespmem:v46+s13+$0x0] =	vst.idx.msk $0xffff, v57  }
0x3d: {  	v59 =	vmul.f32 $8.000000000e+00, v47;
	[tilespmem:v63+s13+$0x0] =	vst.idx.msk $0xffff, v43;
	v43 =	vadd.s32 v23, v33;
	v44 =	vld [tilespmem:s21+$0xD0]  }
0x3e: {  	v61 =	vmul.f32 $8.000000000e+00, v49;
	v47 =	vadd.s32 v27, v34;
	[tilespmem:v48+s13+$0x0] =	vst.idx.msk $0xffff, v45;
	v60 =	vld [tilespmem:s21+$0xFFFFFF10]  }
0x3f: {  	s24 =	simm.s32 $0x8;
	v62 =	vmul.f32 $8.000000000e+00, v51;
	[tilespmem:v50+s13+$0x0] =	vst.idx.msk $0xffff, v59;
	v50 =	vadd.s32 v4, v31;
	v49 =	vld [tilespmem:s21+$0xFFFFFF50]  }
0x40: {  	v58 =	vmov s24;
	v56 =	vadd.s32 v18, v2;
	[tilespmem:v52+s13+$0x0] =	vst.idx.msk $0xffff, v61;
	v63 =	vmul.f32 $8.000000000e+00, v53;
	v57 =	vld [tilespmem:s21+$0xFFFFFF90]  }
0x41: {  	v42 =	vshrl.u32 v58, $0x3;
	v38 =	vmul.f32 $8.000000000e+00, v55;
	v53 =	vadd.s32 v8, v20;
	[tilespmem:v54+s13+$0x0] =	vst.idx.msk $0xffff, v62;
	v58 =	vld [tilespmem:s21+$0xFFFFFFD0]  }
0x42: {  	v55 =	vadd.s32 v12, v37;
	v59 =	vld [tilespmem:s21+$0x10];
	[tilespmem:v43+s13+$0x0] =	vst.idx.msk $0xffff, v63;
	v43 =	vmul.f32 $8.000000000e+00, v44  }
0x43: {  	v46 =	vadd.s32 v15, v36;
	[tilespmem:v47+s13+$0x0] =	vst.idx.msk $0xffff, v38;
	v45 =	vmul.f32 $8.000000000e+00, v60;
	v60 =	vld [tilespmem:s21+$0x50]  }
0x44: {  	v61 =	vld [tilespmem:s21+$0x90];
	v39 =	vmul.f32 $8.000000000e+00, v49;
	v49 =	vadd.s32 v19, v35;
	[tilespmem:v50+s13+$0x0] =	vst.idx.msk $0xffff, v43  }
0x45: {  	v63 =	vmul.f32 $8.000000000e+00, v57;
	[tilespmem:v56+s13+$0x0] =	vst.idx.msk $0xffff, v45;
	v45 =	vadd.s32 v24, v33;
	v50 =	vld [tilespmem:s21+$0xE0]  }
0x46: {  	[tilespmem:v53+s13+$0x0] =	vst.idx.msk $0xffff, v39;
	v39 =	vmul.f32 $8.000000000e+00, v58;
	v53 =	vadd.s32 v28, v34;
	v56 =	vld [tilespmem:s21+$0xFFFFFF20]  }
0x47: {  	v43 =	vshll.u32 v42, v1;
	[tilespmem:v55+s13+$0x0] =	vst.idx.msk $0xffff, v63;
	v42 =	vmul.f32 $8.000000000e+00, v59;
	v55 =	vadd.s32 v30, v31;
	v57 =	vld [tilespmem:s21+$0xFFFFFF60]  }
0x48: {  	s30 =	simm.s32 $0xD;
	v58 =	vadd.s32 v3, v2;
	v59 =	vld [tilespmem:s21+$0xFFFFFFA0];
	[tilespmem:v46+s13+$0x0] =	vst.idx.msk $0xffff, v39;
	v46 =	vmul.f32 $8.000000000e+00, v60  }
0x49: {  	v62 =	vadd.s32 v9, v20;
	v44 =	vmov s30;
	v47 =	vmul.f32 $8.000000000e+00, v61;
	[tilespmem:v49+s13+$0x0] =	vst.idx.msk $0xffff, v42  }
0x4a: {  	s31 =	simm.s32 $0xE;
	v61 =	vshrl.u32 v44, $0x3;
	v63 =	vld [tilespmem:s21+$0xFFFFFFE0];
	v49 =	vadd.s32 v13, v37;
	[tilespmem:v45+s13+$0x0] =	vst.idx.msk $0xffff, v46;
	v44 =	vmul.f32 $8.000000000e+00, v50  }
0x4b: {  	v38 =	vmov s31;
	v39 =	vld [tilespmem:s21+$0x20];
	[tilespmem:v53+s13+$0x0] =	vst.idx.msk $0xffff, v47;
	v50 =	vmul.f32 $8.000000000e+00, v56  }
0x4c: {  	v42 =	vshrl.u32 v38, $0x3;
	v38 =	vbroadcast v43, $0x0;
	v40 =	vld [tilespmem:s21+$0x60];
	v43 =	vmul.f32 $8.000000000e+00, v57;
	[tilespmem:v55+s13+$0x0] =	vst.idx.msk $0xffff, v44  }
0x4d: {  	v56 =	vadd.s32 v17, v36;
	v60 =	vld [tilespmem:s21+$0xA0];
	v59 =	vmul.f32 $8.000000000e+00, v59;
	[tilespmem:v58+s13+$0x0] =	vst.idx.msk $0xffff, v50  }
0x4e: {  	s28 =	simm.s32 $0xB;
	v57 =	vadd.s32 v22, v35;
	[tilespmem:v62+s13+$0x0] =	vst.idx.msk $0xffff, v43;
	v55 =	vld [tilespmem:s21+$0xF0]  }
0x4f: {  	s26 =	simm.s32 $0xA;
	v52 =	vmov s28;
	[tilespmem:v49+s13+$0x0] =	vst.idx.msk $0xffff, v59;
	v50 =	vld [tilespmem:s21+$0xFFFFFF30]  }
0x50: {  	s25 =	simm.s32 $0x9;
	v51 =	vmov s26;
	v52 =	vshrl.u32 v52, $0x3;
	v62 =	vmul.f32 $8.000000000e+00, v63;
	v0 =	vld [tilespmem:$0x1FEA0]  }
0x51: {  	s29 =	simm.s32 $0xC;
	v48 =	vmov s25;
	v45 =	vshll.u32 v52, v1;
	v52 =	vld [tilespmem:s21+$0xFFFFFF70];
	v63 =	vmul.f32 $8.000000000e+00, v39  }
0x52: {  	v51 =	vshrl.u32 v51, $0x3;
	v54 =	vmov s29;
	v48 =	vshrl.u32 v48, $0x3;
	v49 =	vld [tilespmem:s21+$0xFFFFFFB0];
	[tilespmem:v56+s13+$0x0] =	vst.idx.msk $0xffff, v62  }
0x53: {  	v41 =	vshrl.u32 v54, $0x3;
	v54 =	vadd.s32 v25, v33;
	v47 =	vshll.u32 v48, v1;
	[tilespmem:v57+s13+$0x0] =	vst.idx.msk $0xffff, v63;
	v56 =	vld [tilespmem:s21+$0xFFFFFFF0]  }
0x54: {  	v46 =	vshll.u32 v41, v1;
	v48 =	vadd.s32 v6, v2;
	v41 =	vadd.s32 v10, v20;
	v20 =	vld [tilespmem:$0x1FEB0]  }
0x55: {  	v4 =	vmovc v10;
	v44 =	vshll.u32 v51, v1;
	v51 =	vadd.s32 v29, v34;
	v53 =	vadd.s32 v0, v31;
	v31 =	vld [tilespmem:$0x1FED0]  }
0x56: {  	s20 =	sshll.u32 s19, $0x1;
	s22 =	simm.s32 $0x10;
	s23 =	simm.s32 $0xF;
	v10 =	vmovc v3;
	v3 =	vmovc v18;
	v43 =	vshll.u32 v61, v1;
	v39 =	vmul.f32 $8.000000000e+00, v40;
	v40 =	vmul.f32 $8.000000000e+00, v60;
	v18 =	vld [tilespmem:$0x1FEF0]  }
.LBB2_3:
0x57: {  	_ = 	snop  }
0x58: {  	v57 =	vmov s23;
	v58 =	vld [tilespmem:s21+$0x30]  }
0x59: {  	v37 =	vadd.s32 v20, v37;
	v36 =	vadd.s32 v26, v36;
	v0 =	vld [tilespmem:$0x1FFE0];
	[tilespmem:v54+s13+$0x0] =	vst.idx.msk $0xffff, v39;
	v61 =	vmul.f32 $8.000000000e+00, v55  }
0x5a: {  	v35 =	vadd.s32 v31, v35;
	v62 =	vshrl.u32 v57, $0x3;
	[tilespmem:v51+s13+$0x0] =	vst.idx.msk $0xffff, v40;
	v50 =	vmul.f32 $8.000000000e+00, v50;
	v55 =	vld [tilespmem:s21+$0x70]  }
0x5b: {  	v39 =	vmov v38;
	v38 =	vshll.u32 v62, v1;
	v63 =	vmul.f32 $8.000000000e+00, v52;
	v52 =	vld [tilespmem:s21+$0xB0];
	s21 =	sadd.s32 $0x200, s21;
	[tilespmem:v53+s13+$0x0] =	vst.idx.msk $0xffff, v61  }
0x5c: {  	v33 =	vadd.s32 v14, v33;
	v40 =	vbroadcast v38, $0x0;
	v57 =	vmul.f32 $8.000000000e+00, v49;
	[tilespmem:v48+s13+$0x0] =	vst.idx.msk $0xffff, v50;
	v53 =	vld [tilespmem:s21+$0xC0]  }
0x5d: {  	v42 =	vshll.u32 v42, v1;
	v34 =	vadd.s32 v18, v34;
	v59 =	vmul.f32 $8.000000000e+00, v56;
	[tilespmem:v41+s13+$0x0] =	vst.idx.msk $0xffff, v63;
	v48 =	vld [tilespmem:s21+$0xFFFFFF00]  }
0x5e: {  	v41 =	vbroadcast v47, $0x0;
	v47 =	vadd.s32 v32, v40;
	[tilespmem:v37+s13+$0x0] =	vst.idx.msk $0xffff, v57;
	v61 =	vmul.f32 $8.000000000e+00, v58;
	v60 =	vld [tilespmem:s21+$0xFFFFFF40]  }
0x5f: {  	v51 =	vadd.s32 v5, v39;
	v37 =	vbroadcast v44, $0x0;
	[tilespmem:v36+s13+$0x0] =	vst.idx.msk $0xffff, v59;
	v62 =	vld [tilespmem:s21+$0xFFFFFF80];
	v63 =	vmul.f32 $8.000000000e+00, v55  }
0x60: {  	v36 =	vbroadcast v45, $0x0;
	v49 =	vadd.s32 v7, v41;
	[tilespmem:v35+s13+$0x0] =	vst.idx.msk $0xffff, v61;
	v55 =	vld [tilespmem:s21+$0xFFFFFFC0];
	v56 =	vmul.f32 $8.000000000e+00, v52  }
0x61: {  	v45 =	vadd.s32 v11, v37;
	v35 =	vbroadcast v46, $0x0;
	v57 =	vld [tilespmem:s21+$0x0];
	[tilespmem:v33+s13+$0x0] =	vst.idx.msk $0xffff, v63;
	v58 =	vmul.f32 $8.000000000e+00, v53  }
0x62: {  	v33 =	vbroadcast v43, $0x0;
	[tilespmem:v34+s13+$0x0] =	vst.idx.msk $0xffff, v56;
	v59 =	vmul.f32 $8.000000000e+00, v48;
	v48 =	vadd.s32 v16, v36;
	v53 =	vld [tilespmem:s21+$0x40]  }
0x63: {  	v43 =	vadd.s32 v21, v35;
	v34 =	vbroadcast v42, $0x0;
	v60 =	vmul.f32 $8.000000000e+00, v60;
	v50 =	vld [tilespmem:s21+$0x80];
	[tilespmem:v47+s13+$0x0] =	vst.idx.msk $0xffff, v58  }
0x64: {  	v62 =	vmul.f32 $8.000000000e+00, v62;
	v63 =	vadd.s32 v23, v33;
	[tilespmem:v51+s13+$0x0] =	vst.idx.msk $0xffff, v59;
	v47 =	vld [tilespmem:s21+$0xD0]  }
0x65: {  	v61 =	vmov s22;
	[tilespmem:v49+s13+$0x0] =	vst.idx.msk $0xffff, v60;
	v60 =	vmul.f32 $8.000000000e+00, v55;
	v49 =	vadd.s32 v27, v34;
	v51 =	vld [tilespmem:s21+$0xFFFFFF10]  }
0x66: {  	v42 =	vshrl.u32 v61, $0x3;
	[tilespmem:v45+s13+$0x0] =	vst.idx.msk $0xffff, v62;
	v61 =	vmul.f32 $8.000000000e+00, v57;
	v45 =	vadd.s32 v0, v40;
	v55 =	vld [tilespmem:s21+$0xFFFFFF50]  }
0x67: {  	v56 =	vadd.s32 v3, v39;
	v57 =	vld [tilespmem:s21+$0xFFFFFF90];
	[tilespmem:v48+s13+$0x0] =	vst.idx.msk $0xffff, v60;
	v62 =	vmul.f32 $8.000000000e+00, v53  }
0x68: {  	[tilespmem:v43+s13+$0x0] =	vst.idx.msk $0xffff, v61;
	v53 =	vadd.s32 v8, v41;
	v43 =	vmul.f32 $8.000000000e+00, v50;
	v58 =	vld [tilespmem:s21+$0xFFFFFFD0]  }
0x69: {  	v50 =	vadd.s32 v12, v37;
	[tilespmem:v63+s13+$0x0] =	vst.idx.msk $0xffff, v62;
	v38 =	vmul.f32 $8.000000000e+00, v47  }
0x6a: {  	s25 =	sadd.s32 $0x1, s22;
	v59 =	vld [tilespmem:s21+$0x10];
	[tilespmem:v49+s13+$0x0] =	vst.idx.msk $0xffff, v43;
	v47 =	vmul.f32 $8.000000000e+00, v51;
	v51 =	vadd.s32 v15, v36  }
0x6b: {  	v54 =	vmov s25;
	v60 =	vld [tilespmem:s21+$0x50];
	v49 =	vmul.f32 $8.000000000e+00, v55;
	[tilespmem:v45+s13+$0x0] =	vst.idx.msk $0xffff, v38  }
0x6c: {  	s29 =	sadd.s32 $0x4, s22;
	v54 =	vshrl.u32 v54, $0x3;
	v55 =	vadd.s32 v19, v35;
	v61 =	vld [tilespmem:s21+$0x90];
	v63 =	vmul.f32 $8.000000000e+00, v57;
	[tilespmem:v56+s13+$0x0] =	vst.idx.msk $0xffff, v47  }
0x6d: {  	s26 =	sadd.s32 $0x2, s22;
	s30 =	sadd.s32 $0x5, s22;
	v44 =	vmov s29;
	v45 =	vadd.s32 v24, v33;
	[tilespmem:v53+s13+$0x0] =	vst.idx.msk $0xffff, v49;
	v47 =	vld [tilespmem:s21+$0xE0];
	v62 =	vmul.f32 $8.000000000e+00, v58  }
0x6e: {  	v46 =	vmov s30;
	v52 =	vmov s26;
	v53 =	vadd.s32 v28, v34;
	[tilespmem:v50+s13+$0x0] =	vst.idx.msk $0xffff, v63;
	v56 =	vld [tilespmem:s21+$0xFFFFFF20]  }
0x6f: {  	v38 =	vshll.u32 v42, v1;
	v42 =	vmul.f32 $8.000000000e+00, v59;
	v50 =	vadd.s32 v30, v40;
	v57 =	vld [tilespmem:s21+$0xFFFFFF60];
	[tilespmem:v51+s13+$0x0] =	vst.idx.msk $0xffff, v62  }
0x70: {  	s31 =	sadd.s32 $0x6, s22;
	v52 =	vshrl.u32 v52, $0x3;
	v58 =	vadd.s32 v10, v39;
	v49 =	vmul.f32 $8.000000000e+00, v60;
	v62 =	vld [tilespmem:s21+$0xFFFFFFE0]  }
0x71: {  	v43 =	vmov s31;
	v59 =	vld [tilespmem:s21+$0xFFFFFFA0];
	v60 =	vshrl.u32 v44, $0x3;
	[tilespmem:v55+s13+$0x0] =	vst.idx.msk $0xffff, v42;
	v44 =	vmul.f32 $8.000000000e+00, v61  }
0x72: {  	v51 =	vadd.s32 v9, v41;
	v61 =	vshrl.u32 v46, $0x3;
	v63 =	vld [tilespmem:s21+$0x20];
	[tilespmem:v45+s13+$0x0] =	vst.idx.msk $0xffff, v49;
	v45 =	vmul.f32 $8.000000000e+00, v47  }
0x73: {  	s28 =	sadd.s32 $0x3, s22;
	v46 =	vadd.s32 v13, v37;
	v42 =	vshrl.u32 v43, $0x3;
	[tilespmem:v53+s13+$0x0] =	vst.idx.msk $0xffff, v44;
	v43 =	vmul.f32 $8.000000000e+00, v56;
	v0 =	vld [tilespmem:s21+$0x60]  }
0x74: {  	v48 =	vmov s28;
	v41 =	vadd.s32 v4, v41;
	v56 =	vadd.s32 v17, v36;
	v2 =	vld [tilespmem:s21+$0xA0];
	[tilespmem:v50+s13+$0x0] =	vst.idx.msk $0xffff, v45  }
0x75: {  	p1 =	slt.u32 s22, $0x78;
	v49 =	vmul.f32 $8.000000000e+00, v57;
	v57 =	vadd.s32 v22, v35;
	[tilespmem:v58+s13+$0x0] =	vst.idx.msk $0xffff, v43;
	v58 =	vmul.f32 $8.000000000e+00, v62;
	v62 =	vld [tilespmem:$0x1FEA0]  }
.Ltmp2:
0x76: {  	v44 =	vshll.u32 v52, v1;
	v47 =	vshll.u32 v54, v1;
	v43 =	vmul.f32 $8.000000000e+00, v59;
	v55 =	vld [tilespmem:s21+$0xF0];
	(pc) =	sbr.rel @p1 .LBB2_3-.Ltmp2, $4  }
0x77: {  	v48 =	vshrl.u32 v48, $0x3;
	v54 =	vadd.s32 v25, v33;
	[tilespmem:v51+s13+$0x0] =	vst.idx.msk $0xffff, v49;
	v51 =	vadd.s32 v29, v34;
	v50 =	vld [tilespmem:s21+$0xFFFFFF30]  }
0x78: {  	v45 =	vshll.u32 v48, v1;
	v48 =	vadd.s32 v6, v39;
	v52 =	vld [tilespmem:s21+$0xFFFFFF70];
	v63 =	vmul.f32 $8.000000000e+00, v63;
	[tilespmem:v46+s13+$0x0] =	vst.idx.msk $0xffff, v43  }
0x79: {  	v38 =	vbroadcast v38, $0x0;
	v46 =	vshll.u32 v60, v1;
	v43 =	vshll.u32 v61, v1;
	v49 =	vld [tilespmem:s21+$0xFFFFFFB0];
	[tilespmem:v56+s13+$0x0] =	vst.idx.msk $0xffff, v58  }
0x7a: {  	s23 =	sadd.s32 $0x7, s22;
	s22 =	sadd.s32 $0x8, s22;
	v39 =	vmul.f32 $8.000000000e+00, v0;
	[tilespmem:v57+s13+$0x0] =	vst.idx.msk $0xffff, v63;
	v56 =	vld [tilespmem:s21+$0xFFFFFFF0];
	v53 =	vadd.s32 v62, v40;
	v40 =	vmul.f32 $8.000000000e+00, v2  }
0x7b: {  	_ =	sdelay $0x3  }
0x7c: {  	v2 =	vadd.s32 v20, v37;
	v63 =	vld [tilespmem:s21+$0x30];
	v57 =	vmul.f32 $8.000000000e+00, v55;
	s29 =	sadd.s32 $0x200, s21;
	[tilespmem:v54+s13+$0x0] =	vst.idx.msk $0xffff, v39  }
0x7d: {  	v0 =	vmov s23;
	v36 =	vadd.s32 v26, v36;
	v50 =	vmul.f32 $8.000000000e+00, v50;
	[tilespmem:v51+s13+$0x0] =	vst.idx.msk $0xffff, v40;
	v60 =	vld [tilespmem:s29+$0xFFFFFF00]  }
0x7e: {  	v35 =	vadd.s32 v31, v35;
	v0 =	vshrl.u32 v0, $0x3;
	v54 =	vld [tilespmem:s21+$0x70];
	v58 =	vmul.f32 $8.000000000e+00, v52;
	[tilespmem:v53+s13+$0x0] =	vst.idx.msk $0xffff, v57  }
0x7f: {  	v37 =	vadd.s32 v5, v38;
	v0 =	vshll.u32 v0, v1;
	v51 =	vld [tilespmem:s21+$0xB0];
	[tilespmem:v48+s13+$0x0] =	vst.idx.msk $0xffff, v50;
	v59 =	vmul.f32 $8.000000000e+00, v49  }
0x80: {  	v33 =	vadd.s32 v14, v33;
	v39 =	vld [tilespmem:s29+$0xC0];
	v0 =	vbroadcast v0, $0x0;
	[tilespmem:v41+s13+$0x0] =	vst.idx.msk $0xffff, v58;
	v61 =	vmul.f32 $8.000000000e+00, v56  }
0x81: {  	v34 =	vadd.s32 v18, v34;
	v47 =	vbroadcast v47, $0x0;
	v41 =	vld [tilespmem:s29+$0xFFFFFF40];
	[tilespmem:v2+s13+$0x0] =	vst.idx.msk $0xffff, v59;
	v2 =	vmul.f32 $8.000000000e+00, v63  }
0x82: {  	v44 =	vbroadcast v44, $0x0;
	v48 =	vld [tilespmem:s29+$0xFFFFFF80];
	v50 =	vadd.s32 v32, v0;
	[tilespmem:v36+s13+$0x0] =	vst.idx.msk $0xffff, v61;
	v56 =	vmul.f32 $8.000000000e+00, v60  }
0x83: {  	v40 =	vadd.s32 v7, v47;
	v63 =	vmul.f32 $8.000000000e+00, v54;
	[tilespmem:v35+s13+$0x0] =	vst.idx.msk $0xffff, v2  }
0x84: {  	v2 =	vmul.f32 $8.000000000e+00, v51;
	v35 =	vadd.s32 v11, v44;
	[tilespmem:v37+s13+$0x0] =	vst.idx.msk $0xffff, v56  }
0x85: {  	v39 =	vmul.f32 $8.000000000e+00, v39;
	[tilespmem:v33+s13+$0x0] =	vst.idx.msk $0xffff, v63  }
0x86: {  	[tilespmem:v34+s13+$0x0] =	vst.idx.msk $0xffff, v2;
	v2 =	vmul.f32 $8.000000000e+00, v41  }
0x87: {  	v52 =	vld [tilespmem:s29+$0xFFFFFFC0];
	v59 =	vmul.f32 $8.000000000e+00, v48;
	[tilespmem:v50+s13+$0x0] =	vst.idx.msk $0xffff, v39  }
0x88: {  	v55 =	vmov v7;
	v45 =	vbroadcast v45, $0x0;
	v7 =	vld [tilespmem:s29+$0x0];
	[tilespmem:v40+s13+$0x0] =	vst.idx.msk $0xffff, v2  }
0x89: {  	v46 =	vbroadcast v46, $0x0;
	v57 =	vld [tilespmem:s29+$0x40];
	[tilespmem:v35+s13+$0x0] =	vst.idx.msk $0xffff, v59  }
0x8a: {  	v42 =	vshll.u32 v42, v1;
	v43 =	vbroadcast v43, $0x0;
	v53 =	vmovc v32;
	v32 =	vmovc v5;
	v36 =	vadd.s32 v16, v45;
	v5 =	vld [tilespmem:$0x1FFE0]  }
0x8b: {  	v42 =	vbroadcast v42, $0x0;
	v34 =	vadd.s32 v21, v46;
	v63 =	vld [tilespmem:s29+$0x80]  }
0x8c: {  	v37 =	vadd.s32 v23, v43;
	v48 =	vld [tilespmem:s29+$0xFFFFFF10]  }
0x8d: {  	v39 =	vld [tilespmem:s29+$0xD0];
	v2 =	vmul.f32 $8.000000000e+00, v52;
	v40 =	vadd.s32 v27, v42  }
0x8e: {  	v60 =	vmul.f32 $8.000000000e+00, v7;
	v51 =	vadd.s32 v3, v38;
	v50 =	vld [tilespmem:s29+$0xFFFFFF50]  }
0x8f: {  	v52 =	vld [tilespmem:s29+$0xFFFFFF90];
	[tilespmem:v36+s13+$0x0] =	vst.idx.msk $0xffff, v2;
	v2 =	vmul.f32 $8.000000000e+00, v57;
	v35 =	vadd.s32 v5, v0  }
0x90: {  	v36 =	vadd.s32 v8, v47;
	v49 =	vld [tilespmem:s29+$0xFFFFFFD0];
	[tilespmem:v34+s13+$0x0] =	vst.idx.msk $0xffff, v60;
	v63 =	vmul.f32 $8.000000000e+00, v63  }
0x91: {  	v34 =	vadd.s32 v12, v44;
	v7 =	vmul.f32 $8.000000000e+00, v48;
	v41 =	vld [tilespmem:s29+$0x10];
	[tilespmem:v37+s13+$0x0] =	vst.idx.msk $0xffff, v2  }
0x92: {  	v59 =	vmov v12;
	v2 =	vmul.f32 $8.000000000e+00, v39;
	v39 =	vadd.s32 v15, v45;
	v12 =	vld [tilespmem:s29+$0x50];
	[tilespmem:v40+s13+$0x0] =	vst.idx.msk $0xffff, v63  }
0x93: {  	v40 =	vadd.s32 v19, v46;
	[tilespmem:v51+s13+$0x0] =	vst.idx.msk $0xffff, v7;
	v57 =	vmul.f32 $8.000000000e+00, v50;
	v60 =	vld [tilespmem:s29+$0x90]  }
0x94: {  	v51 =	vld [tilespmem:s29+$0xFFFFFF20];
	[tilespmem:v35+s13+$0x0] =	vst.idx.msk $0xffff, v2;
	v2 =	vmul.f32 $8.000000000e+00, v52;
	v35 =	vadd.s32 v24, v43  }
0x95: {  	[tilespmem:v36+s13+$0x0] =	vst.idx.msk $0xffff, v57;
	v63 =	vmul.f32 $8.000000000e+00, v49;
	v36 =	vadd.s32 v28, v42;
	v37 =	vld [tilespmem:s29+$0xE0]  }
0x96: {  	v49 =	vld [tilespmem:s29+$0xFFFFFF60];
	[tilespmem:v34+s13+$0x0] =	vst.idx.msk $0xffff, v2;
	v2 =	vmul.f32 $8.000000000e+00, v41;
	v41 =	vadd.s32 v10, v38  }
0x97: {  	[tilespmem:v39+s13+$0x0] =	vst.idx.msk $0xffff, v63;
	v12 =	vmul.f32 $8.000000000e+00, v12;
	v34 =	vadd.s32 v30, v0;
	v7 =	vld [tilespmem:s29+$0xFFFFFFA0]  }
0x98: {  	v39 =	vadd.s32 v9, v47;
	v48 =	vld [tilespmem:s29+$0xFFFFFFE0];
	[tilespmem:v40+s13+$0x0] =	vst.idx.msk $0xffff, v2;
	v2 =	vmul.f32 $8.000000000e+00, v60  }
0x99: {  	v30 =	vmul.f32 $8.000000000e+00, v51;
	v40 =	vadd.s32 v13, v44;
	v50 =	vld [tilespmem:s29+$0x20];
	[tilespmem:v35+s13+$0x0] =	vst.idx.msk $0xffff, v12  }
0x9a: {  	v60 =	vmov v13;
	v13 =	vmul.f32 $8.000000000e+00, v37;
	v37 =	vadd.s32 v17, v45;
	v51 =	vld [tilespmem:s29+$0x60];
	[tilespmem:v36+s13+$0x0] =	vst.idx.msk $0xffff, v2  }
0x9b: {  	v2 =	vmul.f32 $8.000000000e+00, v49;
	v36 =	vadd.s32 v22, v46;
	v49 =	vld [tilespmem:s29+$0xA0];
	[tilespmem:v41+s13+$0x0] =	vst.idx.msk $0xffff, v30  }
0x9c: {  	v12 =	vadd.s32 v25, v43;
	[tilespmem:v34+s13+$0x0] =	vst.idx.msk $0xffff, v13;
	v7 =	vmul.f32 $8.000000000e+00, v7;
	v41 =	vld [tilespmem:s29+$0xFFFFFF30]  }
0x9d: {  	[tilespmem:v39+s13+$0x0] =	vst.idx.msk $0xffff, v2;
	v2 =	vmul.f32 $8.000000000e+00, v48;
	v39 =	vadd.s32 v29, v42;
	v13 =	vld [tilespmem:s29+$0xF0]  }
0x9e: {  	v38 =	vadd.s32 v6, v38;
	v48 =	vld [tilespmem:s29+$0xFFFFFF70];
	[tilespmem:v40+s13+$0x0] =	vst.idx.msk $0xffff, v7;
	v30 =	vmul.f32 $8.000000000e+00, v50  }
0x9f: {  	v0 =	vadd.s32 v62, v0;
	v40 =	vld [tilespmem:s29+$0xFFFFFFB0];
	[tilespmem:v37+s13+$0x0] =	vst.idx.msk $0xffff, v2;
	v2 =	vmul.f32 $8.000000000e+00, v51  }
0xa0: {  	v37 =	vadd.s32 v4, v47;
	v47 =	vld [tilespmem:s29+$0xFFFFFFF0];
	[tilespmem:v36+s13+$0x0] =	vst.idx.msk $0xffff, v30;
	v51 =	vmul.f32 $8.000000000e+00, v49  }
0xa1: {  	v3 =	vmov v6;
	v62 =	vadd.s32 v20, v44;
	v6 =	vld [tilespmem:s29+$0x30];
	[tilespmem:v12+s13+$0x0] =	vst.idx.msk $0xffff, v2;
	v7 =	vmul.f32 $8.000000000e+00, v41  }
0xa2: {  	v12 =	vadd.s32 v26, v45;
	v2 =	vmul.f32 $8.000000000e+00, v13;
	v13 =	vld [tilespmem:s29+$0x70];
	[tilespmem:v39+s13+$0x0] =	vst.idx.msk $0xffff, v51  }
0xa3: {  	v31 =	vadd.s32 v31, v46;
	v30 =	vmul.f32 $8.000000000e+00, v48;
	v48 =	vld [tilespmem:s29+$0xB0];
	[tilespmem:v38+s13+$0x0] =	vst.idx.msk $0xffff, v7  }
0xa4: {  	[tilespmem:v0+s13+$0x0] =	vst.idx.msk $0xffff, v2;
	v0 =	vmul.f32 $8.000000000e+00, v40;
	v2 =	vadd.s32 v14, v43  }
0xa5: {  	v51 =	vadd.s32 v18, v42;
	[tilespmem:v37+s13+$0x0] =	vst.idx.msk $0xffff, v30;
	v49 =	vmul.f32 $8.000000000e+00, v47  }
0xa6: {  	s30 =	sadd.s32 s5, s20;
	[tilespmem:v62+s13+$0x0] =	vst.idx.msk $0xffff, v0;
	v0 =	vmul.f32 $8.000000000e+00, v6  }
0xa7: {  	s22 =	sshll.u32 s30, $0x4;
	[tilespmem:v12+s13+$0x0] =	vst.idx.msk $0xffff, v49;
	v62 =	vmul.f32 $8.000000000e+00, v13  }
0xa8: {  	s21 =	sshll.u32 s30, $0xA;
	s22 =	sand.u32 $0x7E0, s22;
	[tilespmem:v31+s13+$0x0] =	vst.idx.msk $0xffff, v0;
	v0 =	vmul.f32 $8.000000000e+00, v48  }
0xa9: {  	s21 =	sand.u32 $0xFFE0000, s21;
	s22 =	sadd.s32 s4, s22;
	v58 =	vmov v11;
	v54 =	vmov v23;
	v61 =	vmov v16;
	[tilespmem:v2+s13+$0x0] =	vst.idx.msk $0xffff, v62  }
0xaa: {  	s31 =	simm.s32 $0xA400;
	s21 =	sadd.s32 s21, s22;
	s22 =	simm.s32 $0x220;
	v16 =	vmovc v21;
	v23 =	vmovc v27;
	v21 =	vmov v22;
	v56 =	vmov v8;
	v27 =	vmov v29;
	[tilespmem:v51+s13+$0x0] =	vst.idx.msk $0xffff, v0  }
0xab: {  	v57 =	vmovc v9;
	v63 =	vmovc v17;
	v52 =	vmov v25;
	v20 =	vmov v5;
	v50 =	vmov v4;
	[hbm4b:s21+s2] =	stream.linear.scatter [tilespmem:s31], [sflag:$0x3], $0x80, $0x38;
	[tilespmem:$0xE800] =	vst v63  }
.LBB2_5:
0xac: {  	p1 =	sne.s32 s22, $0x85E0  }
.Ltmp3:
0xad: {  	_ = 	snop;
	(pc) =	sbr.rel @p1 .LBB2_5-.Ltmp3, $4  }
0xae: {  	_ = 	snop  }
0xaf: {  	s23 =	sshra.s32 s22, $0x2;
	s22 =	sadd.s32 $0x220, s22  }
0xb0: {  	s21 =	sadd.s32 $0x800, s21;
	s23 =	sadd.s32 $0xA400, s23  }
0xb1: {  	[hbm4b:s21+s2] =	stream.linear.scatter [tilespmem:s23], [sflag:$0x3], $0x80, $0x38;
	[tilespmem:$0xE800] =	vst v63  }
0xb2: {  	p1 =	sne.s32 s19, $0x63  }
.Ltmp4:
0xb3: {  	_ = 	snop;
	(pc) =	sbr.rel @p1 .LBB2_8-.Ltmp4, $2  }
0xb4: {  	_ =	sdelay $0x2  }
0xb5: {  	v5 =	vmov v10  }
.Ltmp5:
0xb6: {  	(pc) =	sbr.rel .LBB2_9-.Ltmp5, $4  }
0xb7: {  	v6 =	vmov v3;
	v7 =	vmov v55  }
0xb8: {  	_ =	swait.ge [sflag:s14], $0x2000;
	v8 =	vmovc v56;
	v9 =	vmovc v57;
	v10 =	vmov v50;
	v11 =	vmov v58;
	v12 =	vmov v59  }
0xb9: {  	v13 =	vmovc v60;
	v15 =	vmovc v61;
	v17 =	vmov v63;
	v19 =	vmov v16;
	v22 =	vmov v21;
	[sflag:s14] =	ssyncset.done $0x0  }
0xba: {  	v24 =	vmovc v54;
	v25 =	vmovc v52;
	v28 =	vmov v23;
	v29 =	vmov v27;
	v30 =	vmov v53;
	[sflag:s14] =	ssyncadd.s32 $0xFFFFE000  }
.LBB2_8:
0xbb: {  	s21 =	sshll.u32 s19, $0x8  }
0xbc: {  	s21 =	sand.u32 $0x3FFFFF00, s21  }
.Ltmp6:
0xbd: {  	s21 =	sadd.s32 $0x100, s21;
	(pc) =	sbr.rel @p0 .LBB2_10-.Ltmp6, $4  }
0xbe: {  	v6 =	vmov v3;
	v7 =	vmov v55;
	[tilespmem:s10], [sflag:$0x1] =	stream.indirect.gather [hbm4b:s3+s9], $0x40, s21, s9, $0xb8;
	[tilespmem:$0xE800] =	vst v63  }
0xbf: {  	v8 =	vmovc v56;
	v9 =	vmovc v57;
	v10 =	vmov v50;
	v11 =	vmov v58;
	v12 =	vmov v59;
	_ =	swait.ge [sflag:s14], $0x2000  }
0xc0: {  	v13 =	vmovc v60;
	v15 =	vmovc v61;
	v17 =	vmov v63;
	v19 =	vmov v16;
	v22 =	vmov v21;
	[sflag:s14] =	ssyncset.done $0x0  }
0xc1: {  	v24 =	vmovc v54;
	v25 =	vmovc v52;
	v28 =	vmov v23;
	v29 =	vmov v27;
	v30 =	vmov v53;
	[sflag:s14] =	ssyncadd.s32 $0xFFFFE000  }
.LBB2_9:
0xc2: {  	_ =	swait.ge [sflag:s15], $0x2000  }
0xc3: {  	[sflag:s15] =	ssyncset.done $0x0  }
0xc4: {  	[sflag:s15] =	ssyncadd.s32 $0xFFFFE000  }
.LBB2_10:
0xc5: {  	s21 =	simm.s32 $0x0;
	s28 =	simm.s32 $0x1  }
0xc6: {  	s22 =	simm.s32 $0x2;
	s23 =	simm.s32 $0x3;
	s29 =	simm.s32 $0x4;
	v0 =	vmov s21;
	v2 =	vmov s28  }
0xc7: {  	s30 =	simm.s32 $0x5;
	v33 =	vmov s22;
	v34 =	vmov s23;
	v35 =	vmov s29;
	s23 =	simm.s32 $0x7  }
0xc8: {  	s31 =	simm.s32 $0x6;
	v36 =	vmov s30;
	v0 =	vshrl.u32 v0, $0x3;
	v38 =	vmov s23  }
0xc9: {  	v37 =	vmov s31;
	s21 =	simm.s32 $0x8500;
	v0 =	vshll.u32 v0, v1;
	v38 =	vshrl.u32 v38, $0x3  }
0xca: {  	v2 =	vshrl.u32 v2, $0x3;
	v62 =	vld [tilespmem:s21+$0xFFFFFF00];
	v38 =	vshll.u32 v38, v1;
	v39 =	vbroadcast v0, $0x0  }
0xcb: {  	v33 =	vshrl.u32 v33, $0x3;
	v2 =	vshll.u32 v2, v1;
	v0 =	vld [tilespmem:s21+$0xC0];
	v41 =	vbroadcast v38, $0x0  }
0xcc: {  	v43 =	vld [tilespmem:s21+$0xFFFFFF40];
	v33 =	vshll.u32 v33, v1;
	v18 =	vbroadcast v2, $0x0;
	v45 =	vadd.s32 v32, v39  }
0xcd: {  	v42 =	vshrl.u32 v37, $0x3;
	v46 =	vld [tilespmem:s21+$0xFFFFFF80];
	v37 =	vbroadcast v33, $0x0;
	v2 =	vadd.s32 v30, v41  }
0xce: {  	v34 =	vshrl.u32 v34, $0x3;
	v35 =	vshrl.u32 v35, $0x3;
	v47 =	vadd.s32 v7, v18  }
0xcf: {  	v36 =	vshrl.u32 v36, $0x3;
	v49 =	vadd.s32 v11, v37;
	v38 =	vmul.f32 $8.000000000e+00, v62  }
0xd0: {  	v34 =	vshll.u32 v34, v1;
	v35 =	vshll.u32 v35, v1;
	v0 =	vmul.f32 $8.000000000e+00, v0  }
0xd1: {  	v48 =	vld [tilespmem:s21+$0xFFFFFFC0];
	v44 =	vshll.u32 v36, v1;
	v36 =	vbroadcast v34, $0x0;
	v43 =	vmul.f32 $8.000000000e+00, v43;
	[tilespmem:v45+s16+$0x0] =	vst.idx.msk $0xffff, v38  }
0xd2: {  	v50 =	vld [tilespmem:s21+$0x0];
	v35 =	vbroadcast v35, $0x0;
	[tilespmem:v2+s16+$0x0] =	vst.idx.msk $0xffff, v0;
	v2 =	vmul.f32 $8.000000000e+00, v46  }
0xd3: {  	v52 =	vld [tilespmem:s21+$0x40];
	v42 =	vshll.u32 v42, v1;
	v33 =	vbroadcast v44, $0x0;
	v51 =	vadd.s32 v15, v36;
	[tilespmem:v47+s16+$0x0] =	vst.idx.msk $0xffff, v43  }
0xd4: {  	v53 =	vld [tilespmem:s21+$0x80];
	v34 =	vbroadcast v42, $0x0;
	v44 =	vadd.s32 v19, v35;
	[tilespmem:v49+s16+$0x0] =	vst.idx.msk $0xffff, v2  }
0xd5: {  	v63 =	vadd.s32 v24, v33;
	v49 =	vadd.s32 v20, v41;
	v20 =	vld [tilespmem:$0x1FFC0]  }
0xd6: {  	v60 =	vmul.f32 $8.000000000e+00, v48;
	v46 =	vadd.s32 v28, v34  }
0xd7: {  	v14 =	vmov v32;
	v32 =	vld [tilespmem:s21+$0xD0];
	v2 =	vmul.f32 $8.000000000e+00, v50  }
0xd8: {  	v62 =	vmul.f32 $8.000000000e+00, v52;
	v45 =	vld [tilespmem:s21+$0xFFFFFF10];
	[tilespmem:v51+s16+$0x0] =	vst.idx.msk $0xffff, v60  }
0xd9: {  	v61 =	vld [tilespmem:s21+$0xFFFFFF50];
	[tilespmem:v44+s16+$0x0] =	vst.idx.msk $0xffff, v2;
	v2 =	vmul.f32 $8.000000000e+00, v53  }
0xda: {  	v55 =	vld [tilespmem:s21+$0xFFFFFF90];
	[tilespmem:v63+s16+$0x0] =	vst.idx.msk $0xffff, v62;
	v54 =	vadd.s32 v20, v39  }
0xdb: {  	v16 =	vld [tilespmem:$0x1FF90];
	[tilespmem:v46+s16+$0x0] =	vst.idx.msk $0xffff, v2  }
0xdc: {  	v52 =	vadd.s32 v8, v18;
	v63 =	vmul.f32 $8.000000000e+00, v32;
	v21 =	vld [tilespmem:$0x1FF80]  }
0xdd: {  	v56 =	vld [tilespmem:s21+$0xFFFFFFD0];
	v53 =	vadd.s32 v12, v37;
	v32 =	vmul.f32 $8.000000000e+00, v45  }
0xde: {  	v57 =	vld [tilespmem:s21+$0x10];
	[tilespmem:v49+s16+$0x0] =	vst.idx.msk $0xffff, v63  }
0xdf: {  	v61 =	vmul.f32 $8.000000000e+00, v61;
	v59 =	vld [tilespmem:s21+$0x90];
	[tilespmem:v54+s16+$0x0] =	vst.idx.msk $0xffff, v32  }
0xe0: {  	v62 =	vmul.f32 $8.000000000e+00, v55;
	v23 =	vld [tilespmem:$0x1FFA0]  }
0xe1: {  	v48 =	vadd.s32 v21, v35;
	v54 =	vld [tilespmem:s21+$0xFFFFFF20];
	[tilespmem:v52+s16+$0x0] =	vst.idx.msk $0xffff, v61  }
0xe2: {  	s28 =	simm.s32 $0xB;
	v27 =	vld [tilespmem:$0x1FFB0];
	[tilespmem:v53+s16+$0x0] =	vst.idx.msk $0xffff, v62  }
0xe3: {  	v51 =	vmov s28;
	v63 =	vmul.f32 $8.000000000e+00, v56;
	v60 =	vadd.s32 v16, v36;
	v32 =	vld [tilespmem:$0x1FFD0]  }
0xe4: {  	s30 =	simm.s32 $0xD;
	s31 =	simm.s32 $0xE;
	v38 =	vmul.f32 $8.000000000e+00, v57;
	v57 =	vshrl.u32 v51, $0x3;
	v51 =	vadd.s32 v5, v39;
	v56 =	vld [tilespmem:s21+$0xFFFFFFA0]  }
0xe5: {  	v42 =	vmov s30;
	v58 =	vld [tilespmem:s21+$0x50];
	v2 =	vmov s31  }
0xe6: {  	[tilespmem:v48+s16+$0x0] =	vst.idx.msk $0xffff, v38;
	v38 =	vmul.f32 $8.000000000e+00, v59;
	v59 =	vshrl.u32 v42, $0x3;
	v48 =	vadd.s32 v13, v37  }
0xe7: {  	s24 =	simm.s32 $0x8;
	v49 =	vld [tilespmem:s21+$0xE0];
	v42 =	vshrl.u32 v2, $0x3;
	v43 =	vadd.s32 v23, v33;
	v2 =	vmul.f32 $8.000000000e+00, v54  }
0xe8: {  	v0 =	vmov s24;
	v55 =	vld [tilespmem:s21+$0xFFFFFF60];
	[tilespmem:v60+s16+$0x0] =	vst.idx.msk $0xffff, v63;
	v52 =	vadd.s32 v27, v34  }
0xe9: {  	s26 =	simm.s32 $0xA;
	v0 =	vshrl.u32 v0, $0x3;
	v53 =	vadd.s32 v32, v41;
	[tilespmem:v51+s16+$0x0] =	vst.idx.msk $0xffff, v2;
	v2 =	vmul.f32 $8.000000000e+00, v56  }
0xea: {  	s29 =	simm.s32 $0xC;
	v50 =	vmov s26;
	v40 =	vmul.f32 $8.000000000e+00, v58;
	v58 =	vadd.s32 v9, v18;
	v60 =	vld [tilespmem:s21+$0xFFFFFFE0]  }
0xeb: {  	v0 =	vshll.u32 v0, v1;
	v50 =	vshrl.u32 v50, $0x3;
	v44 =	vmov s29;
	v61 =	vld [tilespmem:s21+$0x20];
	[tilespmem:v48+s16+$0x0] =	vst.idx.msk $0xffff, v2  }
0xec: {  	v46 =	vshrl.u32 v44, $0x3;
	v44 =	vshll.u32 v50, v1;
	v49 =	vmul.f32 $8.000000000e+00, v49;
	v50 =	vld [tilespmem:s21+$0xFFFFFF30];
	[tilespmem:v43+s16+$0x0] =	vst.idx.msk $0xffff, v40  }
0xed: {  	v54 =	vadd.s32 v17, v36;
	v62 =	vld [tilespmem:s21+$0x60];
	[tilespmem:v52+s16+$0x0] =	vst.idx.msk $0xffff, v38;
	v38 =	vbroadcast v0, $0x0;
	v0 =	vmul.f32 $8.000000000e+00, v55  }
0xee: {  	v63 =	vadd.s32 v22, v35;
	v40 =	vld [tilespmem:s21+$0xA0];
	[tilespmem:v53+s16+$0x0] =	vst.idx.msk $0xffff, v49  }
0xef: {  	v49 =	vld [tilespmem:s21+$0xFFFFFFB0];
	[tilespmem:v58+s16+$0x0] =	vst.idx.msk $0xffff, v0  }
0xf0: {  	v0 =	vmul.f32 $8.000000000e+00, v60;
	v4 =	vld [tilespmem:$0x1FEA0]  }
0xf1: {  	v2 =	vmul.f32 $8.000000000e+00, v61;
	v56 =	vld [tilespmem:s21+$0xF0]  }
0xf2: {  	v52 =	vld [tilespmem:s21+$0xFFFFFF70];
	[tilespmem:v54+s16+$0x0] =	vst.idx.msk $0xffff, v0  }
0xf3: {  	s25 =	simm.s32 $0x9;
	[tilespmem:v63+s16+$0x0] =	vst.idx.msk $0xffff, v2;
	v54 =	vld [tilespmem:s21+$0xFFFFFFF0]  }
0xf4: {  	v47 =	vmov s25;
	v31 =	vld [tilespmem:$0x1FEE0]  }
0xf5: {  	v47 =	vshrl.u32 v47, $0x3;
	v53 =	vadd.s32 v4, v41;
	v41 =	vadd.s32 v10, v18;
	v10 =	vld [tilespmem:$0x1FEB0]  }
0xf6: {  	v47 =	vshll.u32 v47, v1;
	v46 =	vshll.u32 v46, v1;
	v55 =	vadd.s32 v25, v33;
	v4 =	vmovc v14;
	v14 =	vld [tilespmem:$0x1FEC0]  }
0xf7: {  	v45 =	vshll.u32 v57, v1;
	v51 =	vadd.s32 v29, v34;
	v48 =	vadd.s32 v6, v39;
	v18 =	vld [tilespmem:$0x1FED0]  }
0xf8: {  	s22 =	simm.s32 $0x10;
	s23 =	simm.s32 $0xF;
	v43 =	vshll.u32 v59, v1;
	v39 =	vmul.f32 $8.000000000e+00, v62;
	v26 =	vld [tilespmem:$0x1FEF0];
	v40 =	vmul.f32 $8.000000000e+00, v40  }
.LBB2_11:
0xf9: {  	_ = 	snop  }
0xfa: {  	v0 =	vmov s23;
	v60 =	vld [tilespmem:s21+$0x30]  }
0xfb: {  	v2 =	vadd.s32 v10, v37;
	v36 =	vadd.s32 v14, v36;
	v3 =	vld [tilespmem:$0x1FFE0];
	[tilespmem:v55+s16+$0x0] =	vst.idx.msk $0xffff, v39;
	v62 =	vmul.f32 $8.000000000e+00, v56  }
0xfc: {  	v35 =	vadd.s32 v18, v35;
	v0 =	vshrl.u32 v0, $0x3;
	[tilespmem:v51+s16+$0x0] =	vst.idx.msk $0xffff, v40;
	v63 =	vmul.f32 $8.000000000e+00, v50;
	v56 =	vld [tilespmem:s21+$0x70]  }
0xfd: {  	v33 =	vadd.s32 v31, v33;
	v0 =	vshll.u32 v0, v1;
	v58 =	vld [tilespmem:s21+$0xB0];
	v57 =	vmul.f32 $8.000000000e+00, v52;
	s21 =	sadd.s32 $0x200, s21;
	[tilespmem:v53+s16+$0x0] =	vst.idx.msk $0xffff, v62  }
0xfe: {  	v42 =	vshll.u32 v42, v1;
	v40 =	vbroadcast v0, $0x0;
	v0 =	vmul.f32 $8.000000000e+00, v49;
	[tilespmem:v48+s16+$0x0] =	vst.idx.msk $0xffff, v63;
	v53 =	vld [tilespmem:s21+$0xC0]  }
0xff: {  	v34 =	vadd.s32 v26, v34;
	v39 =	vmov v38;
	v61 =	vmul.f32 $8.000000000e+00, v54;
	[tilespmem:v41+s16+$0x0] =	vst.idx.msk $0xffff, v57;
	v38 =	vld [tilespmem:s21+$0xFFFFFF00]  }
0x100: {  	v41 =	vbroadcast v47, $0x0;
	v62 =	vadd.s32 v30, v40;
	[tilespmem:v2+s16+$0x0] =	vst.idx.msk $0xffff, v0;
	v0 =	vmul.f32 $8.000000000e+00, v60;
	v49 =	vld [tilespmem:s21+$0xFFFFFF40]  }
0x101: {  	v37 =	vbroadcast v44, $0x0;
	v2 =	vadd.s32 v4, v39;
	[tilespmem:v36+s16+$0x0] =	vst.idx.msk $0xffff, v61;
	v63 =	vld [tilespmem:s21+$0xFFFFFF80];
	v59 =	vmul.f32 $8.000000000e+00, v56  }
0x102: {  	v36 =	vbroadcast v45, $0x0;
	v61 =	vld [tilespmem:s21+$0xFFFFFFC0];
	v60 =	vadd.s32 v7, v41;
	[tilespmem:v35+s16+$0x0] =	vst.idx.msk $0xffff, v0;
	v0 =	vmul.f32 $8.000000000e+00, v58  }
0x103: {  	v45 =	vadd.s32 v11, v37;
	v35 =	vbroadcast v46, $0x0;
	v56 =	vld [tilespmem:s21+$0x0];
	[tilespmem:v33+s16+$0x0] =	vst.idx.msk $0xffff, v59;
	v57 =	vmul.f32 $8.000000000e+00, v53  }
0x104: {  	v58 =	vadd.s32 v15, v36;
	[tilespmem:v34+s16+$0x0] =	vst.idx.msk $0xffff, v0;
	v33 =	vbroadcast v43, $0x0;
	v38 =	vmul.f32 $8.000000000e+00, v38;
	v59 =	vld [tilespmem:s21+$0x40]  }
0x105: {  	v34 =	vbroadcast v42, $0x0;
	v43 =	vadd.s32 v19, v35;
	v0 =	vmul.f32 $8.000000000e+00, v49;
	v49 =	vld [tilespmem:s21+$0x80];
	[tilespmem:v62+s16+$0x0] =	vst.idx.msk $0xffff, v57  }
0x106: {  	[tilespmem:v2+s16+$0x0] =	vst.idx.msk $0xffff, v38;
	v2 =	vmul.f32 $8.000000000e+00, v63;
	v38 =	vadd.s32 v24, v33;
	v46 =	vld [tilespmem:s21+$0xD0]  }
0x107: {  	[tilespmem:v60+s16+$0x0] =	vst.idx.msk $0xffff, v0;
	v0 =	vmul.f32 $8.000000000e+00, v61;
	v60 =	vadd.s32 v28, v34;
	v63 =	vld [tilespmem:s21+$0xFFFFFF10]  }
0x108: {  	v62 =	vmov s22;
	v61 =	vld [tilespmem:s21+$0xFFFFFF50];
	[tilespmem:v45+s16+$0x0] =	vst.idx.msk $0xffff, v2;
	v2 =	vmul.f32 $8.000000000e+00, v56;
	v45 =	vadd.s32 v3, v40  }
0x109: {  	v54 =	vadd.s32 v20, v39;
	v42 =	vshrl.u32 v62, $0x3;
	[tilespmem:v58+s16+$0x0] =	vst.idx.msk $0xffff, v0;
	v62 =	vld [tilespmem:s21+$0xFFFFFF90];
	v0 =	vmul.f32 $8.000000000e+00, v59  }
0x10a: {  	v53 =	vadd.s32 v8, v41;
	v56 =	vld [tilespmem:s21+$0xFFFFFFD0];
	[tilespmem:v43+s16+$0x0] =	vst.idx.msk $0xffff, v2;
	v2 =	vmul.f32 $8.000000000e+00, v49  }
0x10b: {  	v49 =	vadd.s32 v12, v37;
	v57 =	vld [tilespmem:s21+$0x10];
	[tilespmem:v38+s16+$0x0] =	vst.idx.msk $0xffff, v0;
	v0 =	vmul.f32 $8.000000000e+00, v46  }
0x10c: {  	v47 =	vadd.s32 v16, v36;
	v63 =	vmul.f32 $8.000000000e+00, v63;
	v58 =	vld [tilespmem:s21+$0x50];
	[tilespmem:v60+s16+$0x0] =	vst.idx.msk $0xffff, v2  }
0x10d: {  	v60 =	vmul.f32 $8.000000000e+00, v61;
	v61 =	vadd.s32 v21, v35;
	v59 =	vld [tilespmem:s21+$0x90];
	[tilespmem:v45+s16+$0x0] =	vst.idx.msk $0xffff, v0  }
0x10e: {  	s28 =	sadd.s32 $0x3, s22;
	[tilespmem:v54+s16+$0x0] =	vst.idx.msk $0xffff, v63;
	v62 =	vmul.f32 $8.000000000e+00, v62;
	v45 =	vadd.s32 v23, v33;
	v46 =	vld [tilespmem:s21+$0xE0]  }
0x10f: {  	v44 =	vmov s28;
	[tilespmem:v53+s16+$0x0] =	vst.idx.msk $0xffff, v60;
	v63 =	vmul.f32 $8.000000000e+00, v56;
	v53 =	vadd.s32 v27, v34;
	v54 =	vld [tilespmem:s21+$0xFFFFFF20]  }
0x110: {  	v48 =	vadd.s32 v9, v41;
	v55 =	vld [tilespmem:s21+$0xFFFFFF60];
	[tilespmem:v49+s16+$0x0] =	vst.idx.msk $0xffff, v62;
	v60 =	vmul.f32 $8.000000000e+00, v57;
	v49 =	vadd.s32 v32, v40  }
0x111: {  	s30 =	sadd.s32 $0x5, s22;
	s31 =	sadd.s32 $0x6, s22;
	v57 =	vshrl.u32 v44, $0x3;
	v44 =	vadd.s32 v5, v39;
	[tilespmem:v47+s16+$0x0] =	vst.idx.msk $0xffff, v63;
	v56 =	vld [tilespmem:s21+$0xFFFFFFA0];
	v47 =	vmul.f32 $8.000000000e+00, v58  }
0x112: {  	v38 =	vmov s30;
	v2 =	vmov s31;
	v58 =	vld [tilespmem:s21+$0xFFFFFFE0];
	[tilespmem:v61+s16+$0x0] =	vst.idx.msk $0xffff, v60;
	v51 =	vmul.f32 $8.000000000e+00, v59  }
0x113: {  	v0 =	vshll.u32 v42, v1;
	v60 =	vadd.s32 v13, v37;
	v61 =	vld [tilespmem:s21+$0x20];
	[tilespmem:v45+s16+$0x0] =	vst.idx.msk $0xffff, v47;
	v45 =	vmul.f32 $8.000000000e+00, v46  }
0x114: {  	v42 =	vshrl.u32 v2, $0x3;
	v2 =	vmul.f32 $8.000000000e+00, v54;
	v54 =	vadd.s32 v17, v36;
	[tilespmem:v53+s16+$0x0] =	vst.idx.msk $0xffff, v51  }
0x115: {  	v59 =	vshrl.u32 v38, $0x3;
	v38 =	vbroadcast v0, $0x0;
	v0 =	vmul.f32 $8.000000000e+00, v55;
	[tilespmem:v49+s16+$0x0] =	vst.idx.msk $0xffff, v45  }
0x116: {  	v62 =	vld [tilespmem:s21+$0x60];
	[tilespmem:v44+s16+$0x0] =	vst.idx.msk $0xffff, v2;
	v2 =	vmul.f32 $8.000000000e+00, v56  }
0x117: {  	s25 =	sadd.s32 $0x1, s22;
	v3 =	vld [tilespmem:s21+$0xA0];
	[tilespmem:v48+s16+$0x0] =	vst.idx.msk $0xffff, v0;
	v0 =	vmul.f32 $8.000000000e+00, v58  }
0x118: {  	s26 =	sadd.s32 $0x2, s22;
	s29 =	sadd.s32 $0x4, s22;
	v50 =	vmov s25;
	[tilespmem:v60+s16+$0x0] =	vst.idx.msk $0xffff, v2;
	v2 =	vmul.f32 $8.000000000e+00, v61;
	v61 =	vld [tilespmem:$0x1FEA0]  }
0x119: {  	p0 =	slt.u32 s22, $0x78;
	v52 =	vmov s26;
	v43 =	vmov s29;
	v63 =	vadd.s32 v22, v35;
	[tilespmem:v54+s16+$0x0] =	vst.idx.msk $0xffff, v0;
	v0 =	vld [tilespmem:$0x1FFF0]  }
.Ltmp7:
0x11a: {  	v50 =	vshrl.u32 v50, $0x3;
	v52 =	vshrl.u32 v52, $0x3;
	v43 =	vshrl.u32 v43, $0x3;
	v56 =	vld [tilespmem:s21+$0xF0];
	(pc) =	sbr.rel @p0 .LBB2_11-.Ltmp7, $4  }
0x11b: {  	v47 =	vshll.u32 v50, v1;
	v55 =	vadd.s32 v25, v33;
	v51 =	vadd.s32 v29, v34;
	v50 =	vld [tilespmem:s21+$0xFFFFFF30]  }
0x11c: {  	v46 =	vshll.u32 v43, v1;
	v43 =	vshll.u32 v59, v1;
	v44 =	vshll.u32 v52, v1;
	v52 =	vld [tilespmem:s21+$0xFFFFFF70]  }
0x11d: {  	v45 =	vshll.u32 v57, v1;
	v48 =	vadd.s32 v6, v39;
	v49 =	vld [tilespmem:s21+$0xFFFFFFB0];
	v39 =	vmul.f32 $8.000000000e+00, v62  }
0x11e: {  	s23 =	sadd.s32 $0x7, s22;
	s22 =	sadd.s32 $0x8, s22;
	v54 =	vld [tilespmem:s21+$0xFFFFFFF0];
	[tilespmem:v63+s16+$0x0] =	vst.idx.msk $0xffff, v2;
	v53 =	vadd.s32 v61, v40;
	v40 =	vmul.f32 $8.000000000e+00, v3;
	v41 =	vadd.s32 v0, v41  }
0x11f: {  	_ =	sdelay $0x3  }
0x120: {  	v0 =	vmov s23;
	v2 =	vadd.s32 v10, v37;
	v3 =	vld [tilespmem:s21+$0x30];
	[tilespmem:v55+s16+$0x0] =	vst.idx.msk $0xffff, v39;
	v61 =	vmul.f32 $8.000000000e+00, v56  }
0x121: {  	v36 =	vadd.s32 v14, v36;
	v0 =	vshrl.u32 v0, $0x3;
	v62 =	vmul.f32 $8.000000000e+00, v50;
	v63 =	vld [tilespmem:s21+$0x70];
	[tilespmem:v51+s16+$0x0] =	vst.idx.msk $0xffff, v40  }
0x122: {  	v35 =	vadd.s32 v18, v35;
	s29 =	sadd.s32 $0x200, s21;
	v0 =	vshll.u32 v0, v1;
	v55 =	vmul.f32 $8.000000000e+00, v52;
	v51 =	vld [tilespmem:s21+$0xB0];
	[tilespmem:v53+s16+$0x0] =	vst.idx.msk $0xffff, v61  }
0x123: {  	v33 =	vadd.s32 v31, v33;
	v56 =	vld [tilespmem:s29+$0xC0];
	v0 =	vbroadcast v0, $0x0;
	[tilespmem:v48+s16+$0x0] =	vst.idx.msk $0xffff, v62;
	v57 =	vmul.f32 $8.000000000e+00, v49  }
0x124: {  	v34 =	vadd.s32 v26, v34;
	v59 =	vld [tilespmem:s29+$0xFFFFFF00];
	[tilespmem:v41+s16+$0x0] =	vst.idx.msk $0xffff, v55;
	v60 =	vmul.f32 $8.000000000e+00, v54  }
0x125: {  	v47 =	vbroadcast v47, $0x0;
	v61 =	vld [tilespmem:s29+$0xFFFFFF40];
	v49 =	vadd.s32 v30, v0;
	[tilespmem:v2+s16+$0x0] =	vst.idx.msk $0xffff, v57;
	v2 =	vmul.f32 $8.000000000e+00, v3  }
0x126: {  	v44 =	vbroadcast v44, $0x0;
	v62 =	vld [tilespmem:s29+$0xFFFFFF80];
	v3 =	vadd.s32 v4, v38;
	[tilespmem:v36+s16+$0x0] =	vst.idx.msk $0xffff, v60;
	v63 =	vmul.f32 $8.000000000e+00, v63  }
0x127: {  	v40 =	vadd.s32 v7, v47;
	[tilespmem:v35+s16+$0x0] =	vst.idx.msk $0xffff, v2;
	v2 =	vmul.f32 $8.000000000e+00, v51  }
0x128: {  	v54 =	vadd.s32 v11, v44;
	v37 =	vmul.f32 $8.000000000e+00, v56;
	[tilespmem:v33+s16+$0x0] =	vst.idx.msk $0xffff, v63  }
0x129: {  	v56 =	vmul.f32 $8.000000000e+00, v59;
	[tilespmem:v34+s16+$0x0] =	vst.idx.msk $0xffff, v2  }
0x12a: {  	v45 =	vbroadcast v45, $0x0;
	v50 =	vld [tilespmem:s29+$0xFFFFFFC0];
	v2 =	vmul.f32 $8.000000000e+00, v61;
	[tilespmem:v49+s16+$0x0] =	vst.idx.msk $0xffff, v37  }
0x12b: {  	v55 =	vld [tilespmem:s29+$0x0];
	[tilespmem:v3+s16+$0x0] =	vst.idx.msk $0xffff, v56;
	v3 =	vmul.f32 $8.000000000e+00, v62  }
0x12c: {  	v46 =	vbroadcast v46, $0x0;
	v57 =	vadd.s32 v15, v45;
	v59 =	vld [tilespmem:s29+$0x40];
	[tilespmem:v40+s16+$0x0] =	vst.idx.msk $0xffff, v2  }
0x12d: {  	v42 =	vshll.u32 v42, v1;
	v43 =	vbroadcast v43, $0x0;
	v61 =	vld [tilespmem:s29+$0x80];
	[tilespmem:v54+s16+$0x0] =	vst.idx.msk $0xffff, v3  }
0x12e: {  	v42 =	vbroadcast v42, $0x0;
	v60 =	vadd.s32 v19, v46;
	v7 =	vld [tilespmem:$0x1FFE0]  }
0x12f: {  	v62 =	vadd.s32 v24, v43;
	v63 =	vld [tilespmem:s29+$0xFFFFFF10];
	v2 =	vmul.f32 $8.000000000e+00, v50  }
0x130: {  	v40 =	vadd.s32 v28, v42;
	v49 =	vld [tilespmem:s29+$0xFFFFFF50]  }
0x131: {  	v37 =	vld [tilespmem:s29+$0xD0];
	v50 =	vadd.s32 v20, v38;
	v3 =	vmul.f32 $8.000000000e+00, v55;
	[tilespmem:v57+s16+$0x0] =	vst.idx.msk $0xffff, v2  }
0x132: {  	v53 =	vadd.s32 v8, v47;
	v2 =	vmul.f32 $8.000000000e+00, v59;
	v54 =	vld [tilespmem:s29+$0xFFFFFFD0]  }
0x133: {  	v51 =	vld [tilespmem:s29+$0xFFFFFF90];
	[tilespmem:v60+s16+$0x0] =	vst.idx.msk $0xffff, v3;
	v3 =	vmul.f32 $8.000000000e+00, v61;
	v35 =	vadd.s32 v7, v0  }
0x134: {  	v59 =	vadd.s32 v16, v45;
	[tilespmem:v62+s16+$0x0] =	vst.idx.msk $0xffff, v2;
	v57 =	vmul.f32 $8.000000000e+00, v63  }
0x135: {  	v55 =	vadd.s32 v12, v44;
	v60 =	vld [tilespmem:s29+$0x50];
	[tilespmem:v40+s16+$0x0] =	vst.idx.msk $0xffff, v3;
	v3 =	vmul.f32 $8.000000000e+00, v49  }
0x136: {  	v19 =	vmov v21;
	v56 =	vld [tilespmem:s29+$0x10];
	v2 =	vmul.f32 $8.000000000e+00, v37;
	[tilespmem:v50+s16+$0x0] =	vst.idx.msk $0xffff, v57  }
0x137: {  	v62 =	vadd.s32 v21, v46;
	v21 =	vadd.s32 v23, v43;
	v50 =	vld [tilespmem:s29+$0xFFFFFF20];
	[tilespmem:v53+s16+$0x0] =	vst.idx.msk $0xffff, v3;
	v3 =	vmul.f32 $8.000000000e+00, v54  }
0x138: {  	v63 =	vld [tilespmem:s29+$0x90];
	[tilespmem:v35+s16+$0x0] =	vst.idx.msk $0xffff, v2;
	v2 =	vmul.f32 $8.000000000e+00, v51  }
0x139: {  	v41 =	vadd.s32 v5, v38;
	[tilespmem:v59+s16+$0x0] =	vst.idx.msk $0xffff, v3;
	v35 =	vld [tilespmem:s29+$0xE0]  }
0x13a: {  	v36 =	vadd.s32 v27, v42;
	v24 =	vmov v23;
	v23 =	vld [tilespmem:s29+$0xFFFFFF60];
	v3 =	vmul.f32 $8.000000000e+00, v60;
	[tilespmem:v55+s16+$0x0] =	vst.idx.msk $0xffff, v2  }
0x13b: {  	v34 =	vadd.s32 v32, v0;
	v2 =	vmul.f32 $8.000000000e+00, v56;
	v51 =	vld [tilespmem:s29+$0xFFFFFFA0]  }
0x13c: {  	v37 =	vadd.s32 v9, v47;
	[tilespmem:v21+s16+$0x0] =	vst.idx.msk $0xffff, v3;
	v57 =	vmul.f32 $8.000000000e+00, v50  }
0x13d: {  	v40 =	vadd.s32 v13, v44;
	[tilespmem:v62+s16+$0x0] =	vst.idx.msk $0xffff, v2;
	v2 =	vmul.f32 $8.000000000e+00, v63  }
0x13e: {  	[tilespmem:v41+s16+$0x0] =	vst.idx.msk $0xffff, v57;
	v3 =	vmul.f32 $8.000000000e+00, v35  }
0x13f: {  	[tilespmem:v36+s16+$0x0] =	vst.idx.msk $0xffff, v2;
	v2 =	vmul.f32 $8.000000000e+00, v23  }
0x140: {  	v39 =	vld [tilespmem:s29+$0xFFFFFFE0];
	[tilespmem:v34+s16+$0x0] =	vst.idx.msk $0xffff, v3;
	v3 =	vmul.f32 $8.000000000e+00, v51  }
0x141: {  	[tilespmem:v37+s16+$0x0] =	vst.idx.msk $0xffff, v2  }
0x142: {  	v35 =	vadd.s32 v17, v45;
	[tilespmem:v40+s16+$0x0] =	vst.idx.msk $0xffff, v3  }
0x143: {  	v53 =	vmov v5;
	v5 =	vld [tilespmem:$0x1FEA0];
	_ =	sdelay $0x1  }
0x144: {  	v21 =	vld [tilespmem:s29+$0x60];
	v2 =	vmul.f32 $8.000000000e+00, v39  }
0x145: {  	v49 =	vld [tilespmem:s29+$0x20]  }
0x146: {  	v23 =	vld [tilespmem:s29+$0xA0];
	[tilespmem:v35+s16+$0x0] =	vst.idx.msk $0xffff, v2  }
0x147: {  	v54 =	vmov v22;
	v22 =	vadd.s32 v22, v46;
	v0 =	vadd.s32 v5, v0;
	v5 =	vld [tilespmem:$0x1FFF0]  }
0x148: {  	v52 =	vadd.s32 v25, v43;
	v41 =	vld [tilespmem:s29+$0xFFFFFF30]  }
0x149: {  	v55 =	vadd.s32 v29, v42;
	v34 =	vld [tilespmem:s29+$0xF0]  }
0x14a: {  	v38 =	vadd.s32 v6, v38;
	v57 =	vld [tilespmem:s29+$0xFFFFFF70];
	v3 =	vmul.f32 $8.000000000e+00, v49  }
0x14b: {  	v40 =	vld [tilespmem:s29+$0xFFFFFFB0];
	v2 =	vmul.f32 $8.000000000e+00, v21  }
0x14c: {  	v63 =	vld [tilespmem:s29+$0xFFFFFFF0];
	[tilespmem:v22+s16+$0x0] =	vst.idx.msk $0xffff, v3;
	v3 =	vmul.f32 $8.000000000e+00, v23;
	v35 =	vadd.s32 v5, v47  }
0x14d: {  	v21 =	vadd.s32 v10, v44;
	[tilespmem:v52+s16+$0x0] =	vst.idx.msk $0xffff, v2;
	v23 =	vmul.f32 $8.000000000e+00, v41;
	v22 =	vld [tilespmem:s29+$0x30]  }
0x14e: {  	v48 =	vadd.s32 v14, v45;
	v2 =	vmul.f32 $8.000000000e+00, v34;
	v52 =	vld [tilespmem:s29+$0x70];
	[tilespmem:v55+s16+$0x0] =	vst.idx.msk $0xffff, v3  }
0x14f: {  	v3 =	vmul.f32 $8.000000000e+00, v57;
	v55 =	vadd.s32 v18, v46;
	[tilespmem:v38+s16+$0x0] =	vst.idx.msk $0xffff, v23;
	v57 =	vld [tilespmem:s29+$0xB0]  }
0x150: {  	[tilespmem:v0+s16+$0x0] =	vst.idx.msk $0xffff, v2;
	v0 =	vmul.f32 $8.000000000e+00, v40;
	v2 =	vadd.s32 v31, v43  }
0x151: {  	s20 =	sadd.s32 s20, s5;
	[tilespmem:v35+s16+$0x0] =	vst.idx.msk $0xffff, v3;
	v3 =	vmul.f32 $8.000000000e+00, v63;
	v63 =	vadd.s32 v26, v42  }
0x152: {  	s20 =	sadd.s32 $0x1, s20;
	[tilespmem:v21+s16+$0x0] =	vst.idx.msk $0xffff, v0;
	v0 =	vmul.f32 $8.000000000e+00, v22  }
0x153: {  	s30 =	sshll.u32 s20, $0x4;
	[tilespmem:v48+s16+$0x0] =	vst.idx.msk $0xffff, v3;
	v3 =	vmul.f32 $8.000000000e+00, v52  }
0x154: {  	v58 =	vmov v14;
	s20 =	sshll.u32 s20, $0xA;
	s21 =	sand.u32 $0x7F0, s30;
	[tilespmem:v55+s16+$0x0] =	vst.idx.msk $0xffff, v0;
	v0 =	vmul.f32 $8.000000000e+00, v57  }
0x155: {  	s20 =	sand.u32 $0xFFE0000, s20;
	v14 =	vmovc v31;
	v11 =	vmovc v8;
	s21 =	sadd.s32 s4, s21;
	v15 =	vmov v12;
	v30 =	vmov v32;
	v28 =	vmov v27;
	[tilespmem:v2+s16+$0x0] =	vst.idx.msk $0xffff, v3  }
0x156: {  	s31 =	simm.s32 $0xC600;
	s20 =	sadd.s32 s20, s21;
	s21 =	simm.s32 $0x220;
	v61 =	vmovc v16;
	v4 =	vmovc v7;
	v59 =	vmov v13;
	v60 =	vmov v29;
	v56 =	vmov v9;
	[tilespmem:v63+s16+$0x0] =	vst.idx.msk $0xffff, v0  }
0x157: {  	v62 =	vmovc v17;
	v51 =	vmovc v25;
	v49 =	vmov v6;
	v18 =	vmov v20;
	v50 =	vmov v5;
	[hbm4b:s20+s2] =	stream.linear.scatter [tilespmem:s31], [sflag:$0x4], $0x80, $0x38;
	[tilespmem:$0xE800] =	vst v63  }
.LBB2_13:
0x158: {  	p0 =	sne.s32 s21, $0x85E0  }
.Ltmp8:
0x159: {  	_ = 	snop;
	(pc) =	sbr.rel @p0 .LBB2_13-.Ltmp8, $4  }
0x15a: {  	_ = 	snop  }
0x15b: {  	s22 =	sshra.s32 s21, $0x2;
	s21 =	sadd.s32 $0x220, s21  }
0x15c: {  	s20 =	sadd.s32 $0x800, s20;
	s22 =	sadd.s32 $0xC600, s22  }
0x15d: {  	[hbm4b:s20+s2] =	stream.linear.scatter [tilespmem:s22], [sflag:$0x4], $0x80, $0x38;
	[tilespmem:$0xE800] =	vst v63  }
0x15e: {  	p0 =	seq.s32 s19, $0x63  }
.Ltmp9:
0x15f: {  	_ = 	snop;
	(pc) =	sbr.rel @p0 .LBB2_16-.Ltmp9, $1  }
0x160: {  	_ =	sdelay $0x3  }
0x161: {  	v5 =	vld [tilespmem:$0x1FF00]  }
0x162: {  	v7 =	vld [tilespmem:$0x1FF10]  }
0x163: {  	v8 =	vmov v11;
	v11 =	vld [tilespmem:$0x1FF20]  }
.Ltmp10:
0x164: {  	v16 =	vld [tilespmem:$0x1FF30];
	(pc) =	sbr.rel .LBB2_2-.Ltmp10, $4  }
0x165: {  	s20 =	sshll.u32 s19, $0x8;
	v21 =	vld [tilespmem:$0x1FF40]  }
0x166: {  	v26 =	vmov v58;
	v3 =	vmov v53;
	v23 =	vld [tilespmem:$0x1FF50];
	s20 =	sand.u32 $0x3FFFFF00, s20  }
0x167: {  	s19 =	sadd.s32 $0x1, s19;
	v6 =	vmovc v49;
	v9 =	vmovc v56;
	v10 =	vmov v50;
	v12 =	vmov v15;
	v13 =	vmov v59;
	v27 =	vld [tilespmem:$0x1FF60];
	s20 =	sadd.s32 $0x180, s20  }
0x168: {  	v15 =	vmovc v61;
	v17 =	vmovc v62;
	v22 =	vmov v54;
	v25 =	vmov v51;
	v29 =	vmov v60;
	v32 =	vld [tilespmem:$0x1FF70];
	[tilespmem:s11], [sflag:$0x2] =	stream.indirect.gather [hbm4b:s3+s9], $0x40, s20, s9, $0xb8  }
.LBB2_17:
0x169: {  	_ =	sfence.sel $0x180000  }
0x16a: {  	[bflag:$0x0] =	sbarrier.arrive $0xFFFF  }
0x16b: {  	p0 =	sne.s32 s1, $0x0;
	_ =	strace $0x9000004A  }
0x16c: {  	s0 =	sadd.s32 @!p0 $0x100000, s0;
	[bflag:$0x2] =	sbarrier.arrive $0xFFFF  }
0x16d: {  	[sflag:s0] =	ssyncadd.tile.s32 @!p0 $0x1;
	_ =	shalt  }
.Lfunc_end2:
_tile_overlayer_lowered:
.L_overlay_start_2:
0x16e: {  	(tag) =	ssettag $0x2  }
0x16f: {  	s0 =	rddreg [dreg:$0x0];
	s2 =	stileid.u32  }
0x170: {  	s1 =	rddreg [dreg:$0x1];
	p0 =	sne.s32 s2, $0x0  }
0x171: {  	s3 =	rddreg [dreg:$0x2];
	[bflag:$0x3] =	sbarrier.arrive $0xFFFF;
	s2 =	simm.s32 @!p0 $0x1C05  }
0x172: {  	[timem:s3], [sflag:s2] =	dma.local @!p0 [hbm:s0], s1  }
0x173: {  	s0 =	simm.s32 @!p0 $0x5  }
0x174: {  	_ =	swait.ge @!p0 [sflag:s0], s1  }
0x175: {  	s1 =	ssub.s32 @!p0 $0x0, s1;
	[sflag:s0] =	ssyncset.done @!p0 $0x0  }
0x176: {  	[sflag:s0] =	ssyncadd.s32 @!p0 s1  }
0x177: {  	[bflag:$0x3] =	sbarrier.arrive $0xFFFF  }
0x178: {  	_ =	shalt  }

</sc_bundles>
